<compile_context>
chip_gen: v7x
topology: tpu7x:2x2x1
jax: 0.10.2.dev20260603
libtpu: 0.0.44.dev20260713+nightly
codegen_flags: <defaults>
</compile_context>

<pallas_src>
import functools
import math

import jax
import jax.numpy as jnp
from jax import lax
from jax.experimental import pallas as pl
from jax.experimental.pallas import tpu as pltpu
from jax.experimental.pallas import tpu_sc as plsc

EMB = 64
ROW = 128
LANES = 16
CHUNK = 64
NBUF = 8
AHEAD = NBUF - 2


@functools.lru_cache(maxsize=None)
def _build(n_rows: int, n_words: int):
    info = plsc.get_sparse_core_info()
    nc, ns = info.num_cores, info.num_subcores
    nw = nc * ns
    rpw = n_rows // nw
    chunks = rpw // CHUNK
    assert rpw % CHUNK == 0 and chunks % NBUF == 0
    outer = chunks // NBUF
    idx_rows = rpw // 128

    mesh = plsc.VectorSubcoreMesh(core_axis_name="c", subcore_axis_name="s")

    @functools.partial(
        pl.kernel,
        out_type=jax.ShapeDtypeStruct((n_rows, ROW), jnp.float32),
        mesh=mesh,
        scratch_types=[
            pltpu.VMEM((idx_rows, 128), jnp.int32),
            pltpu.VMEM((NBUF, CHUNK, ROW), jnp.float32),
            pltpu.VMEM((EMB,), jnp.float32),
            pltpu.SemaphoreType.DMA((NBUF,)),
            pltpu.SemaphoreType.DMA((NBUF,)),
        ],
    )
    def emb_kernel(tok_hbm, table_hbm, pos_hbm, out_hbm, idx_all, bufs, pos_v,
                   gsem, ssem):
        wid = lax.axis_index("s") * nc + lax.axis_index("c")
        base_row = wid * rpw
        base128 = wid * idx_rows

        pltpu.sync_copy(pos_hbm, pos_v)
        p = [pos_v[pl.ds(q * LANES, LANES)] for q in range(EMB // LANES)]
        pltpu.sync_copy(tok_hbm.at[pl.ds(base128, idx_rows)], idx_all)

        def idx_slice(c):
            if CHUNK == 128:
                return idx_all.at[c]
            per = 128 // CHUNK
            return idx_all.at[c // per, pl.ds((c % per) * CHUNK, CHUNK)]

        def gather(c, b):
            pltpu.async_copy(table_hbm.at[idx_slice(c)], bufs.at[b], gsem.at[b])

        def gather_wait(c, b):
            pltpu.make_async_copy(
                table_hbm.at[idx_slice(c)], bufs.at[b], gsem.at[b]).wait()

        def store(c, b):
            pltpu.async_copy(
                bufs.at[b], out_hbm.at[pl.ds(base_row + c * CHUNK, CHUNK)],
                ssem.at[b])

        def store_wait(b):
            pltpu.make_async_copy(
                bufs.at[b], out_hbm.at[pl.ds(base_row, CHUNK)],
                ssem.at[b]).wait()

        for f in range(AHEAD):
            gather(f, f)

        def outer_body(o, carry):
            for b in range(NBUF):
                t = o * NBUF + b
                f = t + AHEAD
                fb = (b + AHEAD) % NBUF

                @pl.when(t > 1)
                def _wait_store():
                    store_wait(fb)

                @pl.when(f < chunks)
                def _issue_gather():
                    gather(f, fb)

                gather_wait(t, b)

                def row_body(i, c):
                    for u in range(2):
                        for q in range(EMB // LANES):
                            sl = (b, i * 2 + u, pl.ds(q * LANES, LANES))
                            bufs[sl] = bufs[sl] + p[q]
                    return c

                lax.fori_loop(0, CHUNK // 2, row_body, 0)
                store(t, b)
            return carry

        lax.fori_loop(0, outer, outer_body, 0)

        for k in range(chunks - (NBUF - AHEAD), chunks):
            store_wait(k % NBUF)

    return emb_kernel


def kernel(tokens, table):
    t_dim, b_dim = tokens.shape
    n_rows = t_dim * b_dim
    n_words, emb = table.shape

    den = jnp.exp(-jnp.arange(0, emb, 2, dtype=jnp.float32) * math.log(10000.0) / emb)
    pos = jnp.zeros((emb,), dtype=jnp.float32)
    pos = pos.at[0::2].set(jnp.sin(t_dim * den))
    pos = pos.at[1::2].set(jnp.cos(t_dim * den))

    tok = tokens.reshape(n_rows // 128, 128).astype(jnp.int32)
    table_p = jnp.pad(table, ((0, 0), (0, ROW - emb)))
    out = _build(n_rows, n_words)(tok, table_p, pos)
    return out[:, :emb].reshape(t_dim, b_dim, emb)

# --- scband reference (transcript-rebuilt; emitter-appended) ---
"""Pipeline reference for scband-token-embedding-40673340293470 (READ-ONLY COPY).

The authoritative reference and input builder live on the scoring server;
editing this copy changes nothing except your own understanding.
"""

import jax, jax.numpy as jnp
import numpy as np
import math

N_WORDS = 1000000
EMB_SIZE = 64
T = 200
B = 4096

def setup_inputs(seed: int = 0) -> dict:
    key = jax.random.key(seed)
    k_tok, k_tab = jax.random.split(key)
    tokens = jax.random.randint(k_tok, (T, B), 0, N_WORDS, dtype=jnp.int64 if jax.config.jax_enable_x64 else jnp.int32)
    table = jax.random.normal(k_tab, (N_WORDS, EMB_SIZE), dtype=jnp.float32)
    return {"tokens": tokens, "table": table}

def reference(tokens, table):
    emb_size = EMB_SIZE
    Tdim, Bdim = tokens.shape
    den = jnp.exp(-jnp.arange(0, emb_size, 2, dtype=jnp.float32) * math.log(10000.0) / emb_size)
    pos_embedding = jnp.zeros((Tdim, emb_size), dtype=jnp.float32)
    pos_embedding = pos_embedding.at[:, 0::2].set(jnp.sin(Tdim * den))
    pos_embedding = pos_embedding.at[:, 1::2].set(jnp.cos(Tdim * den))
    pos_embedding = pos_embedding[:, None, :]
    word_embedding = jnp.take(table, tokens, axis=0)
    return pos_embedding + word_embedding

if __name__ == "__main__":
    import jax
    _d = setup_inputs()
    print(jax.jit(kernel)(*tuple(_d.values())))

</pallas_src>

<mosaic_0001>
#map = affine_map<(d0, d1) -> (0, 0)>
#map1 = affine_map<(d0, d1) -> (0)>
module attributes {stable_mosaic.version = 14 : i64} {
  func.func @emb_kernel(%arg0: i32, %arg1: i32, %arg2: memref<6400x128xi32, #tpu.memory_space<hbm>>, %arg3: memref<1000000x128xf32, #tpu.memory_space<hbm>>, %arg4: memref<64xf32, #tpu.memory_space<hbm>>, %arg5: memref<819200x128xf32, #tpu.memory_space<hbm>>, %arg6: memref<200x128xi32, #tpu.memory_space<vmem>>, %arg7: memref<8x64x128xf32, #tpu.memory_space<vmem>>, %arg8: memref<64xf32, #tpu.memory_space<vmem>>, %arg9: memref<8x!tpu.dma_semaphore, #tpu.memory_space<semaphore_mem>>, %arg10: memref<8x!tpu.dma_semaphore, #tpu.memory_space<semaphore_mem>>) attributes {dimension_semantics = [#tpu.dimension_semantics<core_parallel>, #tpu.dimension_semantics<subcore_parallel>], iteration_bounds = array<i64: 2, 16>, scalar_prefetch = 0 : i64, scratch_operands = 5 : i64, tpu.core_type = #tpu.core_type<sc_vector_subcore>, window_params = [{transform_indices = #map}, {transform_indices = #map}, {transform_indices = #map1}, {transform_indices = #map}]} {
    %mul3A = arith.constant 2 : i32
    %mul3A_0 = arith.muli %arg1, %mul3A : i32
    %add3A = arith.addi %mul3A_0, %arg0 : i32
    %mul3A_1 = arith.constant 25600 : i32
    %mul3A_2 = arith.muli %add3A, %mul3A_1 : i32
    %mul3A_3 = arith.constant 200 : i32
    %mul3A_4 = arith.muli %add3A, %mul3A_3 : i32
    "tpu.region"() ({
      %run_scoped3A = tpu.sem_alloc : memref<!tpu.dma_semaphore, #tpu.memory_space<semaphore_mem>>
      tpu.enqueue_dma source(%arg4 : memref<64xf32, #tpu.memory_space<hbm>>) target(%arg8 : memref<64xf32, #tpu.memory_space<vmem>>) target_semaphore(%run_scoped3A : memref<!tpu.dma_semaphore, #tpu.memory_space<semaphore_mem>>)
      tpu.wait_dma2 semaphore(%run_scoped3A : memref<!tpu.dma_semaphore, #tpu.memory_space<semaphore_mem>>) src(%arg4 : memref<64xf32, #tpu.memory_space<hbm>>) dst(%arg8 : memref<64xf32, #tpu.memory_space<vmem>>)
      tpu.yield
    }) : () -> ()
    %get3A = arith.constant 0 : index
    %get3A_5 = tpu.vector_load %arg8[%get3A] {strides = array<i32>} : memref<64xf32, #tpu.memory_space<vmem>>, vector<16xf32>,
    %get3A_6 = vector.shape_cast %get3A_5 : vector<16xf32> to vector<16xf32>
    %get3A_7 = arith.constant 16 : index
    %get3A_8 = tpu.vector_load %arg8[%get3A_7] {strides = array<i32>} : memref<64xf32, #tpu.memory_space<vmem>>, vector<16xf32>,
    %get3A_9 = vector.shape_cast %get3A_8 : vector<16xf32> to vector<16xf32>
    %get3A_10 = arith.constant 32 : index
    %get3A_11 = tpu.vector_load %arg8[%get3A_10] {strides = array<i32>} : memref<64xf32, #tpu.memory_space<vmem>>, vector<16xf32>,
    %get3A_12 = vector.shape_cast %get3A_11 : vector<16xf32> to vector<16xf32>
    %get3A_13 = arith.constant 48 : index
    %get3A_14 = tpu.vector_load %arg8[%get3A_13] {strides = array<i32>} : memref<64xf32, #tpu.memory_space<vmem>>, vector<16xf32>,
    %get3A_15 = vector.shape_cast %get3A_14 : vector<16xf32> to vector<16xf32>
    "tpu.region"() ({
      %run_scoped3A = tpu.sem_alloc : memref<!tpu.dma_semaphore, #tpu.memory_space<semaphore_mem>>
      %dma_start3A_141 = arith.constant 0 : i32
      %dma_start3A_142 = tpu.memref_slice %arg2[%mul3A_4, %dma_start3A_141] : memref<6400x128xi32, #tpu.memory_space<hbm>> -> memref<200x128xi32, #tpu.memory_space<hbm>>
      %dma_start3A_143 = arith.constant 0 : i32
      %dma_start3A_144 = tpu.memref_slice %arg2[%mul3A_4, %dma_start3A_143] : memref<6400x128xi32, #tpu.memory_space<hbm>> -> memref<200x128xi32, #tpu.memory_space<hbm>>
      tpu.enqueue_dma source(%dma_start3A_144 : memref<200x128xi32, #tpu.memory_space<hbm>>) target(%arg6 : memref<200x128xi32, #tpu.memory_space<vmem>>) target_semaphore(%run_scoped3A : memref<!tpu.dma_semaphore, #tpu.memory_space<semaphore_mem>>)
      %dma_wait3A_145 = arith.constant 0 : i32
      %dma_wait3A_146 = tpu.memref_slice %arg2[%mul3A_4, %dma_wait3A_145] : memref<6400x128xi32, #tpu.memory_space<hbm>> -> memref<200x128xi32, #tpu.memory_space<hbm>>
      %dma_wait3A_147 = arith.constant 0 : i32
      %dma_wait3A_148 = tpu.memref_slice %arg2[%mul3A_4, %dma_wait3A_147] : memref<6400x128xi32, #tpu.memory_space<hbm>> -> memref<200x128xi32, #tpu.memory_space<hbm>>
      tpu.wait_dma2 semaphore(%run_scoped3A : memref<!tpu.dma_semaphore, #tpu.memory_space<semaphore_mem>>) src(%dma_wait3A_148 : memref<200x128xi32, #tpu.memory_space<hbm>>) dst(%arg6 : memref<200x128xi32, #tpu.memory_space<vmem>>)
      tpu.yield
    }) : () -> ()
    %dma_start3A = arith.constant 0 : i32
    %dma_start3A_16 = arith.constant 0 : i32
    %dma_start3A_17 = arith.constant 0 : i32
    %dma_start3A_18 = arith.constant 0 : i32
    %dma_start3A_19 = arith.constant 0 : i32
    %dma_start3A_20 = tpu.memref_slice %arg7[%dma_start3A_16, %dma_start3A_18, %dma_start3A_19] : memref<8x64x128xf32, #tpu.memory_space<vmem>> -> memref<1x64x128xf32, #tpu.memory_space<vmem>>
    %dma_start3A_21 = tpu.memref_squeeze %dma_start3A_20 : memref<1x64x128xf32, #tpu.memory_space<vmem>> -> memref<64x128xf32, #tpu.memory_space<vmem>>
    %dma_start3A_22 = arith.constant 0 : i32
    %dma_start3A_23 = tpu.memref_slice %arg6[%dma_start3A, %dma_start3A_22] : memref<200x128xi32, #tpu.memory_space<vmem>> -> memref<1x64xi32, #tpu.memory_space<vmem>>
    %dma_start3A_24 = tpu.memref_squeeze %dma_start3A_23 : memref<1x64xi32, #tpu.memory_space<vmem>> -> memref<64xi32, #tpu.memory_space<vmem>>
    %dma_start3A_25 = arith.constant 0 : i32
    %dma_start3A_26 = arith.constant 0 : i32
    %dma_start3A_27 = tpu.memref_slice %arg3[%dma_start3A_25, %dma_start3A_26] : memref<1000000x128xf32, #tpu.memory_space<hbm>> -> memref<1000000x128xf32, #tpu.memory_space<hbm>>
    %dma_start3A_28 = tpu.memref_slice %arg9[%dma_start3A_17] : memref<8x!tpu.dma_semaphore, #tpu.memory_space<semaphore_mem>> -> memref<1x!tpu.dma_semaphore, #tpu.memory_space<semaphore_mem>>
    %dma_start3A_29 = tpu.memref_squeeze %dma_start3A_28 : memref<1x!tpu.dma_semaphore, #tpu.memory_space<semaphore_mem>> -> memref<!tpu.dma_semaphore, #tpu.memory_space<semaphore_mem>>
    tpu.enqueue_indirect_dma source(%dma_start3A_27 : memref<1000000x128xf32, #tpu.memory_space<hbm>>) target(%dma_start3A_21 : memref<64x128xf32, #tpu.memory_space<vmem>>) offsets(%dma_start3A_24 : memref<64xi32, #tpu.memory_space<vmem>>) semaphore(%dma_start3A_29 : memref<!tpu.dma_semaphore, #tpu.memory_space<semaphore_mem>>)
    %dma_start3A_30 = arith.constant 0 : i32
    %dma_start3A_31 = arith.constant 1 : i32
    %dma_start3A_32 = arith.constant 1 : i32
    %dma_start3A_33 = arith.constant 0 : i32
    %dma_start3A_34 = arith.constant 0 : i32
    %dma_start3A_35 = tpu.memref_slice %arg7[%dma_start3A_31, %dma_start3A_33, %dma_start3A_34] : memref<8x64x128xf32, #tpu.memory_space<vmem>> -> memref<1x64x128xf32, #tpu.memory_space<vmem>>
    %dma_start3A_36 = tpu.memref_squeeze %dma_start3A_35 : memref<1x64x128xf32, #tpu.memory_space<vmem>> -> memref<64x128xf32, #tpu.memory_space<vmem>>
    %dma_start3A_37 = arith.constant 64 : i32
    %dma_start3A_38 = tpu.memref_slice %arg6[%dma_start3A_30, %dma_start3A_37] : memref<200x128xi32, #tpu.memory_space<vmem>> -> memref<1x64xi32, #tpu.memory_space<vmem>>
    %dma_start3A_39 = tpu.memref_squeeze %dma_start3A_38 : memref<1x64xi32, #tpu.memory_space<vmem>> -> memref<64xi32, #tpu.memory_space<vmem>>
    %dma_start3A_40 = arith.constant 0 : i32
    %dma_start3A_41 = arith.constant 0 : i32
    %dma_start3A_42 = tpu.memref_slice %arg3[%dma_start3A_40, %dma_start3A_41] : memref<1000000x128xf32, #tpu.memory_space<hbm>> -> memref<1000000x128xf32, #tpu.memory_space<hbm>>
    %dma_start3A_43 = tpu.memref_slice %arg9[%dma_start3A_32] : memref<8x!tpu.dma_semaphore, #tpu.memory_space<semaphore_mem>> -> memref<1x!tpu.dma_semaphore, #tpu.memory_space<semaphore_mem>>
    %dma_start3A_44 = tpu.memref_squeeze %dma_start3A_43 : memref<1x!tpu.dma_semaphore, #tpu.memory_space<semaphore_mem>> -> memref<!tpu.dma_semaphore, #tpu.memory_space<semaphore_mem>>
    tpu.enqueue_indirect_dma source(%dma_start3A_42 : memref<1000000x128xf32, #tpu.memory_space<hbm>>) target(%dma_start3A_36 : memref<64x128xf32, #tpu.memory_space<vmem>>) offsets(%dma_start3A_39 : memref<64xi32, #tpu.memory_space<vmem>>) semaphore(%dma_start3A_44 : memref<!tpu.dma_semaphore, #tpu.memory_space<semaphore_mem>>)
    %dma_start3A_45 = arith.constant 1 : i32
    %dma_start3A_46 = arith.constant 2 : i32
    %dma_start3A_47 = arith.constant 2 : i32
    %dma_start3A_48 = arith.constant 0 : i32
    %dma_start3A_49 = arith.constant 0 : i32
    %dma_start3A_50 = tpu.memref_slice %arg7[%dma_start3A_46, %dma_start3A_48, %dma_start3A_49] : memref<8x64x128xf32, #tpu.memory_space<vmem>> -> memref<1x64x128xf32, #tpu.memory_space<vmem>>
    %dma_start3A_51 = tpu.memref_squeeze %dma_start3A_50 : memref<1x64x128xf32, #tpu.memory_space<vmem>> -> memref<64x128xf32, #tpu.memory_space<vmem>>
    %dma_start3A_52 = arith.constant 0 : i32
    %dma_start3A_53 = tpu.memref_slice %arg6[%dma_start3A_45, %dma_start3A_52] : memref<200x128xi32, #tpu.memory_space<vmem>> -> memref<1x64xi32, #tpu.memory_space<vmem>>
    %dma_start3A_54 = tpu.memref_squeeze %dma_start3A_53 : memref<1x64xi32, #tpu.memory_space<vmem>> -> memref<64xi32, #tpu.memory_space<vmem>>
    %dma_start3A_55 = arith.constant 0 : i32
    %dma_start3A_56 = arith.constant 0 : i32
    %dma_start3A_57 = tpu.memref_slice %arg3[%dma_start3A_55, %dma_start3A_56] : memref<1000000x128xf32, #tpu.memory_space<hbm>> -> memref<1000000x128xf32, #tpu.memory_space<hbm>>
    %dma_start3A_58 = tpu.memref_slice %arg9[%dma_start3A_47] : memref<8x!tpu.dma_semaphore, #tpu.memory_space<semaphore_mem>> -> memref<1x!tpu.dma_semaphore, #tpu.memory_space<semaphore_mem>>
    %dma_start3A_59 = tpu.memref_squeeze %dma_start3A_58 : memref<1x!tpu.dma_semaphore, #tpu.memory_space<semaphore_mem>> -> memref<!tpu.dma_semaphore, #tpu.memory_space<semaphore_mem>>
    tpu.enqueue_indirect_dma source(%dma_start3A_57 : memref<1000000x128xf32, #tpu.memory_space<hbm>>) target(%dma_start3A_51 : memref<64x128xf32, #tpu.memory_space<vmem>>) offsets(%dma_start3A_54 : memref<64xi32, #tpu.memory_space<vmem>>) semaphore(%dma_start3A_59 : memref<!tpu.dma_semaphore, #tpu.memory_space<semaphore_mem>>)
    %dma_start3A_60 = arith.constant 1 : i32
    %dma_start3A_61 = arith.constant 3 : i32
    %dma_start3A_62 = arith.constant 3 : i32
    %dma_start3A_63 = arith.constant 0 : i32
    %dma_start3A_64 = arith.constant 0 : i32
    %dma_start3A_65 = tpu.memref_slice %arg7[%dma_start3A_61, %dma_start3A_63, %dma_start3A_64] : memref<8x64x128xf32, #tpu.memory_space<vmem>> -> memref<1x64x128xf32, #tpu.memory_space<vmem>>
    %dma_start3A_66 = tpu.memref_squeeze %dma_start3A_65 : memref<1x64x128xf32, #tpu.memory_space<vmem>> -> memref<64x128xf32, #tpu.memory_space<vmem>>
    %dma_start3A_67 = arith.constant 64 : i32
    %dma_start3A_68 = tpu.memref_slice %arg6[%dma_start3A_60, %dma_start3A_67] : memref<200x128xi32, #tpu.memory_space<vmem>> -> memref<1x64xi32, #tpu.memory_space<vmem>>
    %dma_start3A_69 = tpu.memref_squeeze %dma_start3A_68 : memref<1x64xi32, #tpu.memory_space<vmem>> -> memref<64xi32, #tpu.memory_space<vmem>>
    %dma_start3A_70 = arith.constant 0 : i32
    %dma_start3A_71 = arith.constant 0 : i32
    %dma_start3A_72 = tpu.memref_slice %arg3[%dma_start3A_70, %dma_start3A_71] : memref<1000000x128xf32, #tpu.memory_space<hbm>> -> memref<1000000x128xf32, #tpu.memory_space<hbm>>
    %dma_start3A_73 = tpu.memref_slice %arg9[%dma_start3A_62] : memref<8x!tpu.dma_semaphore, #tpu.memory_space<semaphore_mem>> -> memref<1x!tpu.dma_semaphore, #tpu.memory_space<semaphore_mem>>
    %dma_start3A_74 = tpu.memref_squeeze %dma_start3A_73 : memref<1x!tpu.dma_semaphore, #tpu.memory_space<semaphore_mem>> -> memref<!tpu.dma_semaphore, #tpu.memory_space<semaphore_mem>>
    tpu.enqueue_indirect_dma source(%dma_start3A_72 : memref<1000000x128xf32, #tpu.memory_space<hbm>>) target(%dma_start3A_66 : memref<64x128xf32, #tpu.memory_space<vmem>>) offsets(%dma_start3A_69 : memref<64xi32, #tpu.memory_space<vmem>>) semaphore(%dma_start3A_74 : memref<!tpu.dma_semaphore, #tpu.memory_space<semaphore_mem>>)
    %dma_start3A_75 = arith.constant 2 : i32
    %dma_start3A_76 = arith.constant 4 : i32
    %dma_start3A_77 = arith.constant 4 : i32
    %dma_start3A_78 = arith.constant 0 : i32
    %dma_start3A_79 = arith.constant 0 : i32
    %dma_start3A_80 = tpu.memref_slice %arg7[%dma_start3A_76, %dma_start3A_78, %dma_start3A_79] : memref<8x64x128xf32, #tpu.memory_space<vmem>> -> memref<1x64x128xf32, #tpu.memory_space<vmem>>
    %dma_start3A_81 = tpu.memref_squeeze %dma_start3A_80 : memref<1x64x128xf32, #tpu.memory_space<vmem>> -> memref<64x128xf32, #tpu.memory_space<vmem>>
    %dma_start3A_82 = arith.constant 0 : i32
    %dma_start3A_83 = tpu.memref_slice %arg6[%dma_start3A_75, %dma_start3A_82] : memref<200x128xi32, #tpu.memory_space<vmem>> -> memref<1x64xi32, #tpu.memory_space<vmem>>
    %dma_start3A_84 = tpu.memref_squeeze %dma_start3A_83 : memref<1x64xi32, #tpu.memory_space<vmem>> -> memref<64xi32, #tpu.memory_space<vmem>>
    %dma_start3A_85 = arith.constant 0 : i32
    %dma_start3A_86 = arith.constant 0 : i32
    %dma_start3A_87 = tpu.memref_slice %arg3[%dma_start3A_85, %dma_start3A_86] : memref<1000000x128xf32, #tpu.memory_space<hbm>> -> memref<1000000x128xf32, #tpu.memory_space<hbm>>
    %dma_start3A_88 = tpu.memref_slice %arg9[%dma_start3A_77] : memref<8x!tpu.dma_semaphore, #tpu.memory_space<semaphore_mem>> -> memref<1x!tpu.dma_semaphore, #tpu.memory_space<semaphore_mem>>
    %dma_start3A_89 = tpu.memref_squeeze %dma_start3A_88 : memref<1x!tpu.dma_semaphore, #tpu.memory_space<semaphore_mem>> -> memref<!tpu.dma_semaphore, #tpu.memory_space<semaphore_mem>>
    tpu.enqueue_indirect_dma source(%dma_start3A_87 : memref<1000000x128xf32, #tpu.memory_space<hbm>>) target(%dma_start3A_81 : memref<64x128xf32, #tpu.memory_space<vmem>>) offsets(%dma_start3A_84 : memref<64xi32, #tpu.memory_space<vmem>>) semaphore(%dma_start3A_89 : memref<!tpu.dma_semaphore, #tpu.memory_space<semaphore_mem>>)
    %dma_start3A_90 = arith.constant 2 : i32
    %dma_start3A_91 = arith.constant 5 : i32
    %dma_start3A_92 = arith.constant 5 : i32
    %dma_start3A_93 = arith.constant 0 : i32
    %dma_start3A_94 = arith.constant 0 : i32
    %dma_start3A_95 = tpu.memref_slice %arg7[%dma_start3A_91, %dma_start3A_93, %dma_start3A_94] : memref<8x64x128xf32, #tpu.memory_space<vmem>> -> memref<1x64x128xf32, #tpu.memory_space<vmem>>
    %dma_start3A_96 = tpu.memref_squeeze %dma_start3A_95 : memref<1x64x128xf32, #tpu.memory_space<vmem>> -> memref<64x128xf32, #tpu.memory_space<vmem>>
    %dma_start3A_97 = arith.constant 64 : i32
    %dma_start3A_98 = tpu.memref_slice %arg6[%dma_start3A_90, %dma_start3A_97] : memref<200x128xi32, #tpu.memory_space<vmem>> -> memref<1x64xi32, #tpu.memory_space<vmem>>
    %dma_start3A_99 = tpu.memref_squeeze %dma_start3A_98 : memref<1x64xi32, #tpu.memory_space<vmem>> -> memref<64xi32, #tpu.memory_space<vmem>>
    %dma_start3A_100 = arith.constant 0 : i32
    %dma_start3A_101 = arith.constant 0 : i32
    %dma_start3A_102 = tpu.memref_slice %arg3[%dma_start3A_100, %dma_start3A_101] : memref<1000000x128xf32, #tpu.memory_space<hbm>> -> memref<1000000x128xf32, #tpu.memory_space<hbm>>
    %dma_start3A_103 = tpu.memref_slice %arg9[%dma_start3A_92] : memref<8x!tpu.dma_semaphore, #tpu.memory_space<semaphore_mem>> -> memref<1x!tpu.dma_semaphore, #tpu.memory_space<semaphore_mem>>
    %dma_start3A_104 = tpu.memref_squeeze %dma_start3A_103 : memref<1x!tpu.dma_semaphore, #tpu.memory_space<semaphore_mem>> -> memref<!tpu.dma_semaphore, #tpu.memory_space<semaphore_mem>>
    tpu.enqueue_indirect_dma source(%dma_start3A_102 : memref<1000000x128xf32, #tpu.memory_space<hbm>>) target(%dma_start3A_96 : memref<64x128xf32, #tpu.memory_space<vmem>>) offsets(%dma_start3A_99 : memref<64xi32, #tpu.memory_space<vmem>>) semaphore(%dma_start3A_104 : memref<!tpu.dma_semaphore, #tpu.memory_space<semaphore_mem>>)
    %scan3A = arith.constant 0 : i32
    %scan3A_105 = arith.constant 0 : i32
    %scan3A_106 = arith.constant 50 : i32
    %scan3A_107 = arith.addi %scan3A_105, %scan3A_106 : i32
    %scan3A_108 = arith.constant 1 : i32
    scf.for %scan3A_141 = %scan3A_105 to %scan3A_107 step %scan3A_108  : i32 {
      %mul3A_142 = arith.constant 8 : i32
      %mul3A_143 = arith.muli %scan3A_141, %mul3A_142 : i32
      %add3A_144 = arith.constant 0 : i32
      %add3A_145 = arith.addi %mul3A_143, %add3A_144 : i32
      %add3A_146 = arith.constant 6 : i32
      %add3A_147 = arith.addi %add3A_145, %add3A_146 : i32
      %gt3A = arith.constant 1 : i32
      %gt3A_148 = arith.cmpi sgt, %add3A_145, %gt3A : i32
      %convert_element_type3A = arith.extui %gt3A_148 : i1 to i32
      %cond3A = arith.constant 0 : i32
      %cond3A_149 = arith.cmpi ne, %convert_element_type3A, %cond3A : i32
      scf.if %cond3A_149 {
        %dma_wait3A_897 = arith.constant 6 : i32
        %dma_wait3A_898 = arith.constant 6 : i32
        %dma_wait3A_899 = arith.constant 0 : i32
        %dma_wait3A_900 = arith.constant 0 : i32
        %dma_wait3A_901 = tpu.memref_slice %arg7[%dma_wait3A_897, %dma_wait3A_899, %dma_wait3A_900] : memref<8x64x128xf32, #tpu.memory_space<vmem>> -> memref<1x64x128xf32, #tpu.memory_space<vmem>>
        %dma_wait3A_902 = tpu.memref_squeeze %dma_wait3A_901 : memref<1x64x128xf32, #tpu.memory_space<vmem>> -> memref<64x128xf32, #tpu.memory_space<vmem>>
        %dma_wait3A_903 = arith.constant 0 : i32
        %dma_wait3A_904 = tpu.memref_slice %arg5[%mul3A_2, %dma_wait3A_903] : memref<819200x128xf32, #tpu.memory_space<hbm>> -> memref<64x128xf32, #tpu.memory_space<hbm>>
        %dma_wait3A_905 = tpu.memref_slice %arg10[%dma_wait3A_898] : memref<8x!tpu.dma_semaphore, #tpu.memory_space<semaphore_mem>> -> memref<1x!tpu.dma_semaphore, #tpu.memory_space<semaphore_mem>>
        %dma_wait3A_906 = tpu.memref_squeeze %dma_wait3A_905 : memref<1x!tpu.dma_semaphore, #tpu.memory_space<semaphore_mem>> -> memref<!tpu.dma_semaphore, #tpu.memory_space<semaphore_mem>>
        %dma_wait3A_907 = arith.constant 0 : i32
        %dma_wait3A_908 = tpu.memref_slice %arg5[%mul3A_2, %dma_wait3A_907] : memref<819200x128xf32, #tpu.memory_space<hbm>> -> memref<64x128xf32, #tpu.memory_space<hbm>>
        %dma_wait3A_909 = arith.constant 0 : i32
        %dma_wait3A_910 = arith.constant 0 : i32
        %dma_wait3A_911 = tpu.memref_slice %arg7[%dma_wait3A_897, %dma_wait3A_909, %dma_wait3A_910] : memref<8x64x128xf32, #tpu.memory_space<vmem>> -> memref<1x64x128xf32, #tpu.memory_space<vmem>>
        %dma_wait3A_912 = tpu.memref_squeeze %dma_wait3A_911 : memref<1x64x128xf32, #tpu.memory_space<vmem>> -> memref<64x128xf32, #tpu.memory_space<vmem>>
        tpu.wait_dma2 semaphore(%dma_wait3A_906 : memref<!tpu.dma_semaphore, #tpu.memory_space<semaphore_mem>>) src(%dma_wait3A_912 : memref<64x128xf32, #tpu.memory_space<vmem>>) dst(%dma_wait3A_908 : memref<64x128xf32, #tpu.memory_space<hbm>>)
      } else {
      }
      %lt3A = arith.constant 400 : i32
      %lt3A_150 = arith.cmpi slt, %add3A_147, %lt3A : i32
      %convert_element_type3A_151 = arith.extui %lt3A_150 : i1 to i32
      %cond3A_152 = arith.constant 0 : i32
      %cond3A_153 = arith.cmpi ne, %convert_element_type3A_151, %cond3A_152 : i32
      scf.if %cond3A_153 {
        %jit3A_897 = arith.constant 2 : i32
        %div3A_898 = arith.divsi %add3A_147, %jit3A_897 : i32
        %sign3A_899 = arith.constant 0 : i32
        %sign3A_900 = arith.cmpi sgt, %add3A_147, %sign3A_899 : i32
        %sign3A_901 = arith.extui %sign3A_900 : i1 to i32
        %sign3A_902 = arith.constant 0 : i32
        %sign3A_903 = arith.cmpi slt, %add3A_147, %sign3A_902 : i32
        %sign3A_904 = arith.extui %sign3A_903 : i1 to i32
        %sign3A_905 = arith.subi %sign3A_901, %sign3A_904 : i32
        %sign3A_906 = arith.constant 0 : i32
        %sign3A_907 = arith.cmpi sgt, %jit3A_897, %sign3A_906 : i32
        %sign3A_908 = arith.extui %sign3A_907 : i1 to i32
        %sign3A_909 = arith.constant 0 : i32
        %sign3A_910 = arith.cmpi slt, %jit3A_897, %sign3A_909 : i32
        %sign3A_911 = arith.extui %sign3A_910 : i1 to i32
        %sign3A_912 = arith.subi %sign3A_908, %sign3A_911 : i32
        %ne3A_913 = arith.cmpi ne, %sign3A_905, %sign3A_912 : i32
        %rem3A_914 = arith.remsi %add3A_147, %jit3A_897 : i32
        %ne3A_915 = arith.constant 0 : i32
        %ne3A_916 = arith.cmpi ne, %rem3A_914, %ne3A_915 : i32
        %and3A_917 = arith.andi %ne3A_913, %ne3A_916 : i1
        %sub3A_918 = arith.constant 1 : i32
        %sub3A_919 = arith.subi %div3A_898, %sub3A_918 : i32
        %select_n3A_920 = arith.select %and3A_917, %sub3A_919, %div3A_898 : i32
        %jit3A_921 = arith.constant 2 : i32
        %eq3A_922 = arith.constant 0 : i32
        %eq3A_923 = arith.cmpi eq, %jit3A_921, %eq3A_922 : i32
        %jit3A_924 = arith.constant 1 : i32
        %select_n3A_925 = arith.select %eq3A_923, %jit3A_924, %jit3A_921 : i32
        %rem3A_926 = arith.remsi %add3A_147, %select_n3A_925 : i32
        %ne3A_927 = arith.constant 0 : i32
        %ne3A_928 = arith.cmpi ne, %rem3A_926, %ne3A_927 : i32
        %lt3A_929 = arith.constant 0 : i32
        %lt3A_930 = arith.cmpi slt, %rem3A_926, %lt3A_929 : i32
        %lt3A_931 = arith.constant 0 : i32
        %lt3A_932 = arith.cmpi slt, %select_n3A_925, %lt3A_931 : i32
        %ne3A_933 = arith.xori %lt3A_930, %lt3A_932 : i1
        %and3A_934 = arith.andi %ne3A_933, %ne3A_928 : i1
        %add3A_935 = arith.addi %rem3A_926, %select_n3A_925 : i32
        %select_n3A_936 = arith.select %and3A_934, %add3A_935, %rem3A_926 : i32
        %mul3A_937 = arith.constant 64 : i32
        %mul3A_938 = arith.muli %select_n3A_936, %mul3A_937 : i32
        %dma_start3A_939 = arith.constant 6 : i32
        %dma_start3A_940 = arith.constant 6 : i32
        %dma_start3A_941 = arith.constant 0 : i32
        %dma_start3A_942 = arith.constant 0 : i32
        %dma_start3A_943 = tpu.memref_slice %arg7[%dma_start3A_939, %dma_start3A_941, %dma_start3A_942] : memref<8x64x128xf32, #tpu.memory_space<vmem>> -> memref<1x64x128xf32, #tpu.memory_space<vmem>>
        %dma_start3A_944 = tpu.memref_squeeze %dma_start3A_943 : memref<1x64x128xf32, #tpu.memory_space<vmem>> -> memref<64x128xf32, #tpu.memory_space<vmem>>
        %dma_start3A_945 = tpu.memref_slice %arg6[%select_n3A_920, %mul3A_938] : memref<200x128xi32, #tpu.memory_space<vmem>> -> memref<1x64xi32, #tpu.memory_space<vmem>>
        %dma_start3A_946 = tpu.memref_squeeze %dma_start3A_945 : memref<1x64xi32, #tpu.memory_space<vmem>> -> memref<64xi32, #tpu.memory_space<vmem>>
        %dma_start3A_947 = arith.constant 0 : i32
        %dma_start3A_948 = arith.constant 0 : i32
        %dma_start3A_949 = tpu.memref_slice %arg3[%dma_start3A_947, %dma_start3A_948] : memref<1000000x128xf32, #tpu.memory_space<hbm>> -> memref<1000000x128xf32, #tpu.memory_space<hbm>>
        %dma_start3A_950 = tpu.memref_slice %arg9[%dma_start3A_940] : memref<8x!tpu.dma_semaphore, #tpu.memory_space<semaphore_mem>> -> memref<1x!tpu.dma_semaphore, #tpu.memory_space<semaphore_mem>>
        %dma_start3A_951 = tpu.memref_squeeze %dma_start3A_950 : memref<1x!tpu.dma_semaphore, #tpu.memory_space<semaphore_mem>> -> memref<!tpu.dma_semaphore, #tpu.memory_space<semaphore_mem>>
        tpu.enqueue_indirect_dma source(%dma_start3A_949 : memref<1000000x128xf32, #tpu.memory_space<hbm>>) target(%dma_start3A_944 : memref<64x128xf32, #tpu.memory_space<vmem>>) offsets(%dma_start3A_946 : memref<64xi32, #tpu.memory_space<vmem>>) semaphore(%dma_start3A_951 : memref<!tpu.dma_semaphore, #tpu.memory_space<semaphore_mem>>)
      } else {
      }
      %jit3A = arith.constant 2 : i32
      %div3A = arith.divsi %add3A_145, %jit3A : i32
      %sign3A = arith.constant 0 : i32
      %sign3A_154 = arith.cmpi sgt, %add3A_145, %sign3A : i32
      %sign3A_155 = arith.extui %sign3A_154 : i1 to i32
      %sign3A_156 = arith.constant 0 : i32
      %sign3A_157 = arith.cmpi slt, %add3A_145, %sign3A_156 : i32
      %sign3A_158 = arith.extui %sign3A_157 : i1 to i32
      %sign3A_159 = arith.subi %sign3A_155, %sign3A_158 : i32
      %sign3A_160 = arith.constant 0 : i32
      %sign3A_161 = arith.cmpi sgt, %jit3A, %sign3A_160 : i32
      %sign3A_162 = arith.extui %sign3A_161 : i1 to i32
      %sign3A_163 = arith.constant 0 : i32
      %sign3A_164 = arith.cmpi slt, %jit3A, %sign3A_163 : i32
      %sign3A_165 = arith.extui %sign3A_164 : i1 to i32
      %sign3A_166 = arith.subi %sign3A_162, %sign3A_165 : i32
      %ne3A = arith.cmpi ne, %sign3A_159, %sign3A_166 : i32
      %rem3A = arith.remsi %add3A_145, %jit3A : i32
      %ne3A_167 = arith.constant 0 : i32
      %ne3A_168 = arith.cmpi ne, %rem3A, %ne3A_167 : i32
      %and3A = arith.andi %ne3A, %ne3A_168 : i1
      %sub3A = arith.constant 1 : i32
      %sub3A_169 = arith.subi %div3A, %sub3A : i32
      %select_n3A = arith.select %and3A, %sub3A_169, %div3A : i32
      %jit3A_170 = arith.constant 2 : i32
      %eq3A = arith.constant 0 : i32
      %eq3A_171 = arith.cmpi eq, %jit3A_170, %eq3A : i32
      %jit3A_172 = arith.constant 1 : i32
      %select_n3A_173 = arith.select %eq3A_171, %jit3A_172, %jit3A_170 : i32
      %rem3A_174 = arith.remsi %add3A_145, %select_n3A_173 : i32
      %ne3A_175 = arith.constant 0 : i32
      %ne3A_176 = arith.cmpi ne, %rem3A_174, %ne3A_175 : i32
      %lt3A_177 = arith.constant 0 : i32
      %lt3A_178 = arith.cmpi slt, %rem3A_174, %lt3A_177 : i32
      %lt3A_179 = arith.constant 0 : i32
      %lt3A_180 = arith.cmpi slt, %select_n3A_173, %lt3A_179 : i32
      %ne3A_181 = arith.xori %lt3A_178, %lt3A_180 : i1
      %and3A_182 = arith.andi %ne3A_181, %ne3A_176 : i1
      %add3A_183 = arith.addi %rem3A_174, %select_n3A_173 : i32
      %select_n3A_184 = arith.select %and3A_182, %add3A_183, %rem3A_174 : i32
      %mul3A_185 = arith.constant 64 : i32
      %mul3A_186 = arith.muli %select_n3A_184, %mul3A_185 : i32
      %dma_wait3A_187 = arith.constant 0 : i32
      %dma_wait3A_188 = arith.constant 0 : i32
      %dma_wait3A_189 = arith.constant 0 : i32
      %dma_wait3A_190 = arith.constant 0 : i32
      %dma_wait3A_191 = tpu.memref_slice %arg7[%dma_wait3A_187, %dma_wait3A_189, %dma_wait3A_190] : memref<8x64x128xf32, #tpu.memory_space<vmem>> -> memref<1x64x128xf32, #tpu.memory_space<vmem>>
      %dma_wait3A_192 = tpu.memref_squeeze %dma_wait3A_191 : memref<1x64x128xf32, #tpu.memory_space<vmem>> -> memref<64x128xf32, #tpu.memory_space<vmem>>
      %dma_wait3A_193 = tpu.memref_slice %arg6[%select_n3A, %mul3A_186] : memref<200x128xi32, #tpu.memory_space<vmem>> -> memref<1x64xi32, #tpu.memory_space<vmem>>
      %dma_wait3A_194 = tpu.memref_squeeze %dma_wait3A_193 : memref<1x64xi32, #tpu.memory_space<vmem>> -> memref<64xi32, #tpu.memory_space<vmem>>
      %dma_wait3A_195 = arith.constant 0 : i32
      %dma_wait3A_196 = arith.constant 0 : i32
      %dma_wait3A_197 = tpu.memref_slice %arg3[%dma_wait3A_195, %dma_wait3A_196] : memref<1000000x128xf32, #tpu.memory_space<hbm>> -> memref<1000000x128xf32, #tpu.memory_space<hbm>>
      %dma_wait3A_198 = tpu.memref_slice %arg9[%dma_wait3A_188] : memref<8x!tpu.dma_semaphore, #tpu.memory_space<semaphore_mem>> -> memref<1x!tpu.dma_semaphore, #tpu.memory_space<semaphore_mem>>
      %dma_wait3A_199 = tpu.memref_squeeze %dma_wait3A_198 : memref<1x!tpu.dma_semaphore, #tpu.memory_space<semaphore_mem>> -> memref<!tpu.dma_semaphore, #tpu.memory_space<semaphore_mem>>
      tpu.wait_indirect_dma semaphore(%dma_wait3A_199 : memref<!tpu.dma_semaphore, #tpu.memory_space<semaphore_mem>>) src(%dma_wait3A_197 : memref<1000000x128xf32, #tpu.memory_space<hbm>>) dst(%dma_wait3A_192 : memref<64x128xf32, #tpu.memory_space<vmem>>)
      %scan3A_200 = arith.constant 0 : i32
      %scan3A_201 = arith.constant 0 : i32
      %scan3A_202 = arith.constant 32 : i32
      %scan3A_203 = arith.addi %scan3A_201, %scan3A_202 : i32
      %scan3A_204 = arith.constant 1 : i32
      scf.for %scan3A_897 = %scan3A_201 to %scan3A_203 step %scan3A_204  : i32 {
        %mul3A_898 = arith.constant 2 : i32
        %mul3A_899 = arith.muli %scan3A_897, %mul3A_898 : i32
        %add3A_900 = arith.constant 0 : i32
        %add3A_901 = arith.addi %mul3A_899, %add3A_900 : i32
        %get3A_902 = arith.constant 0 : i32
        %get3A_903 = arith.index_cast %get3A_902 : i32 to index
        %get3A_904 = arith.index_cast %add3A_901 : i32 to index
        %get3A_905 = arith.constant 0 : index
        %get3A_906 = tpu.vector_load %arg7[%get3A_903, %get3A_904, %get3A_905] {strides = array<i32>} : memref<8x64x128xf32, #tpu.memory_space<vmem>>, vector<1x1x16xf32>,
        %get3A_907 = vector.shape_cast %get3A_906 : vector<1x1x16xf32> to vector<16xf32>
        %add3A_908 = arith.addf %get3A_907, %get3A_6 : vector<16xf32>
        %swap3A = arith.constant 0 : i32
        %swap3A_909 = arith.index_cast %swap3A : i32 to index
        %swap3A_910 = arith.index_cast %add3A_901 : i32 to index
        %swap3A_911 = arith.constant 0 : index
        %swap3A_912 = tpu.vector_load %arg7[%swap3A_909, %swap3A_910, %swap3A_911] {strides = array<i32>} : memref<8x64x128xf32, #tpu.memory_space<vmem>>, vector<1x1x16xf32>,
        %swap3A_913 = vector.shape_cast %swap3A_912 : vector<1x1x16xf32> to vector<16xf32>
        %swap3A_914 = vector.shape_cast %add3A_908 : vector<16xf32> to vector<1x1x16xf32>
        tpu.vector_store %arg7[%swap3A_909, %swap3A_910, %swap3A_911], %swap3A_914 {strides = array<i32>} : memref<8x64x128xf32, #tpu.memory_space<vmem>>, vector<1x1x16xf32>,
        %mul3A_915 = arith.constant 2 : i32
        %mul3A_916 = arith.muli %scan3A_897, %mul3A_915 : i32
        %add3A_917 = arith.constant 0 : i32
        %add3A_918 = arith.addi %mul3A_916, %add3A_917 : i32
        %get3A_919 = arith.constant 0 : i32
        %get3A_920 = arith.index_cast %get3A_919 : i32 to index
        %get3A_921 = arith.index_cast %add3A_918 : i32 to index
        %get3A_922 = arith.constant 16 : index
        %get3A_923 = tpu.vector_load %arg7[%get3A_920, %get3A_921, %get3A_922] {strides = array<i32>} : memref<8x64x128xf32, #tpu.memory_space<vmem>>, vector<1x1x16xf32>,
        %get3A_924 = vector.shape_cast %get3A_923 : vector<1x1x16xf32> to vector<16xf32>
        %add3A_925 = arith.addf %get3A_924, %get3A_9 : vector<16xf32>
        %swap3A_926 = arith.constant 0 : i32
        %swap3A_927 = arith.index_cast %swap3A_926 : i32 to index
        %swap3A_928 = arith.index_cast %add3A_918 : i32 to index
        %swap3A_929 = arith.constant 16 : index
        %swap3A_930 = tpu.vector_load %arg7[%swap3A_927, %swap3A_928, %swap3A_929] {strides = array<i32>} : memref<8x64x128xf32, #tpu.memory_space<vmem>>, vector<1x1x16xf32>,
        %swap3A_931 = vector.shape_cast %swap3A_930 : vector<1x1x16xf32> to vector<16xf32>
        %swap3A_932 = vector.shape_cast %add3A_925 : vector<16xf32> to vector<1x1x16xf32>
        tpu.vector_store %arg7[%swap3A_927, %swap3A_928, %swap3A_929], %swap3A_932 {strides = array<i32>} : memref<8x64x128xf32, #tpu.memory_space<vmem>>, vector<1x1x16xf32>,
        %mul3A_933 = arith.constant 2 : i32
        %mul3A_934 = arith.muli %scan3A_897, %mul3A_933 : i32
        %add3A_935 = arith.constant 0 : i32
        %add3A_936 = arith.addi %mul3A_934, %add3A_935 : i32
        %get3A_937 = arith.constant 0 : i32
        %get3A_938 = arith.index_cast %get3A_937 : i32 to index
        %get3A_939 = arith.index_cast %add3A_936 : i32 to index
        %get3A_940 = arith.constant 32 : index
        %get3A_941 = tpu.vector_load %arg7[%get3A_938, %get3A_939, %get3A_940] {strides = array<i32>} : memref<8x64x128xf32, #tpu.memory_space<vmem>>, vector<1x1x16xf32>,
        %get3A_942 = vector.shape_cast %get3A_941 : vector<1x1x16xf32> to vector<16xf32>
        %add3A_943 = arith.addf %get3A_942, %get3A_12 : vector<16xf32>
        %swap3A_944 = arith.constant 0 : i32
        %swap3A_945 = arith.index_cast %swap3A_944 : i32 to index
        %swap3A_946 = arith.index_cast %add3A_936 : i32 to index
        %swap3A_947 = arith.constant 32 : index
        %swap3A_948 = tpu.vector_load %arg7[%swap3A_945, %swap3A_946, %swap3A_947] {strides = array<i32>} : memref<8x64x128xf32, #tpu.memory_space<vmem>>, vector<1x1x16xf32>,
        %swap3A_949 = vector.shape_cast %swap3A_948 : vector<1x1x16xf32> to vector<16xf32>
        %swap3A_950 = vector.shape_cast %add3A_943 : vector<16xf32> to vector<1x1x16xf32>
        tpu.vector_store %arg7[%swap3A_945, %swap3A_946, %swap3A_947], %swap3A_950 {strides = array<i32>} : memref<8x64x128xf32, #tpu.memory_space<vmem>>, vector<1x1x16xf32>,
        %mul3A_951 = arith.constant 2 : i32
        %mul3A_952 = arith.muli %scan3A_897, %mul3A_951 : i32
        %add3A_953 = arith.constant 0 : i32
        %add3A_954 = arith.addi %mul3A_952, %add3A_953 : i32
        %get3A_955 = arith.constant 0 : i32
        %get3A_956 = arith.index_cast %get3A_955 : i32 to index
        %get3A_957 = arith.index_cast %add3A_954 : i32 to index
        %get3A_958 = arith.constant 48 : index
        %get3A_959 = tpu.vector_load %arg7[%get3A_956, %get3A_957, %get3A_958] {strides = array<i32>} : memref<8x64x128xf32, #tpu.memory_space<vmem>>, vector<1x1x16xf32>,
        %get3A_960 = vector.shape_cast %get3A_959 : vector<1x1x16xf32> to vector<16xf32>
        %add3A_961 = arith.addf %get3A_960, %get3A_15 : vector<16xf32>
        %swap3A_962 = arith.constant 0 : i32
        %swap3A_963 = arith.index_cast %swap3A_962 : i32 to index
        %swap3A_964 = arith.index_cast %add3A_954 : i32 to index
        %swap3A_965 = arith.constant 48 : index
        %swap3A_966 = tpu.vector_load %arg7[%swap3A_963, %swap3A_964, %swap3A_965] {strides = array<i32>} : memref<8x64x128xf32, #tpu.memory_space<vmem>>, vector<1x1x16xf32>,
        %swap3A_967 = vector.shape_cast %swap3A_966 : vector<1x1x16xf32> to vector<16xf32>
        %swap3A_968 = vector.shape_cast %add3A_961 : vector<16xf32> to vector<1x1x16xf32>
        tpu.vector_store %arg7[%swap3A_963, %swap3A_964, %swap3A_965], %swap3A_968 {strides = array<i32>} : memref<8x64x128xf32, #tpu.memory_space<vmem>>, vector<1x1x16xf32>,
        %mul3A_969 = arith.constant 2 : i32
        %mul3A_970 = arith.muli %scan3A_897, %mul3A_969 : i32
        %add3A_971 = arith.constant 1 : i32
        %add3A_972 = arith.addi %mul3A_970, %add3A_971 : i32
        %get3A_973 = arith.constant 0 : i32
        %get3A_974 = arith.index_cast %get3A_973 : i32 to index
        %get3A_975 = arith.index_cast %add3A_972 : i32 to index
        %get3A_976 = arith.constant 0 : index
        %get3A_977 = tpu.vector_load %arg7[%get3A_974, %get3A_975, %get3A_976] {strides = array<i32>} : memref<8x64x128xf32, #tpu.memory_space<vmem>>, vector<1x1x16xf32>,
        %get3A_978 = vector.shape_cast %get3A_977 : vector<1x1x16xf32> to vector<16xf32>
        %add3A_979 = arith.addf %get3A_978, %get3A_6 : vector<16xf32>
        %swap3A_980 = arith.constant 0 : i32
        %swap3A_981 = arith.index_cast %swap3A_980 : i32 to index
        %swap3A_982 = arith.index_cast %add3A_972 : i32 to index
        %swap3A_983 = arith.constant 0 : index
        %swap3A_984 = tpu.vector_load %arg7[%swap3A_981, %swap3A_982, %swap3A_983] {strides = array<i32>} : memref<8x64x128xf32, #tpu.memory_space<vmem>>, vector<1x1x16xf32>,
        %swap3A_985 = vector.shape_cast %swap3A_984 : vector<1x1x16xf32> to vector<16xf32>
        %swap3A_986 = vector.shape_cast %add3A_979 : vector<16xf32> to vector<1x1x16xf32>
        tpu.vector_store %arg7[%swap3A_981, %swap3A_982, %swap3A_983], %swap3A_986 {strides = array<i32>} : memref<8x64x128xf32, #tpu.memory_space<vmem>>, vector<1x1x16xf32>,
        %mul3A_987 = arith.constant 2 : i32
        %mul3A_988 = arith.muli %scan3A_897, %mul3A_987 : i32
        %add3A_989 = arith.constant 1 : i32
        %add3A_990 = arith.addi %mul3A_988, %add3A_989 : i32
        %get3A_991 = arith.constant 0 : i32
        %get3A_992 = arith.index_cast %get3A_991 : i32 to index
        %get3A_993 = arith.index_cast %add3A_990 : i32 to index
        %get3A_994 = arith.constant 16 : index
        %get3A_995 = tpu.vector_load %arg7[%get3A_992, %get3A_993, %get3A_994] {strides = array<i32>} : memref<8x64x128xf32, #tpu.memory_space<vmem>>, vector<1x1x16xf32>,
        %get3A_996 = vector.shape_cast %get3A_995 : vector<1x1x16xf32> to vector<16xf32>
        %add3A_997 = arith.addf %get3A_996, %get3A_9 : vector<16xf32>
        %swap3A_998 = arith.constant 0 : i32
        %swap3A_999 = arith.index_cast %swap3A_998 : i32 to index
        %swap3A_1000 = arith.index_cast %add3A_990 : i32 to index
        %swap3A_1001 = arith.constant 16 : index
        %swap3A_1002 = tpu.vector_load %arg7[%swap3A_999, %swap3A_1000, %swap3A_1001] {strides = array<i32>} : memref<8x64x128xf32, #tpu.memory_space<vmem>>, vector<1x1x16xf32>,
        %swap3A_1003 = vector.shape_cast %swap3A_1002 : vector<1x1x16xf32> to vector<16xf32>
        %swap3A_1004 = vector.shape_cast %add3A_997 : vector<16xf32> to vector<1x1x16xf32>
        tpu.vector_store %arg7[%swap3A_999, %swap3A_1000, %swap3A_1001], %swap3A_1004 {strides = array<i32>} : memref<8x64x128xf32, #tpu.memory_space<vmem>>, vector<1x1x16xf32>,
        %mul3A_1005 = arith.constant 2 : i32
        %mul3A_1006 = arith.muli %scan3A_897, %mul3A_1005 : i32
        %add3A_1007 = arith.constant 1 : i32
        %add3A_1008 = arith.addi %mul3A_1006, %add3A_1007 : i32
        %get3A_1009 = arith.constant 0 : i32
        %get3A_1010 = arith.index_cast %get3A_1009 : i32 to index
        %get3A_1011 = arith.index_cast %add3A_1008 : i32 to index
        %get3A_1012 = arith.constant 32 : index
        %get3A_1013 = tpu.vector_load %arg7[%get3A_1010, %get3A_1011, %get3A_1012] {strides = array<i32>} : memref<8x64x128xf32, #tpu.memory_space<vmem>>, vector<1x1x16xf32>,
        %get3A_1014 = vector.shape_cast %get3A_1013 : vector<1x1x16xf32> to vector<16xf32>
        %add3A_1015 = arith.addf %get3A_1014, %get3A_12 : vector<16xf32>
        %swap3A_1016 = arith.constant 0 : i32
        %swap3A_1017 = arith.index_cast %swap3A_1016 : i32 to index
        %swap3A_1018 = arith.index_cast %add3A_1008 : i32 to index
        %swap3A_1019 = arith.constant 32 : index
        %swap3A_1020 = tpu.vector_load %arg7[%swap3A_1017, %swap3A_1018, %swap3A_1019] {strides = array<i32>} : memref<8x64x128xf32, #tpu.memory_space<vmem>>, vector<1x1x16xf32>,
        %swap3A_1021 = vector.shape_cast %swap3A_1020 : vector<1x1x16xf32> to vector<16xf32>
        %swap3A_1022 = vector.shape_cast %add3A_1015 : vector<16xf32> to vector<1x1x16xf32>
        tpu.vector_store %arg7[%swap3A_1017, %swap3A_1018, %swap3A_1019], %swap3A_1022 {strides = array<i32>} : memref<8x64x128xf32, #tpu.memory_space<vmem>>, vector<1x1x16xf32>,
        %mul3A_1023 = arith.constant 2 : i32
        %mul3A_1024 = arith.muli %scan3A_897, %mul3A_1023 : i32
        %add3A_1025 = arith.constant 1 : i32
        %add3A_1026 = arith.addi %mul3A_1024, %add3A_1025 : i32
        %get3A_1027 = arith.constant 0 : i32
        %get3A_1028 = arith.index_cast %get3A_1027 : i32 to index
        %get3A_1029 = arith.index_cast %add3A_1026 : i32 to index
        %get3A_1030 = arith.constant 48 : index
        %get3A_1031 = tpu.vector_load %arg7[%get3A_1028, %get3A_1029, %get3A_1030] {strides = array<i32>} : memref<8x64x128xf32, #tpu.memory_space<vmem>>, vector<1x1x16xf32>,
        %get3A_1032 = vector.shape_cast %get3A_1031 : vector<1x1x16xf32> to vector<16xf32>
        %add3A_1033 = arith.addf %get3A_1032, %get3A_15 : vector<16xf32>
        %swap3A_1034 = arith.constant 0 : i32
        %swap3A_1035 = arith.index_cast %swap3A_1034 : i32 to index
        %swap3A_1036 = arith.index_cast %add3A_1026 : i32 to index
        %swap3A_1037 = arith.constant 48 : index
        %swap3A_1038 = tpu.vector_load %arg7[%swap3A_1035, %swap3A_1036, %swap3A_1037] {strides = array<i32>} : memref<8x64x128xf32, #tpu.memory_space<vmem>>, vector<1x1x16xf32>,
        %swap3A_1039 = vector.shape_cast %swap3A_1038 : vector<1x1x16xf32> to vector<16xf32>
        %swap3A_1040 = vector.shape_cast %add3A_1033 : vector<16xf32> to vector<1x1x16xf32>
        tpu.vector_store %arg7[%swap3A_1035, %swap3A_1036, %swap3A_1037], %swap3A_1040 {strides = array<i32>} : memref<8x64x128xf32, #tpu.memory_space<vmem>>, vector<1x1x16xf32>,
      }
      %scan3A_205 = arith.constant 32 : i32
      %mul3A_206 = arith.constant 64 : i32
      %mul3A_207 = arith.muli %add3A_145, %mul3A_206 : i32
      %add3A_208 = arith.addi %mul3A_2, %mul3A_207 : i32
      %dma_start3A_209 = arith.constant 0 : i32
      %dma_start3A_210 = arith.constant 0 : i32
      %dma_start3A_211 = arith.constant 0 : i32
      %dma_start3A_212 = arith.constant 0 : i32
      %dma_start3A_213 = tpu.memref_slice %arg7[%dma_start3A_209, %dma_start3A_211, %dma_start3A_212] : memref<8x64x128xf32, #tpu.memory_space<vmem>> -> memref<1x64x128xf32, #tpu.memory_space<vmem>>
      %dma_start3A_214 = tpu.memref_squeeze %dma_start3A_213 : memref<1x64x128xf32, #tpu.memory_space<vmem>> -> memref<64x128xf32, #tpu.memory_space<vmem>>
      %dma_start3A_215 = arith.constant 0 : i32
      %dma_start3A_216 = tpu.memref_slice %arg5[%add3A_208, %dma_start3A_215] : memref<819200x128xf32, #tpu.memory_space<hbm>> -> memref<64x128xf32, #tpu.memory_space<hbm>>
      %dma_start3A_217 = tpu.memref_slice %arg10[%dma_start3A_210] : memref<8x!tpu.dma_semaphore, #tpu.memory_space<semaphore_mem>> -> memref<1x!tpu.dma_semaphore, #tpu.memory_space<semaphore_mem>>
      %dma_start3A_218 = tpu.memref_squeeze %dma_start3A_217 : memref<1x!tpu.dma_semaphore, #tpu.memory_space<semaphore_mem>> -> memref<!tpu.dma_semaphore, #tpu.memory_space<semaphore_mem>>
      %dma_start3A_219 = arith.constant 0 : i32
      %dma_start3A_220 = tpu.memref_slice %arg5[%add3A_208, %dma_start3A_219] : memref<819200x128xf32, #tpu.memory_space<hbm>> -> memref<64x128xf32, #tpu.memory_space<hbm>>
      %dma_start3A_221 = arith.constant 0 : i32
      %dma_start3A_222 = arith.constant 0 : i32
      %dma_start3A_223 = tpu.memref_slice %arg7[%dma_start3A_209, %dma_start3A_221, %dma_start3A_222] : memref<8x64x128xf32, #tpu.memory_space<vmem>> -> memref<1x64x128xf32, #tpu.memory_space<vmem>>
      %dma_start3A_224 = tpu.memref_squeeze %dma_start3A_223 : memref<1x64x128xf32, #tpu.memory_space<vmem>> -> memref<64x128xf32, #tpu.memory_space<vmem>>
      tpu.enqueue_dma source(%dma_start3A_224 : memref<64x128xf32, #tpu.memory_space<vmem>>) target(%dma_start3A_220 : memref<64x128xf32, #tpu.memory_space<hbm>>) target_semaphore(%dma_start3A_218 : memref<!tpu.dma_semaphore, #tpu.memory_space<semaphore_mem>>)
      %mul3A_225 = arith.constant 8 : i32
      %mul3A_226 = arith.muli %scan3A_141, %mul3A_225 : i32
      %add3A_227 = arith.constant 1 : i32
      %add3A_228 = arith.addi %mul3A_226, %add3A_227 : i32
      %add3A_229 = arith.constant 6 : i32
      %add3A_230 = arith.addi %add3A_228, %add3A_229 : i32
      %gt3A_231 = arith.constant 1 : i32
      %gt3A_232 = arith.cmpi sgt, %add3A_228, %gt3A_231 : i32
      %convert_element_type3A_233 = arith.extui %gt3A_232 : i1 to i32
      %cond3A_234 = arith.constant 0 : i32
      %cond3A_235 = arith.cmpi ne, %convert_element_type3A_233, %cond3A_234 : i32
      scf.if %cond3A_235 {
        %dma_wait3A_897 = arith.constant 7 : i32
        %dma_wait3A_898 = arith.constant 7 : i32
        %dma_wait3A_899 = arith.constant 0 : i32
        %dma_wait3A_900 = arith.constant 0 : i32
        %dma_wait3A_901 = tpu.memref_slice %arg7[%dma_wait3A_897, %dma_wait3A_899, %dma_wait3A_900] : memref<8x64x128xf32, #tpu.memory_space<vmem>> -> memref<1x64x128xf32, #tpu.memory_space<vmem>>
        %dma_wait3A_902 = tpu.memref_squeeze %dma_wait3A_901 : memref<1x64x128xf32, #tpu.memory_space<vmem>> -> memref<64x128xf32, #tpu.memory_space<vmem>>
        %dma_wait3A_903 = arith.constant 0 : i32
        %dma_wait3A_904 = tpu.memref_slice %arg5[%mul3A_2, %dma_wait3A_903] : memref<819200x128xf32, #tpu.memory_space<hbm>> -> memref<64x128xf32, #tpu.memory_space<hbm>>
        %dma_wait3A_905 = tpu.memref_slice %arg10[%dma_wait3A_898] : memref<8x!tpu.dma_semaphore, #tpu.memory_space<semaphore_mem>> -> memref<1x!tpu.dma_semaphore, #tpu.memory_space<semaphore_mem>>
        %dma_wait3A_906 = tpu.memref_squeeze %dma_wait3A_905 : memref<1x!tpu.dma_semaphore, #tpu.memory_space<semaphore_mem>> -> memref<!tpu.dma_semaphore, #tpu.memory_space<semaphore_mem>>
        %dma_wait3A_907 = arith.constant 0 : i32
        %dma_wait3A_908 = tpu.memref_slice %arg5[%mul3A_2, %dma_wait3A_907] : memref<819200x128xf32, #tpu.memory_space<hbm>> -> memref<64x128xf32, #tpu.memory_space<hbm>>
        %dma_wait3A_909 = arith.constant 0 : i32
        %dma_wait3A_910 = arith.constant 0 : i32
        %dma_wait3A_911 = tpu.memref_slice %arg7[%dma_wait3A_897, %dma_wait3A_909, %dma_wait3A_910] : memref<8x64x128xf32, #tpu.memory_space<vmem>> -> memref<1x64x128xf32, #tpu.memory_space<vmem>>
        %dma_wait3A_912 = tpu.memref_squeeze %dma_wait3A_911 : memref<1x64x128xf32, #tpu.memory_space<vmem>> -> memref<64x128xf32, #tpu.memory_space<vmem>>
        tpu.wait_dma2 semaphore(%dma_wait3A_906 : memref<!tpu.dma_semaphore, #tpu.memory_space<semaphore_mem>>) src(%dma_wait3A_912 : memref<64x128xf32, #tpu.memory_space<vmem>>) dst(%dma_wait3A_908 : memref<64x128xf32, #tpu.memory_space<hbm>>)
      } else {
      }
      %lt3A_236 = arith.constant 400 : i32
      %lt3A_237 = arith.cmpi slt, %add3A_230, %lt3A_236 : i32
      %convert_element_type3A_238 = arith.extui %lt3A_237 : i1 to i32
      %cond3A_239 = arith.constant 0 : i32
      %cond3A_240 = arith.cmpi ne, %convert_element_type3A_238, %cond3A_239 : i32
      scf.if %cond3A_240 {
        %jit3A_897 = arith.constant 2 : i32
        %div3A_898 = arith.divsi %add3A_230, %jit3A_897 : i32
        %sign3A_899 = arith.constant 0 : i32
        %sign3A_900 = arith.cmpi sgt, %add3A_230, %sign3A_899 : i32
        %sign3A_901 = arith.extui %sign3A_900 : i1 to i32
        %sign3A_902 = arith.constant 0 : i32
        %sign3A_903 = arith.cmpi slt, %add3A_230, %sign3A_902 : i32
        %sign3A_904 = arith.extui %sign3A_903 : i1 to i32
        %sign3A_905 = arith.subi %sign3A_901, %sign3A_904 : i32
        %sign3A_906 = arith.constant 0 : i32
        %sign3A_907 = arith.cmpi sgt, %jit3A_897, %sign3A_906 : i32
        %sign3A_908 = arith.extui %sign3A_907 : i1 to i32
        %sign3A_909 = arith.constant 0 : i32
        %sign3A_910 = arith.cmpi slt, %jit3A_897, %sign3A_909 : i32
        %sign3A_911 = arith.extui %sign3A_910 : i1 to i32
        %sign3A_912 = arith.subi %sign3A_908, %sign3A_911 : i32
        %ne3A_913 = arith.cmpi ne, %sign3A_905, %sign3A_912 : i32
        %rem3A_914 = arith.remsi %add3A_230, %jit3A_897 : i32
        %ne3A_915 = arith.constant 0 : i32
        %ne3A_916 = arith.cmpi ne, %rem3A_914, %ne3A_915 : i32
        %and3A_917 = arith.andi %ne3A_913, %ne3A_916 : i1
        %sub3A_918 = arith.constant 1 : i32
        %sub3A_919 = arith.subi %div3A_898, %sub3A_918 : i32
        %select_n3A_920 = arith.select %and3A_917, %sub3A_919, %div3A_898 : i32
        %jit3A_921 = arith.constant 2 : i32
        %eq3A_922 = arith.constant 0 : i32
        %eq3A_923 = arith.cmpi eq, %jit3A_921, %eq3A_922 : i32
        %jit3A_924 = arith.constant 1 : i32
        %select_n3A_925 = arith.select %eq3A_923, %jit3A_924, %jit3A_921 : i32
        %rem3A_926 = arith.remsi %add3A_230, %select_n3A_925 : i32
        %ne3A_927 = arith.constant 0 : i32
        %ne3A_928 = arith.cmpi ne, %rem3A_926, %ne3A_927 : i32
        %lt3A_929 = arith.constant 0 : i32
        %lt3A_930 = arith.cmpi slt, %rem3A_926, %lt3A_929 : i32
        %lt3A_931 = arith.constant 0 : i32
        %lt3A_932 = arith.cmpi slt, %select_n3A_925, %lt3A_931 : i32
        %ne3A_933 = arith.xori %lt3A_930, %lt3A_932 : i1
        %and3A_934 = arith.andi %ne3A_933, %ne3A_928 : i1
        %add3A_935 = arith.addi %rem3A_926, %select_n3A_925 : i32
        %select_n3A_936 = arith.select %and3A_934, %add3A_935, %rem3A_926 : i32
        %mul3A_937 = arith.constant 64 : i32
        %mul3A_938 = arith.muli %select_n3A_936, %mul3A_937 : i32
        %dma_start3A_939 = arith.constant 7 : i32
        %dma_start3A_940 = arith.constant 7 : i32
        %dma_start3A_941 = arith.constant 0 : i32
        %dma_start3A_942 = arith.constant 0 : i32
        %dma_start3A_943 = tpu.memref_slice %arg7[%dma_start3A_939, %dma_start3A_941, %dma_start3A_942] : memref<8x64x128xf32, #tpu.memory_space<vmem>> -> memref<1x64x128xf32, #tpu.memory_space<vmem>>
        %dma_start3A_944 = tpu.memref_squeeze %dma_start3A_943 : memref<1x64x128xf32, #tpu.memory_space<vmem>> -> memref<64x128xf32, #tpu.memory_space<vmem>>
        %dma_start3A_945 = tpu.memref_slice %arg6[%select_n3A_920, %mul3A_938] : memref<200x128xi32, #tpu.memory_space<vmem>> -> memref<1x64xi32, #tpu.memory_space<vmem>>
        %dma_start3A_946 = tpu.memref_squeeze %dma_start3A_945 : memref<1x64xi32, #tpu.memory_space<vmem>> -> memref<64xi32, #tpu.memory_space<vmem>>
        %dma_start3A_947 = arith.constant 0 : i32
        %dma_start3A_948 = arith.constant 0 : i32
        %dma_start3A_949 = tpu.memref_slice %arg3[%dma_start3A_947, %dma_start3A_948] : memref<1000000x128xf32, #tpu.memory_space<hbm>> -> memref<1000000x128xf32, #tpu.memory_space<hbm>>
        %dma_start3A_950 = tpu.memref_slice %arg9[%dma_start3A_940] : memref<8x!tpu.dma_semaphore, #tpu.memory_space<semaphore_mem>> -> memref<1x!tpu.dma_semaphore, #tpu.memory_space<semaphore_mem>>
        %dma_start3A_951 = tpu.memref_squeeze %dma_start3A_950 : memref<1x!tpu.dma_semaphore, #tpu.memory_space<semaphore_mem>> -> memref<!tpu.dma_semaphore, #tpu.memory_space<semaphore_mem>>
        tpu.enqueue_indirect_dma source(%dma_start3A_949 : memref<1000000x128xf32, #tpu.memory_space<hbm>>) target(%dma_start3A_944 : memref<64x128xf32, #tpu.memory_space<vmem>>) offsets(%dma_start3A_946 : memref<64xi32, #tpu.memory_space<vmem>>) semaphore(%dma_start3A_951 : memref<!tpu.dma_semaphore, #tpu.memory_space<semaphore_mem>>)
      } else {
      }
      %jit3A_241 = arith.constant 2 : i32
      %div3A_242 = arith.divsi %add3A_228, %jit3A_241 : i32
      %sign3A_243 = arith.constant 0 : i32
      %sign3A_244 = arith.cmpi sgt, %add3A_228, %sign3A_243 : i32
      %sign3A_245 = arith.extui %sign3A_244 : i1 to i32
      %sign3A_246 = arith.constant 0 : i32
      %sign3A_247 = arith.cmpi slt, %add3A_228, %sign3A_246 : i32
      %sign3A_248 = arith.extui %sign3A_247 : i1 to i32
      %sign3A_249 = arith.subi %sign3A_245, %sign3A_248 : i32
      %sign3A_250 = arith.constant 0 : i32
      %sign3A_251 = arith.cmpi sgt, %jit3A_241, %sign3A_250 : i32
      %sign3A_252 = arith.extui %sign3A_251 : i1 to i32
      %sign3A_253 = arith.constant 0 : i32
      %sign3A_254 = arith.cmpi slt, %jit3A_241, %sign3A_253 : i32
      %sign3A_255 = arith.extui %sign3A_254 : i1 to i32
      %sign3A_256 = arith.subi %sign3A_252, %sign3A_255 : i32
      %ne3A_257 = arith.cmpi ne, %sign3A_249, %sign3A_256 : i32
      %rem3A_258 = arith.remsi %add3A_228, %jit3A_241 : i32
      %ne3A_259 = arith.constant 0 : i32
      %ne3A_260 = arith.cmpi ne, %rem3A_258, %ne3A_259 : i32
      %and3A_261 = arith.andi %ne3A_257, %ne3A_260 : i1
      %sub3A_262 = arith.constant 1 : i32
      %sub3A_263 = arith.subi %div3A_242, %sub3A_262 : i32
      %select_n3A_264 = arith.select %and3A_261, %sub3A_263, %div3A_242 : i32
      %jit3A_265 = arith.constant 2 : i32
      %eq3A_266 = arith.constant 0 : i32
      %eq3A_267 = arith.cmpi eq, %jit3A_265, %eq3A_266 : i32
      %jit3A_268 = arith.constant 1 : i32
      %select_n3A_269 = arith.select %eq3A_267, %jit3A_268, %jit3A_265 : i32
      %rem3A_270 = arith.remsi %add3A_228, %select_n3A_269 : i32
      %ne3A_271 = arith.constant 0 : i32
      %ne3A_272 = arith.cmpi ne, %rem3A_270, %ne3A_271 : i32
      %lt3A_273 = arith.constant 0 : i32
      %lt3A_274 = arith.cmpi slt, %rem3A_270, %lt3A_273 : i32
      %lt3A_275 = arith.constant 0 : i32
      %lt3A_276 = arith.cmpi slt, %select_n3A_269, %lt3A_275 : i32
      %ne3A_277 = arith.xori %lt3A_274, %lt3A_276 : i1
      %and3A_278 = arith.andi %ne3A_277, %ne3A_272 : i1
      %add3A_279 = arith.addi %rem3A_270, %select_n3A_269 : i32
      %select_n3A_280 = arith.select %and3A_278, %add3A_279, %rem3A_270 : i32
      %mul3A_281 = arith.constant 64 : i32
      %mul3A_282 = arith.muli %select_n3A_280, %mul3A_281 : i32
      %dma_wait3A_283 = arith.constant 1 : i32
      %dma_wait3A_284 = arith.constant 1 : i32
      %dma_wait3A_285 = arith.constant 0 : i32
      %dma_wait3A_286 = arith.constant 0 : i32
      %dma_wait3A_287 = tpu.memref_slice %arg7[%dma_wait3A_283, %dma_wait3A_285, %dma_wait3A_286] : memref<8x64x128xf32, #tpu.memory_space<vmem>> -> memref<1x64x128xf32, #tpu.memory_space<vmem>>
      %dma_wait3A_288 = tpu.memref_squeeze %dma_wait3A_287 : memref<1x64x128xf32, #tpu.memory_space<vmem>> -> memref<64x128xf32, #tpu.memory_space<vmem>>
      %dma_wait3A_289 = tpu.memref_slice %arg6[%select_n3A_264, %mul3A_282] : memref<200x128xi32, #tpu.memory_space<vmem>> -> memref<1x64xi32, #tpu.memory_space<vmem>>
      %dma_wait3A_290 = tpu.memref_squeeze %dma_wait3A_289 : memref<1x64xi32, #tpu.memory_space<vmem>> -> memref<64xi32, #tpu.memory_space<vmem>>
      %dma_wait3A_291 = arith.constant 0 : i32
      %dma_wait3A_292 = arith.constant 0 : i32
      %dma_wait3A_293 = tpu.memref_slice %arg3[%dma_wait3A_291, %dma_wait3A_292] : memref<1000000x128xf32, #tpu.memory_space<hbm>> -> memref<1000000x128xf32, #tpu.memory_space<hbm>>
      %dma_wait3A_294 = tpu.memref_slice %arg9[%dma_wait3A_284] : memref<8x!tpu.dma_semaphore, #tpu.memory_space<semaphore_mem>> -> memref<1x!tpu.dma_semaphore, #tpu.memory_space<semaphore_mem>>
      %dma_wait3A_295 = tpu.memref_squeeze %dma_wait3A_294 : memref<1x!tpu.dma_semaphore, #tpu.memory_space<semaphore_mem>> -> memref<!tpu.dma_semaphore, #tpu.memory_space<semaphore_mem>>
      tpu.wait_indirect_dma semaphore(%dma_wait3A_295 : memref<!tpu.dma_semaphore, #tpu.memory_space<semaphore_mem>>) src(%dma_wait3A_293 : memref<1000000x128xf32, #tpu.memory_space<hbm>>) dst(%dma_wait3A_288 : memref<64x128xf32, #tpu.memory_space<vmem>>)
      %scan3A_296 = arith.constant 0 : i32
      %scan3A_297 = arith.constant 0 : i32
      %scan3A_298 = arith.constant 32 : i32
      %scan3A_299 = arith.addi %scan3A_297, %scan3A_298 : i32
      %scan3A_300 = arith.constant 1 : i32
      scf.for %scan3A_897 = %scan3A_297 to %scan3A_299 step %scan3A_300  : i32 {
        %mul3A_898 = arith.constant 2 : i32
        %mul3A_899 = arith.muli %scan3A_897, %mul3A_898 : i32
        %add3A_900 = arith.constant 0 : i32
        %add3A_901 = arith.addi %mul3A_899, %add3A_900 : i32
        %get3A_902 = arith.constant 1 : i32
        %get3A_903 = arith.index_cast %get3A_902 : i32 to index
        %get3A_904 = arith.index_cast %add3A_901 : i32 to index
        %get3A_905 = arith.constant 0 : index
        %get3A_906 = tpu.vector_load %arg7[%get3A_903, %get3A_904, %get3A_905] {strides = array<i32>} : memref<8x64x128xf32, #tpu.memory_space<vmem>>, vector<1x1x16xf32>,
        %get3A_907 = vector.shape_cast %get3A_906 : vector<1x1x16xf32> to vector<16xf32>
        %add3A_908 = arith.addf %get3A_907, %get3A_6 : vector<16xf32>
        %swap3A = arith.constant 1 : i32
        %swap3A_909 = arith.index_cast %swap3A : i32 to index
        %swap3A_910 = arith.index_cast %add3A_901 : i32 to index
        %swap3A_911 = arith.constant 0 : index
        %swap3A_912 = tpu.vector_load %arg7[%swap3A_909, %swap3A_910, %swap3A_911] {strides = array<i32>} : memref<8x64x128xf32, #tpu.memory_space<vmem>>, vector<1x1x16xf32>,
        %swap3A_913 = vector.shape_cast %swap3A_912 : vector<1x1x16xf32> to vector<16xf32>
        %swap3A_914 = vector.shape_cast %add3A_908 : vector<16xf32> to vector<1x1x16xf32>
        tpu.vector_store %arg7[%swap3A_909, %swap3A_910, %swap3A_911], %swap3A_914 {strides = array<i32>} : memref<8x64x128xf32, #tpu.memory_space<vmem>>, vector<1x1x16xf32>,
        %mul3A_915 = arith.constant 2 : i32
        %mul3A_916 = arith.muli %scan3A_897, %mul3A_915 : i32
        %add3A_917 = arith.constant 0 : i32
        %add3A_918 = arith.addi %mul3A_916, %add3A_917 : i32
        %get3A_919 = arith.constant 1 : i32
        %get3A_920 = arith.index_cast %get3A_919 : i32 to index
        %get3A_921 = arith.index_cast %add3A_918 : i32 to index
        %get3A_922 = arith.constant 16 : index
        %get3A_923 = tpu.vector_load %arg7[%get3A_920, %get3A_921, %get3A_922] {strides = array<i32>} : memref<8x64x128xf32, #tpu.memory_space<vmem>>, vector<1x1x16xf32>,
        %get3A_924 = vector.shape_cast %get3A_923 : vector<1x1x16xf32> to vector<16xf32>
        %add3A_925 = arith.addf %get3A_924, %get3A_9 : vector<16xf32>
        %swap3A_926 = arith.constant 1 : i32
        %swap3A_927 = arith.index_cast %swap3A_926 : i32 to index
        %swap3A_928 = arith.index_cast %add3A_918 : i32 to index
        %swap3A_929 = arith.constant 16 : index
        %swap3A_930 = tpu.vector_load %arg7[%swap3A_927, %swap3A_928, %swap3A_929] {strides = array<i32>} : memref<8x64x128xf32, #tpu.memory_space<vmem>>, vector<1x1x16xf32>,
        %swap3A_931 = vector.shape_cast %swap3A_930 : vector<1x1x16xf32> to vector<16xf32>
        %swap3A_932 = vector.shape_cast %add3A_925 : vector<16xf32> to vector<1x1x16xf32>
        tpu.vector_store %arg7[%swap3A_927, %swap3A_928, %swap3A_929], %swap3A_932 {strides = array<i32>} : memref<8x64x128xf32, #tpu.memory_space<vmem>>, vector<1x1x16xf32>,
        %mul3A_933 = arith.constant 2 : i32
        %mul3A_934 = arith.muli %scan3A_897, %mul3A_933 : i32
        %add3A_935 = arith.constant 0 : i32
        %add3A_936 = arith.addi %mul3A_934, %add3A_935 : i32
        %get3A_937 = arith.constant 1 : i32
        %get3A_938 = arith.index_cast %get3A_937 : i32 to index
        %get3A_939 = arith.index_cast %add3A_936 : i32 to index
        %get3A_940 = arith.constant 32 : index
        %get3A_941 = tpu.vector_load %arg7[%get3A_938, %get3A_939, %get3A_940] {strides = array<i32>} : memref<8x64x128xf32, #tpu.memory_space<vmem>>, vector<1x1x16xf32>,
        %get3A_942 = vector.shape_cast %get3A_941 : vector<1x1x16xf32> to vector<16xf32>
        %add3A_943 = arith.addf %get3A_942, %get3A_12 : vector<16xf32>
        %swap3A_944 = arith.constant 1 : i32
        %swap3A_945 = arith.index_cast %swap3A_944 : i32 to index
        %swap3A_946 = arith.index_cast %add3A_936 : i32 to index
        %swap3A_947 = arith.constant 32 : index
        %swap3A_948 = tpu.vector_load %arg7[%swap3A_945, %swap3A_946, %swap3A_947] {strides = array<i32>} : memref<8x64x128xf32, #tpu.memory_space<vmem>>, vector<1x1x16xf32>,
        %swap3A_949 = vector.shape_cast %swap3A_948 : vector<1x1x16xf32> to vector<16xf32>
        %swap3A_950 = vector.shape_cast %add3A_943 : vector<16xf32> to vector<1x1x16xf32>
        tpu.vector_store %arg7[%swap3A_945, %swap3A_946, %swap3A_947], %swap3A_950 {strides = array<i32>} : memref<8x64x128xf32, #tpu.memory_space<vmem>>, vector<1x1x16xf32>,
        %mul3A_951 = arith.constant 2 : i32
        %mul3A_952 = arith.muli %scan3A_897, %mul3A_951 : i32
        %add3A_953 = arith.constant 0 : i32
        %add3A_954 = arith.addi %mul3A_952, %add3A_953 : i32
        %get3A_955 = arith.constant 1 : i32
        %get3A_956 = arith.index_cast %get3A_955 : i32 to index
        %get3A_957 = arith.index_cast %add3A_954 : i32 to index
        %get3A_958 = arith.constant 48 : index
        %get3A_959 = tpu.vector_load %arg7[%get3A_956, %get3A_957, %get3A_958] {strides = array<i32>} : memref<8x64x128xf32, #tpu.memory_space<vmem>>, vector<1x1x16xf32>,
        %get3A_960 = vector.shape_cast %get3A_959 : vector<1x1x16xf32> to vector<16xf32>
        %add3A_961 = arith.addf %get3A_960, %get3A_15 : vector<16xf32>
        %swap3A_962 = arith.constant 1 : i32
        %swap3A_963 = arith.index_cast %swap3A_962 : i32 to index
        %swap3A_964 = arith.index_cast %add3A_954 : i32 to index
        %swap3A_965 = arith.constant 48 : index
        %swap3A_966 = tpu.vector_load %arg7[%swap3A_963, %swap3A_964, %swap3A_965] {strides = array<i32>} : memref<8x64x128xf32, #tpu.memory_space<vmem>>, vector<1x1x16xf32>,
        %swap3A_967 = vector.shape_cast %swap3A_966 : vector<1x1x16xf32> to vector<16xf32>
        %swap3A_968 = vector.shape_cast %add3A_961 : vector<16xf32> to vector<1x1x16xf32>
        tpu.vector_store %arg7[%swap3A_963, %swap3A_964, %swap3A_965], %swap3A_968 {strides = array<i32>} : memref<8x64x128xf32, #tpu.memory_space<vmem>>, vector<1x1x16xf32>,
        %mul3A_969 = arith.constant 2 : i32
        %mul3A_970 = arith.muli %scan3A_897, %mul3A_969 : i32
        %add3A_971 = arith.constant 1 : i32
        %add3A_972 = arith.addi %mul3A_970, %add3A_971 : i32
        %get3A_973 = arith.constant 1 : i32
        %get3A_974 = arith.index_cast %get3A_973 : i32 to index
        %get3A_975 = arith.index_cast %add3A_972 : i32 to index
        %get3A_976 = arith.constant 0 : index
        %get3A_977 = tpu.vector_load %arg7[%get3A_974, %get3A_975, %get3A_976] {strides = array<i32>} : memref<8x64x128xf32, #tpu.memory_space<vmem>>, vector<1x1x16xf32>,
        %get3A_978 = vector.shape_cast %get3A_977 : vector<1x1x16xf32> to vector<16xf32>
        %add3A_979 = arith.addf %get3A_978, %get3A_6 : vector<16xf32>
        %swap3A_980 = arith.constant 1 : i32
        %swap3A_981 = arith.index_cast %swap3A_980 : i32 to index
        %swap3A_982 = arith.index_cast %add3A_972 : i32 to index
        %swap3A_983 = arith.constant 0 : index
        %swap3A_984 = tpu.vector_load %arg7[%swap3A_981, %swap3A_982, %swap3A_983] {strides = array<i32>} : memref<8x64x128xf32, #tpu.memory_space<vmem>>, vector<1x1x16xf32>,
        %swap3A_985 = vector.shape_cast %swap3A_984 : vector<1x1x16xf32> to vector<16xf32>
        %swap3A_986 = vector.shape_cast %add3A_979 : vector<16xf32> to vector<1x1x16xf32>
        tpu.vector_store %arg7[%swap3A_981, %swap3A_982, %swap3A_983], %swap3A_986 {strides = array<i32>} : memref<8x64x128xf32, #tpu.memory_space<vmem>>, vector<1x1x16xf32>,
        %mul3A_987 = arith.constant 2 : i32
        %mul3A_988 = arith.muli %scan3A_897, %mul3A_987 : i32
        %add3A_989 = arith.constant 1 : i32
        %add3A_990 = arith.addi %mul3A_988, %add3A_989 : i32
        %get3A_991 = arith.constant 1 : i32
        %get3A_992 = arith.index_cast %get3A_991 : i32 to index
        %get3A_993 = arith.index_cast %add3A_990 : i32 to index
        %get3A_994 = arith.constant 16 : index
        %get3A_995 = tpu.vector_load %arg7[%get3A_992, %get3A_993, %get3A_994] {strides = array<i32>} : memref<8x64x128xf32, #tpu.memory_space<vmem>>, vector<1x1x16xf32>,
        %get3A_996 = vector.shape_cast %get3A_995 : vector<1x1x16xf32> to vector<16xf32>
        %add3A_997 = arith.addf %get3A_996, %get3A_9 : vector<16xf32>
        %swap3A_998 = arith.constant 1 : i32
        %swap3A_999 = arith.index_cast %swap3A_998 : i32 to index
        %swap3A_1000 = arith.index_cast %add3A_990 : i32 to index
        %swap3A_1001 = arith.constant 16 : index
        %swap3A_1002 = tpu.vector_load %arg7[%swap3A_999, %swap3A_1000, %swap3A_1001] {strides = array<i32>} : memref<8x64x128xf32, #tpu.memory_space<vmem>>, vector<1x1x16xf32>,
        %swap3A_1003 = vector.shape_cast %swap3A_1002 : vector<1x1x16xf32> to vector<16xf32>
        %swap3A_1004 = vector.shape_cast %add3A_997 : vector<16xf32> to vector<1x1x16xf32>
        tpu.vector_store %arg7[%swap3A_999, %swap3A_1000, %swap3A_1001], %swap3A_1004 {strides = array<i32>} : memref<8x64x128xf32, #tpu.memory_space<vmem>>, vector<1x1x16xf32>,
        %mul3A_1005 = arith.constant 2 : i32
        %mul3A_1006 = arith.muli %scan3A_897, %mul3A_1005 : i32
        %add3A_1007 = arith.constant 1 : i32
        %add3A_1008 = arith.addi %mul3A_1006, %add3A_1007 : i32
        %get3A_1009 = arith.constant 1 : i32
        %get3A_1010 = arith.index_cast %get3A_1009 : i32 to index
        %get3A_1011 = arith.index_cast %add3A_1008 : i32 to index
        %get3A_1012 = arith.constant 32 : index
        %get3A_1013 = tpu.vector_load %arg7[%get3A_1010, %get3A_1011, %get3A_1012] {strides = array<i32>} : memref<8x64x128xf32, #tpu.memory_space<vmem>>, vector<1x1x16xf32>,
        %get3A_1014 = vector.shape_cast %get3A_1013 : vector<1x1x16xf32> to vector<16xf32>
        %add3A_1015 = arith.addf %get3A_1014, %get3A_12 : vector<16xf32>
        %swap3A_1016 = arith.constant 1 : i32
        %swap3A_1017 = arith.index_cast %swap3A_1016 : i32 to index
        %swap3A_1018 = arith.index_cast %add3A_1008 : i32 to index
        %swap3A_1019 = arith.constant 32 : index
        %swap3A_1020 = tpu.vector_load %arg7[%swap3A_1017, %swap3A_1018, %swap3A_1019] {strides = array<i32>} : memref<8x64x128xf32, #tpu.memory_space<vmem>>, vector<1x1x16xf32>,
        %swap3A_1021 = vector.shape_cast %swap3A_1020 : vector<1x1x16xf32> to vector<16xf32>
        %swap3A_1022 = vector.shape_cast %add3A_1015 : vector<16xf32> to vector<1x1x16xf32>
        tpu.vector_store %arg7[%swap3A_1017, %swap3A_1018, %swap3A_1019], %swap3A_1022 {strides = array<i32>} : memref<8x64x128xf32, #tpu.memory_space<vmem>>, vector<1x1x16xf32>,
        %mul3A_1023 = arith.constant 2 : i32
        %mul3A_1024 = arith.muli %scan3A_897, %mul3A_1023 : i32
        %add3A_1025 = arith.constant 1 : i32
        %add3A_1026 = arith.addi %mul3A_1024, %add3A_1025 : i32
        %get3A_1027 = arith.constant 1 : i32
        %get3A_1028 = arith.index_cast %get3A_1027 : i32 to index
        %get3A_1029 = arith.index_cast %add3A_1026 : i32 to index
        %get3A_1030 = arith.constant 48 : index
        %get3A_1031 = tpu.vector_load %arg7[%get3A_1028, %get3A_1029, %get3A_1030] {strides = array<i32>} : memref<8x64x128xf32, #tpu.memory_space<vmem>>, vector<1x1x16xf32>,
        %get3A_1032 = vector.shape_cast %get3A_1031 : vector<1x1x16xf32> to vector<16xf32>
        %add3A_1033 = arith.addf %get3A_1032, %get3A_15 : vector<16xf32>
        %swap3A_1034 = arith.constant 1 : i32
        %swap3A_1035 = arith.index_cast %swap3A_1034 : i32 to index
        %swap3A_1036 = arith.index_cast %add3A_1026 : i32 to index
        %swap3A_1037 = arith.constant 48 : index
        %swap3A_1038 = tpu.vector_load %arg7[%swap3A_1035, %swap3A_1036, %swap3A_1037] {strides = array<i32>} : memref<8x64x128xf32, #tpu.memory_space<vmem>>, vector<1x1x16xf32>,
        %swap3A_1039 = vector.shape_cast %swap3A_1038 : vector<1x1x16xf32> to vector<16xf32>
        %swap3A_1040 = vector.shape_cast %add3A_1033 : vector<16xf32> to vector<1x1x16xf32>
        tpu.vector_store %arg7[%swap3A_1035, %swap3A_1036, %swap3A_1037], %swap3A_1040 {strides = array<i32>} : memref<8x64x128xf32, #tpu.memory_space<vmem>>, vector<1x1x16xf32>,
      }
      %scan3A_301 = arith.constant 32 : i32
      %mul3A_302 = arith.constant 64 : i32
      %mul3A_303 = arith.muli %add3A_228, %mul3A_302 : i32
      %add3A_304 = arith.addi %mul3A_2, %mul3A_303 : i32
      %dma_start3A_305 = arith.constant 1 : i32
      %dma_start3A_306 = arith.constant 1 : i32
      %dma_start3A_307 = arith.constant 0 : i32
      %dma_start3A_308 = arith.constant 0 : i32
      %dma_start3A_309 = tpu.memref_slice %arg7[%dma_start3A_305, %dma_start3A_307, %dma_start3A_308] : memref<8x64x128xf32, #tpu.memory_space<vmem>> -> memref<1x64x128xf32, #tpu.memory_space<vmem>>
      %dma_start3A_310 = tpu.memref_squeeze %dma_start3A_309 : memref<1x64x128xf32, #tpu.memory_space<vmem>> -> memref<64x128xf32, #tpu.memory_space<vmem>>
      %dma_start3A_311 = arith.constant 0 : i32
      %dma_start3A_312 = tpu.memref_slice %arg5[%add3A_304, %dma_start3A_311] : memref<819200x128xf32, #tpu.memory_space<hbm>> -> memref<64x128xf32, #tpu.memory_space<hbm>>
      %dma_start3A_313 = tpu.memref_slice %arg10[%dma_start3A_306] : memref<8x!tpu.dma_semaphore, #tpu.memory_space<semaphore_mem>> -> memref<1x!tpu.dma_semaphore, #tpu.memory_space<semaphore_mem>>
      %dma_start3A_314 = tpu.memref_squeeze %dma_start3A_313 : memref<1x!tpu.dma_semaphore, #tpu.memory_space<semaphore_mem>> -> memref<!tpu.dma_semaphore, #tpu.memory_space<semaphore_mem>>
      %dma_start3A_315 = arith.constant 0 : i32
      %dma_start3A_316 = tpu.memref_slice %arg5[%add3A_304, %dma_start3A_315] : memref<819200x128xf32, #tpu.memory_space<hbm>> -> memref<64x128xf32, #tpu.memory_space<hbm>>
      %dma_start3A_317 = arith.constant 0 : i32
      %dma_start3A_318 = arith.constant 0 : i32
      %dma_start3A_319 = tpu.memref_slice %arg7[%dma_start3A_305, %dma_start3A_317, %dma_start3A_318] : memref<8x64x128xf32, #tpu.memory_space<vmem>> -> memref<1x64x128xf32, #tpu.memory_space<vmem>>
      %dma_start3A_320 = tpu.memref_squeeze %dma_start3A_319 : memref<1x64x128xf32, #tpu.memory_space<vmem>> -> memref<64x128xf32, #tpu.memory_space<vmem>>
      tpu.enqueue_dma source(%dma_start3A_320 : memref<64x128xf32, #tpu.memory_space<vmem>>) target(%dma_start3A_316 : memref<64x128xf32, #tpu.memory_space<hbm>>) target_semaphore(%dma_start3A_314 : memref<!tpu.dma_semaphore, #tpu.memory_space<semaphore_mem>>)
      %mul3A_321 = arith.constant 8 : i32
      %mul3A_322 = arith.muli %scan3A_141, %mul3A_321 : i32
      %add3A_323 = arith.constant 2 : i32
      %add3A_324 = arith.addi %mul3A_322, %add3A_323 : i32
      %add3A_325 = arith.constant 6 : i32
      %add3A_326 = arith.addi %add3A_324, %add3A_325 : i32
      %gt3A_327 = arith.constant 1 : i32
      %gt3A_328 = arith.cmpi sgt, %add3A_324, %gt3A_327 : i32
      %convert_element_type3A_329 = arith.extui %gt3A_328 : i1 to i32
      %cond3A_330 = arith.constant 0 : i32
      %cond3A_331 = arith.cmpi ne, %convert_element_type3A_329, %cond3A_330 : i32
      scf.if %cond3A_331 {
        %dma_wait3A_897 = arith.constant 0 : i32
        %dma_wait3A_898 = arith.constant 0 : i32
        %dma_wait3A_899 = arith.constant 0 : i32
        %dma_wait3A_900 = arith.constant 0 : i32
        %dma_wait3A_901 = tpu.memref_slice %arg7[%dma_wait3A_897, %dma_wait3A_899, %dma_wait3A_900] : memref<8x64x128xf32, #tpu.memory_space<vmem>> -> memref<1x64x128xf32, #tpu.memory_space<vmem>>
        %dma_wait3A_902 = tpu.memref_squeeze %dma_wait3A_901 : memref<1x64x128xf32, #tpu.memory_space<vmem>> -> memref<64x128xf32, #tpu.memory_space<vmem>>
        %dma_wait3A_903 = arith.constant 0 : i32
        %dma_wait3A_904 = tpu.memref_slice %arg5[%mul3A_2, %dma_wait3A_903] : memref<819200x128xf32, #tpu.memory_space<hbm>> -> memref<64x128xf32, #tpu.memory_space<hbm>>
        %dma_wait3A_905 = tpu.memref_slice %arg10[%dma_wait3A_898] : memref<8x!tpu.dma_semaphore, #tpu.memory_space<semaphore_mem>> -> memref<1x!tpu.dma_semaphore, #tpu.memory_space<semaphore_mem>>
        %dma_wait3A_906 = tpu.memref_squeeze %dma_wait3A_905 : memref<1x!tpu.dma_semaphore, #tpu.memory_space<semaphore_mem>> -> memref<!tpu.dma_semaphore, #tpu.memory_space<semaphore_mem>>
        %dma_wait3A_907 = arith.constant 0 : i32
        %dma_wait3A_908 = tpu.memref_slice %arg5[%mul3A_2, %dma_wait3A_907] : memref<819200x128xf32, #tpu.memory_space<hbm>> -> memref<64x128xf32, #tpu.memory_space<hbm>>
        %dma_wait3A_909 = arith.constant 0 : i32
        %dma_wait3A_910 = arith.constant 0 : i32
        %dma_wait3A_911 = tpu.memref_slice %arg7[%dma_wait3A_897, %dma_wait3A_909, %dma_wait3A_910] : memref<8x64x128xf32, #tpu.memory_space<vmem>> -> memref<1x64x128xf32, #tpu.memory_space<vmem>>
        %dma_wait3A_912 = tpu.memref_squeeze %dma_wait3A_911 : memref<1x64x128xf32, #tpu.memory_space<vmem>> -> memref<64x128xf32, #tpu.memory_space<vmem>>
        tpu.wait_dma2 semaphore(%dma_wait3A_906 : memref<!tpu.dma_semaphore, #tpu.memory_space<semaphore_mem>>) src(%dma_wait3A_912 : memref<64x128xf32, #tpu.memory_space<vmem>>) dst(%dma_wait3A_908 : memref<64x128xf32, #tpu.memory_space<hbm>>)
      } else {
      }
      %lt3A_332 = arith.constant 400 : i32
      %lt3A_333 = arith.cmpi slt, %add3A_326, %lt3A_332 : i32
      %convert_element_type3A_334 = arith.extui %lt3A_333 : i1 to i32
      %cond3A_335 = arith.constant 0 : i32
      %cond3A_336 = arith.cmpi ne, %convert_element_type3A_334, %cond3A_335 : i32
      scf.if %cond3A_336 {
        %jit3A_897 = arith.constant 2 : i32
        %div3A_898 = arith.divsi %add3A_326, %jit3A_897 : i32
        %sign3A_899 = arith.constant 0 : i32
        %sign3A_900 = arith.cmpi sgt, %add3A_326, %sign3A_899 : i32
        %sign3A_901 = arith.extui %sign3A_900 : i1 to i32
        %sign3A_902 = arith.constant 0 : i32
        %sign3A_903 = arith.cmpi slt, %add3A_326, %sign3A_902 : i32
        %sign3A_904 = arith.extui %sign3A_903 : i1 to i32
        %sign3A_905 = arith.subi %sign3A_901, %sign3A_904 : i32
        %sign3A_906 = arith.constant 0 : i32
        %sign3A_907 = arith.cmpi sgt, %jit3A_897, %sign3A_906 : i32
        %sign3A_908 = arith.extui %sign3A_907 : i1 to i32
        %sign3A_909 = arith.constant 0 : i32
        %sign3A_910 = arith.cmpi slt, %jit3A_897, %sign3A_909 : i32
        %sign3A_911 = arith.extui %sign3A_910 : i1 to i32
        %sign3A_912 = arith.subi %sign3A_908, %sign3A_911 : i32
        %ne3A_913 = arith.cmpi ne, %sign3A_905, %sign3A_912 : i32
        %rem3A_914 = arith.remsi %add3A_326, %jit3A_897 : i32
        %ne3A_915 = arith.constant 0 : i32
        %ne3A_916 = arith.cmpi ne, %rem3A_914, %ne3A_915 : i32
        %and3A_917 = arith.andi %ne3A_913, %ne3A_916 : i1
        %sub3A_918 = arith.constant 1 : i32
        %sub3A_919 = arith.subi %div3A_898, %sub3A_918 : i32
        %select_n3A_920 = arith.select %and3A_917, %sub3A_919, %div3A_898 : i32
        %jit3A_921 = arith.constant 2 : i32
        %eq3A_922 = arith.constant 0 : i32
        %eq3A_923 = arith.cmpi eq, %jit3A_921, %eq3A_922 : i32
        %jit3A_924 = arith.constant 1 : i32
        %select_n3A_925 = arith.select %eq3A_923, %jit3A_924, %jit3A_921 : i32
        %rem3A_926 = arith.remsi %add3A_326, %select_n3A_925 : i32
        %ne3A_927 = arith.constant 0 : i32
        %ne3A_928 = arith.cmpi ne, %rem3A_926, %ne3A_927 : i32
        %lt3A_929 = arith.constant 0 : i32
        %lt3A_930 = arith.cmpi slt, %rem3A_926, %lt3A_929 : i32
        %lt3A_931 = arith.constant 0 : i32
        %lt3A_932 = arith.cmpi slt, %select_n3A_925, %lt3A_931 : i32
        %ne3A_933 = arith.xori %lt3A_930, %lt3A_932 : i1
        %and3A_934 = arith.andi %ne3A_933, %ne3A_928 : i1
        %add3A_935 = arith.addi %rem3A_926, %select_n3A_925 : i32
        %select_n3A_936 = arith.select %and3A_934, %add3A_935, %rem3A_926 : i32
        %mul3A_937 = arith.constant 64 : i32
        %mul3A_938 = arith.muli %select_n3A_936, %mul3A_937 : i32
        %dma_start3A_939 = arith.constant 0 : i32
        %dma_start3A_940 = arith.constant 0 : i32
        %dma_start3A_941 = arith.constant 0 : i32
        %dma_start3A_942 = arith.constant 0 : i32
        %dma_start3A_943 = tpu.memref_slice %arg7[%dma_start3A_939, %dma_start3A_941, %dma_start3A_942] : memref<8x64x128xf32, #tpu.memory_space<vmem>> -> memref<1x64x128xf32, #tpu.memory_space<vmem>>
        %dma_start3A_944 = tpu.memref_squeeze %dma_start3A_943 : memref<1x64x128xf32, #tpu.memory_space<vmem>> -> memref<64x128xf32, #tpu.memory_space<vmem>>
        %dma_start3A_945 = tpu.memref_slice %arg6[%select_n3A_920, %mul3A_938] : memref<200x128xi32, #tpu.memory_space<vmem>> -> memref<1x64xi32, #tpu.memory_space<vmem>>
        %dma_start3A_946 = tpu.memref_squeeze %dma_start3A_945 : memref<1x64xi32, #tpu.memory_space<vmem>> -> memref<64xi32, #tpu.memory_space<vmem>>
        %dma_start3A_947 = arith.constant 0 : i32
        %dma_start3A_948 = arith.constant 0 : i32
        %dma_start3A_949 = tpu.memref_slice %arg3[%dma_start3A_947, %dma_start3A_948] : memref<1000000x128xf32, #tpu.memory_space<hbm>> -> memref<1000000x128xf32, #tpu.memory_space<hbm>>
        %dma_start3A_950 = tpu.memref_slice %arg9[%dma_start3A_940] : memref<8x!tpu.dma_semaphore, #tpu.memory_space<semaphore_mem>> -> memref<1x!tpu.dma_semaphore, #tpu.memory_space<semaphore_mem>>
        %dma_start3A_951 = tpu.memref_squeeze %dma_start3A_950 : memref<1x!tpu.dma_semaphore, #tpu.memory_space<semaphore_mem>> -> memref<!tpu.dma_semaphore, #tpu.memory_space<semaphore_mem>>
        tpu.enqueue_indirect_dma source(%dma_start3A_949 : memref<1000000x128xf32, #tpu.memory_space<hbm>>) target(%dma_start3A_944 : memref<64x128xf32, #tpu.memory_space<vmem>>) offsets(%dma_start3A_946 : memref<64xi32, #tpu.memory_space<vmem>>) semaphore(%dma_start3A_951 : memref<!tpu.dma_semaphore, #tpu.memory_space<semaphore_mem>>)
      } else {
      }
      %jit3A_337 = arith.constant 2 : i32
      %div3A_338 = arith.divsi %add3A_324, %jit3A_337 : i32
      %sign3A_339 = arith.constant 0 : i32
      %sign3A_340 = arith.cmpi sgt, %add3A_324, %sign3A_339 : i32
      %sign3A_341 = arith.extui %sign3A_340 : i1 to i32
      %sign3A_342 = arith.constant 0 : i32
      %sign3A_343 = arith.cmpi slt, %add3A_324, %sign3A_342 : i32
      %sign3A_344 = arith.extui %sign3A_343 : i1 to i32
      %sign3A_345 = arith.subi %sign3A_341, %sign3A_344 : i32
      %sign3A_346 = arith.constant 0 : i32
      %sign3A_347 = arith.cmpi sgt, %jit3A_337, %sign3A_346 : i32
      %sign3A_348 = arith.extui %sign3A_347 : i1 to i32
      %sign3A_349 = arith.constant 0 : i32
      %sign3A_350 = arith.cmpi slt, %jit3A_337, %sign3A_349 : i32
      %sign3A_351 = arith.extui %sign3A_350 : i1 to i32
      %sign3A_352 = arith.subi %sign3A_348, %sign3A_351 : i32
      %ne3A_353 = arith.cmpi ne, %sign3A_345, %sign3A_352 : i32
      %rem3A_354 = arith.remsi %add3A_324, %jit3A_337 : i32
      %ne3A_355 = arith.constant 0 : i32
      %ne3A_356 = arith.cmpi ne, %rem3A_354, %ne3A_355 : i32
      %and3A_357 = arith.andi %ne3A_353, %ne3A_356 : i1
      %sub3A_358 = arith.constant 1 : i32
      %sub3A_359 = arith.subi %div3A_338, %sub3A_358 : i32
      %select_n3A_360 = arith.select %and3A_357, %sub3A_359, %div3A_338 : i32
      %jit3A_361 = arith.constant 2 : i32
      %eq3A_362 = arith.constant 0 : i32
      %eq3A_363 = arith.cmpi eq, %jit3A_361, %eq3A_362 : i32
      %jit3A_364 = arith.constant 1 : i32
      %select_n3A_365 = arith.select %eq3A_363, %jit3A_364, %jit3A_361 : i32
      %rem3A_366 = arith.remsi %add3A_324, %select_n3A_365 : i32
      %ne3A_367 = arith.constant 0 : i32
      %ne3A_368 = arith.cmpi ne, %rem3A_366, %ne3A_367 : i32
      %lt3A_369 = arith.constant 0 : i32
      %lt3A_370 = arith.cmpi slt, %rem3A_366, %lt3A_369 : i32
      %lt3A_371 = arith.constant 0 : i32
      %lt3A_372 = arith.cmpi slt, %select_n3A_365, %lt3A_371 : i32
      %ne3A_373 = arith.xori %lt3A_370, %lt3A_372 : i1
      %and3A_374 = arith.andi %ne3A_373, %ne3A_368 : i1
      %add3A_375 = arith.addi %rem3A_366, %select_n3A_365 : i32
      %select_n3A_376 = arith.select %and3A_374, %add3A_375, %rem3A_366 : i32
      %mul3A_377 = arith.constant 64 : i32
      %mul3A_378 = arith.muli %select_n3A_376, %mul3A_377 : i32
      %dma_wait3A_379 = arith.constant 2 : i32
      %dma_wait3A_380 = arith.constant 2 : i32
      %dma_wait3A_381 = arith.constant 0 : i32
      %dma_wait3A_382 = arith.constant 0 : i32
      %dma_wait3A_383 = tpu.memref_slice %arg7[%dma_wait3A_379, %dma_wait3A_381, %dma_wait3A_382] : memref<8x64x128xf32, #tpu.memory_space<vmem>> -> memref<1x64x128xf32, #tpu.memory_space<vmem>>
      %dma_wait3A_384 = tpu.memref_squeeze %dma_wait3A_383 : memref<1x64x128xf32, #tpu.memory_space<vmem>> -> memref<64x128xf32, #tpu.memory_space<vmem>>
      %dma_wait3A_385 = tpu.memref_slice %arg6[%select_n3A_360, %mul3A_378] : memref<200x128xi32, #tpu.memory_space<vmem>> -> memref<1x64xi32, #tpu.memory_space<vmem>>
      %dma_wait3A_386 = tpu.memref_squeeze %dma_wait3A_385 : memref<1x64xi32, #tpu.memory_space<vmem>> -> memref<64xi32, #tpu.memory_space<vmem>>
      %dma_wait3A_387 = arith.constant 0 : i32
      %dma_wait3A_388 = arith.constant 0 : i32
      %dma_wait3A_389 = tpu.memref_slice %arg3[%dma_wait3A_387, %dma_wait3A_388] : memref<1000000x128xf32, #tpu.memory_space<hbm>> -> memref<1000000x128xf32, #tpu.memory_space<hbm>>
      %dma_wait3A_390 = tpu.memref_slice %arg9[%dma_wait3A_380] : memref<8x!tpu.dma_semaphore, #tpu.memory_space<semaphore_mem>> -> memref<1x!tpu.dma_semaphore, #tpu.memory_space<semaphore_mem>>
      %dma_wait3A_391 = tpu.memref_squeeze %dma_wait3A_390 : memref<1x!tpu.dma_semaphore, #tpu.memory_space<semaphore_mem>> -> memref<!tpu.dma_semaphore, #tpu.memory_space<semaphore_mem>>
      tpu.wait_indirect_dma semaphore(%dma_wait3A_391 : memref<!tpu.dma_semaphore, #tpu.memory_space<semaphore_mem>>) src(%dma_wait3A_389 : memref<1000000x128xf32, #tpu.memory_space<hbm>>) dst(%dma_wait3A_384 : memref<64x128xf32, #tpu.memory_space<vmem>>)
      %scan3A_392 = arith.constant 0 : i32
      %scan3A_393 = arith.constant 0 : i32
      %scan3A_394 = arith.constant 32 : i32
      %scan3A_395 = arith.addi %scan3A_393, %scan3A_394 : i32
      %scan3A_396 = arith.constant 1 : i32
      scf.for %scan3A_897 = %scan3A_393 to %scan3A_395 step %scan3A_396  : i32 {
        %mul3A_898 = arith.constant 2 : i32
        %mul3A_899 = arith.muli %scan3A_897, %mul3A_898 : i32
        %add3A_900 = arith.constant 0 : i32
        %add3A_901 = arith.addi %mul3A_899, %add3A_900 : i32
        %get3A_902 = arith.constant 2 : i32
        %get3A_903 = arith.index_cast %get3A_902 : i32 to index
        %get3A_904 = arith.index_cast %add3A_901 : i32 to index
        %get3A_905 = arith.constant 0 : index
        %get3A_906 = tpu.vector_load %arg7[%get3A_903, %get3A_904, %get3A_905] {strides = array<i32>} : memref<8x64x128xf32, #tpu.memory_space<vmem>>, vector<1x1x16xf32>,
        %get3A_907 = vector.shape_cast %get3A_906 : vector<1x1x16xf32> to vector<16xf32>
        %add3A_908 = arith.addf %get3A_907, %get3A_6 : vector<16xf32>
        %swap3A = arith.constant 2 : i32
        %swap3A_909 = arith.index_cast %swap3A : i32 to index
        %swap3A_910 = arith.index_cast %add3A_901 : i32 to index
        %swap3A_911 = arith.constant 0 : index
        %swap3A_912 = tpu.vector_load %arg7[%swap3A_909, %swap3A_910, %swap3A_911] {strides = array<i32>} : memref<8x64x128xf32, #tpu.memory_space<vmem>>, vector<1x1x16xf32>,
        %swap3A_913 = vector.shape_cast %swap3A_912 : vector<1x1x16xf32> to vector<16xf32>
        %swap3A_914 = vector.shape_cast %add3A_908 : vector<16xf32> to vector<1x1x16xf32>
        tpu.vector_store %arg7[%swap3A_909, %swap3A_910, %swap3A_911], %swap3A_914 {strides = array<i32>} : memref<8x64x128xf32, #tpu.memory_space<vmem>>, vector<1x1x16xf32>,
        %mul3A_915 = arith.constant 2 : i32
        %mul3A_916 = arith.muli %scan3A_897, %mul3A_915 : i32
        %add3A_917 = arith.constant 0 : i32
        %add3A_918 = arith.addi %mul3A_916, %add3A_917 : i32
        %get3A_919 = arith.constant 2 : i32
        %get3A_920 = arith.index_cast %get3A_919 : i32 to index
        %get3A_921 = arith.index_cast %add3A_918 : i32 to index
        %get3A_922 = arith.constant 16 : index
        %get3A_923 = tpu.vector_load %arg7[%get3A_920, %get3A_921, %get3A_922] {strides = array<i32>} : memref<8x64x128xf32, #tpu.memory_space<vmem>>, vector<1x1x16xf32>,
        %get3A_924 = vector.shape_cast %get3A_923 : vector<1x1x16xf32> to vector<16xf32>
        %add3A_925 = arith.addf %get3A_924, %get3A_9 : vector<16xf32>
        %swap3A_926 = arith.constant 2 : i32
        %swap3A_927 = arith.index_cast %swap3A_926 : i32 to index
        %swap3A_928 = arith.index_cast %add3A_918 : i32 to index
        %swap3A_929 = arith.constant 16 : index
        %swap3A_930 = tpu.vector_load %arg7[%swap3A_927, %swap3A_928, %swap3A_929] {strides = array<i32>} : memref<8x64x128xf32, #tpu.memory_space<vmem>>, vector<1x1x16xf32>,
        %swap3A_931 = vector.shape_cast %swap3A_930 : vector<1x1x16xf32> to vector<16xf32>
        %swap3A_932 = vector.shape_cast %add3A_925 : vector<16xf32> to vector<1x1x16xf32>
        tpu.vector_store %arg7[%swap3A_927, %swap3A_928, %swap3A_929], %swap3A_932 {strides = array<i32>} : memref<8x64x128xf32, #tpu.memory_space<vmem>>, vector<1x1x16xf32>,
        %mul3A_933 = arith.constant 2 : i32
        %mul3A_934 = arith.muli %scan3A_897, %mul3A_933 : i32
        %add3A_935 = arith.constant 0 : i32
        %add3A_936 = arith.addi %mul3A_934, %add3A_935 : i32
        %get3A_937 = arith.constant 2 : i32
        %get3A_938 = arith.index_cast %get3A_937 : i32 to index
        %get3A_939 = arith.index_cast %add3A_936 : i32 to index
        %get3A_940 = arith.constant 32 : index
        %get3A_941 = tpu.vector_load %arg7[%get3A_938, %get3A_939, %get3A_940] {strides = array<i32>} : memref<8x64x128xf32, #tpu.memory_space<vmem>>, vector<1x1x16xf32>,
        %get3A_942 = vector.shape_cast %get3A_941 : vector<1x1x16xf32> to vector<16xf32>
        %add3A_943 = arith.addf %get3A_942, %get3A_12 : vector<16xf32>
        %swap3A_944 = arith.constant 2 : i32
        %swap3A_945 = arith.index_cast %swap3A_944 : i32 to index
        %swap3A_946 = arith.index_cast %add3A_936 : i32 to index
        %swap3A_947 = arith.constant 32 : index
        %swap3A_948 = tpu.vector_load %arg7[%swap3A_945, %swap3A_946, %swap3A_947] {strides = array<i32>} : memref<8x64x128xf32, #tpu.memory_space<vmem>>, vector<1x1x16xf32>,
        %swap3A_949 = vector.shape_cast %swap3A_948 : vector<1x1x16xf32> to vector<16xf32>
        %swap3A_950 = vector.shape_cast %add3A_943 : vector<16xf32> to vector<1x1x16xf32>
        tpu.vector_store %arg7[%swap3A_945, %swap3A_946, %swap3A_947], %swap3A_950 {strides = array<i32>} : memref<8x64x128xf32, #tpu.memory_space<vmem>>, vector<1x1x16xf32>,
        %mul3A_951 = arith.constant 2 : i32
        %mul3A_952 = arith.muli %scan3A_897, %mul3A_951 : i32
        %add3A_953 = arith.constant 0 : i32
        %add3A_954 = arith.addi %mul3A_952, %add3A_953 : i32
        %get3A_955 = arith.constant 2 : i32
        %get3A_956 = arith.index_cast %get3A_955 : i32 to index
        %get3A_957 = arith.index_cast %add3A_954 : i32 to index
        %get3A_958 = arith.constant 48 : index
        %get3A_959 = tpu.vector_load %arg7[%get3A_956, %get3A_957, %get3A_958] {strides = array<i32>} : memref<8x64x128xf32, #tpu.memory_space<vmem>>, vector<1x1x16xf32>,
        %get3A_960 = vector.shape_cast %get3A_959 : vector<1x1x16xf32> to vector<16xf32>
        %add3A_961 = arith.addf %get3A_960, %get3A_15 : vector<16xf32>
        %swap3A_962 = arith.constant 2 : i32
        %swap3A_963 = arith.index_cast %swap3A_962 : i32 to index
        %swap3A_964 = arith.index_cast %add3A_954 : i32 to index
        %swap3A_965 = arith.constant 48 : index
        %swap3A_966 = tpu.vector_load %arg7[%swap3A_963, %swap3A_964, %swap3A_965] {strides = array<i32>} : memref<8x64x128xf32, #tpu.memory_space<vmem>>, vector<1x1x16xf32>,
        %swap3A_967 = vector.shape_cast %swap3A_966 : vector<1x1x16xf32> to vector<16xf32>
        %swap3A_968 = vector.shape_cast %add3A_961 : vector<16xf32> to vector<1x1x16xf32>
        tpu.vector_store %arg7[%swap3A_963, %swap3A_964, %swap3A_965], %swap3A_968 {strides = array<i32>} : memref<8x64x128xf32, #tpu.memory_space<vmem>>, vector<1x1x16xf32>,
        %mul3A_969 = arith.constant 2 : i32
        %mul3A_970 = arith.muli %scan3A_897, %mul3A_969 : i32
        %add3A_971 = arith.constant 1 : i32
        %add3A_972 = arith.addi %mul3A_970, %add3A_971 : i32
        %get3A_973 = arith.constant 2 : i32
        %get3A_974 = arith.index_cast %get3A_973 : i32 to index
        %get3A_975 = arith.index_cast %add3A_972 : i32 to index
        %get3A_976 = arith.constant 0 : index
        %get3A_977 = tpu.vector_load %arg7[%get3A_974, %get3A_975, %get3A_976] {strides = array<i32>} : memref<8x64x128xf32, #tpu.memory_space<vmem>>, vector<1x1x16xf32>,
        %get3A_978 = vector.shape_cast %get3A_977 : vector<1x1x16xf32> to vector<16xf32>
        %add3A_979 = arith.addf %get3A_978, %get3A_6 : vector<16xf32>
        %swap3A_980 = arith.constant 2 : i32
        %swap3A_981 = arith.index_cast %swap3A_980 : i32 to index
        %swap3A_982 = arith.index_cast %add3A_972 : i32 to index
        %swap3A_983 = arith.constant 0 : index
        %swap3A_984 = tpu.vector_load %arg7[%swap3A_981, %swap3A_982, %swap3A_983] {strides = array<i32>} : memref<8x64x128xf32, #tpu.memory_space<vmem>>, vector<1x1x16xf32>,
        %swap3A_985 = vector.shape_cast %swap3A_984 : vector<1x1x16xf32> to vector<16xf32>
        %swap3A_986 = vector.shape_cast %add3A_979 : vector<16xf32> to vector<1x1x16xf32>
        tpu.vector_store %arg7[%swap3A_981, %swap3A_982, %swap3A_983], %swap3A_986 {strides = array<i32>} : memref<8x64x128xf32, #tpu.memory_space<vmem>>, vector<1x1x16xf32>,
        %mul3A_987 = arith.constant 2 : i32
        %mul3A_988 = arith.muli %scan3A_897, %mul3A_987 : i32
        %add3A_989 = arith.constant 1 : i32
        %add3A_990 = arith.addi %mul3A_988, %add3A_989 : i32
        %get3A_991 = arith.constant 2 : i32
        %get3A_992 = arith.index_cast %get3A_991 : i32 to index
        %get3A_993 = arith.index_cast %add3A_990 : i32 to index
        %get3A_994 = arith.constant 16 : index
        %get3A_995 = tpu.vector_load %arg7[%get3A_992, %get3A_993, %get3A_994] {strides = array<i32>} : memref<8x64x128xf32, #tpu.memory_space<vmem>>, vector<1x1x16xf32>,
        %get3A_996 = vector.shape_cast %get3A_995 : vector<1x1x16xf32> to vector<16xf32>
        %add3A_997 = arith.addf %get3A_996, %get3A_9 : vector<16xf32>
        %swap3A_998 = arith.constant 2 : i32
        %swap3A_999 = arith.index_cast %swap3A_998 : i32 to index
        %swap3A_1000 = arith.index_cast %add3A_990 : i32 to index
        %swap3A_1001 = arith.constant 16 : index
        %swap3A_1002 = tpu.vector_load %arg7[%swap3A_999, %swap3A_1000, %swap3A_1001] {strides = array<i32>} : memref<8x64x128xf32, #tpu.memory_space<vmem>>, vector<1x1x16xf32>,
        %swap3A_1003 = vector.shape_cast %swap3A_1002 : vector<1x1x16xf32> to vector<16xf32>
        %swap3A_1004 = vector.shape_cast %add3A_997 : vector<16xf32> to vector<1x1x16xf32>
        tpu.vector_store %arg7[%swap3A_999, %swap3A_1000, %swap3A_1001], %swap3A_1004 {strides = array<i32>} : memref<8x64x128xf32, #tpu.memory_space<vmem>>, vector<1x1x16xf32>,
        %mul3A_1005 = arith.constant 2 : i32
        %mul3A_1006 = arith.muli %scan3A_897, %mul3A_1005 : i32
        %add3A_1007 = arith.constant 1 : i32
        %add3A_1008 = arith.addi %mul3A_1006, %add3A_1007 : i32
        %get3A_1009 = arith.constant 2 : i32
        %get3A_1010 = arith.index_cast %get3A_1009 : i32 to index
        %get3A_1011 = arith.index_cast %add3A_1008 : i32 to index
        %get3A_1012 = arith.constant 32 : index
        %get3A_1013 = tpu.vector_load %arg7[%get3A_1010, %get3A_1011, %get3A_1012] {strides = array<i32>} : memref<8x64x128xf32, #tpu.memory_space<vmem>>, vector<1x1x16xf32>,
        %get3A_1014 = vector.shape_cast %get3A_1013 : vector<1x1x16xf32> to vector<16xf32>
        %add3A_1015 = arith.addf %get3A_1014, %get3A_12 : vector<16xf32>
        %swap3A_1016 = arith.constant 2 : i32
        %swap3A_1017 = arith.index_cast %swap3A_1016 : i32 to index
        %swap3A_1018 = arith.index_cast %add3A_1008 : i32 to index
        %swap3A_1019 = arith.constant 32 : index
        %swap3A_1020 = tpu.vector_load %arg7[%swap3A_1017, %swap3A_1018, %swap3A_1019] {strides = array<i32>} : memref<8x64x128xf32, #tpu.memory_space<vmem>>, vector<1x1x16xf32>,
        %swap3A_1021 = vector.shape_cast %swap3A_1020 : vector<1x1x16xf32> to vector<16xf32>
        %swap3A_1022 = vector.shape_cast %add3A_1015 : vector<16xf32> to vector<1x1x16xf32>
        tpu.vector_store %arg7[%swap3A_1017, %swap3A_1018, %swap3A_1019], %swap3A_1022 {strides = array<i32>} : memref<8x64x128xf32, #tpu.memory_space<vmem>>, vector<1x1x16xf32>,
        %mul3A_1023 = arith.constant 2 : i32
        %mul3A_1024 = arith.muli %scan3A_897, %mul3A_1023 : i32
        %add3A_1025 = arith.constant 1 : i32
        %add3A_1026 = arith.addi %mul3A_1024, %add3A_1025 : i32
        %get3A_1027 = arith.constant 2 : i32
        %get3A_1028 = arith.index_cast %get3A_1027 : i32 to index
        %get3A_1029 = arith.index_cast %add3A_1026 : i32 to index
        %get3A_1030 = arith.constant 48 : index
        %get3A_1031 = tpu.vector_load %arg7[%get3A_1028, %get3A_1029, %get3A_1030] {strides = array<i32>} : memref<8x64x128xf32, #tpu.memory_space<vmem>>, vector<1x1x16xf32>,
        %get3A_1032 = vector.shape_cast %get3A_1031 : vector<1x1x16xf32> to vector<16xf32>
        %add3A_1033 = arith.addf %get3A_1032, %get3A_15 : vector<16xf32>
        %swap3A_1034 = arith.constant 2 : i32
        %swap3A_1035 = arith.index_cast %swap3A_1034 : i32 to index
        %swap3A_1036 = arith.index_cast %add3A_1026 : i32 to index
        %swap3A_1037 = arith.constant 48 : index
        %swap3A_1038 = tpu.vector_load %arg7[%swap3A_1035, %swap3A_1036, %swap3A_1037] {strides = array<i32>} : memref<8x64x128xf32, #tpu.memory_space<vmem>>, vector<1x1x16xf32>,
        %swap3A_1039 = vector.shape_cast %swap3A_1038 : vector<1x1x16xf32> to vector<16xf32>
        %swap3A_1040 = vector.shape_cast %add3A_1033 : vector<16xf32> to vector<1x1x16xf32>
        tpu.vector_store %arg7[%swap3A_1035, %swap3A_1036, %swap3A_1037], %swap3A_1040 {strides = array<i32>} : memref<8x64x128xf32, #tpu.memory_space<vmem>>, vector<1x1x16xf32>,
      }
      %scan3A_397 = arith.constant 32 : i32
      %mul3A_398 = arith.constant 64 : i32
      %mul3A_399 = arith.muli %add3A_324, %mul3A_398 : i32
      %add3A_400 = arith.addi %mul3A_2, %mul3A_399 : i32
      %dma_start3A_401 = arith.constant 2 : i32
      %dma_start3A_402 = arith.constant 2 : i32
      %dma_start3A_403 = arith.constant 0 : i32
      %dma_start3A_404 = arith.constant 0 : i32
      %dma_start3A_405 = tpu.memref_slice %arg7[%dma_start3A_401, %dma_start3A_403, %dma_start3A_404] : memref<8x64x128xf32, #tpu.memory_space<vmem>> -> memref<1x64x128xf32, #tpu.memory_space<vmem>>
      %dma_start3A_406 = tpu.memref_squeeze %dma_start3A_405 : memref<1x64x128xf32, #tpu.memory_space<vmem>> -> memref<64x128xf32, #tpu.memory_space<vmem>>
      %dma_start3A_407 = arith.constant 0 : i32
      %dma_start3A_408 = tpu.memref_slice %arg5[%add3A_400, %dma_start3A_407] : memref<819200x128xf32, #tpu.memory_space<hbm>> -> memref<64x128xf32, #tpu.memory_space<hbm>>
      %dma_start3A_409 = tpu.memref_slice %arg10[%dma_start3A_402] : memref<8x!tpu.dma_semaphore, #tpu.memory_space<semaphore_mem>> -> memref<1x!tpu.dma_semaphore, #tpu.memory_space<semaphore_mem>>
      %dma_start3A_410 = tpu.memref_squeeze %dma_start3A_409 : memref<1x!tpu.dma_semaphore, #tpu.memory_space<semaphore_mem>> -> memref<!tpu.dma_semaphore, #tpu.memory_space<semaphore_mem>>
      %dma_start3A_411 = arith.constant 0 : i32
      %dma_start3A_412 = tpu.memref_slice %arg5[%add3A_400, %dma_start3A_411] : memref<819200x128xf32, #tpu.memory_space<hbm>> -> memref<64x128xf32, #tpu.memory_space<hbm>>
      %dma_start3A_413 = arith.constant 0 : i32
      %dma_start3A_414 = arith.constant 0 : i32
      %dma_start3A_415 = tpu.memref_slice %arg7[%dma_start3A_401, %dma_start3A_413, %dma_start3A_414] : memref<8x64x128xf32, #tpu.memory_space<vmem>> -> memref<1x64x128xf32, #tpu.memory_space<vmem>>
      %dma_start3A_416 = tpu.memref_squeeze %dma_start3A_415 : memref<1x64x128xf32, #tpu.memory_space<vmem>> -> memref<64x128xf32, #tpu.memory_space<vmem>>
      tpu.enqueue_dma source(%dma_start3A_416 : memref<64x128xf32, #tpu.memory_space<vmem>>) target(%dma_start3A_412 : memref<64x128xf32, #tpu.memory_space<hbm>>) target_semaphore(%dma_start3A_410 : memref<!tpu.dma_semaphore, #tpu.memory_space<semaphore_mem>>)
      %mul3A_417 = arith.constant 8 : i32
      %mul3A_418 = arith.muli %scan3A_141, %mul3A_417 : i32
      %add3A_419 = arith.constant 3 : i32
      %add3A_420 = arith.addi %mul3A_418, %add3A_419 : i32
      %add3A_421 = arith.constant 6 : i32
      %add3A_422 = arith.addi %add3A_420, %add3A_421 : i32
      %gt3A_423 = arith.constant 1 : i32
      %gt3A_424 = arith.cmpi sgt, %add3A_420, %gt3A_423 : i32
      %convert_element_type3A_425 = arith.extui %gt3A_424 : i1 to i32
      %cond3A_426 = arith.constant 0 : i32
      %cond3A_427 = arith.cmpi ne, %convert_element_type3A_425, %cond3A_426 : i32
      scf.if %cond3A_427 {
        %dma_wait3A_897 = arith.constant 1 : i32
        %dma_wait3A_898 = arith.constant 1 : i32
        %dma_wait3A_899 = arith.constant 0 : i32
        %dma_wait3A_900 = arith.constant 0 : i32
        %dma_wait3A_901 = tpu.memref_slice %arg7[%dma_wait3A_897, %dma_wait3A_899, %dma_wait3A_900] : memref<8x64x128xf32, #tpu.memory_space<vmem>> -> memref<1x64x128xf32, #tpu.memory_space<vmem>>
        %dma_wait3A_902 = tpu.memref_squeeze %dma_wait3A_901 : memref<1x64x128xf32, #tpu.memory_space<vmem>> -> memref<64x128xf32, #tpu.memory_space<vmem>>
        %dma_wait3A_903 = arith.constant 0 : i32
        %dma_wait3A_904 = tpu.memref_slice %arg5[%mul3A_2, %dma_wait3A_903] : memref<819200x128xf32, #tpu.memory_space<hbm>> -> memref<64x128xf32, #tpu.memory_space<hbm>>
        %dma_wait3A_905 = tpu.memref_slice %arg10[%dma_wait3A_898] : memref<8x!tpu.dma_semaphore, #tpu.memory_space<semaphore_mem>> -> memref<1x!tpu.dma_semaphore, #tpu.memory_space<semaphore_mem>>
        %dma_wait3A_906 = tpu.memref_squeeze %dma_wait3A_905 : memref<1x!tpu.dma_semaphore, #tpu.memory_space<semaphore_mem>> -> memref<!tpu.dma_semaphore, #tpu.memory_space<semaphore_mem>>
        %dma_wait3A_907 = arith.constant 0 : i32
        %dma_wait3A_908 = tpu.memref_slice %arg5[%mul3A_2, %dma_wait3A_907] : memref<819200x128xf32, #tpu.memory_space<hbm>> -> memref<64x128xf32, #tpu.memory_space<hbm>>
        %dma_wait3A_909 = arith.constant 0 : i32
        %dma_wait3A_910 = arith.constant 0 : i32
        %dma_wait3A_911 = tpu.memref_slice %arg7[%dma_wait3A_897, %dma_wait3A_909, %dma_wait3A_910] : memref<8x64x128xf32, #tpu.memory_space<vmem>> -> memref<1x64x128xf32, #tpu.memory_space<vmem>>
        %dma_wait3A_912 = tpu.memref_squeeze %dma_wait3A_911 : memref<1x64x128xf32, #tpu.memory_space<vmem>> -> memref<64x128xf32, #tpu.memory_space<vmem>>
        tpu.wait_dma2 semaphore(%dma_wait3A_906 : memref<!tpu.dma_semaphore, #tpu.memory_space<semaphore_mem>>) src(%dma_wait3A_912 : memref<64x128xf32, #tpu.memory_space<vmem>>) dst(%dma_wait3A_908 : memref<64x128xf32, #tpu.memory_space<hbm>>)
      } else {
      }
      %lt3A_428 = arith.constant 400 : i32
      %lt3A_429 = arith.cmpi slt, %add3A_422, %lt3A_428 : i32
      %convert_element_type3A_430 = arith.extui %lt3A_429 : i1 to i32
      %cond3A_431 = arith.constant 0 : i32
      %cond3A_432 = arith.cmpi ne, %convert_element_type3A_430, %cond3A_431 : i32
      scf.if %cond3A_432 {
        %jit3A_897 = arith.constant 2 : i32
        %div3A_898 = arith.divsi %add3A_422, %jit3A_897 : i32
        %sign3A_899 = arith.constant 0 : i32
        %sign3A_900 = arith.cmpi sgt, %add3A_422, %sign3A_899 : i32
        %sign3A_901 = arith.extui %sign3A_900 : i1 to i32
        %sign3A_902 = arith.constant 0 : i32
        %sign3A_903 = arith.cmpi slt, %add3A_422, %sign3A_902 : i32
        %sign3A_904 = arith.extui %sign3A_903 : i1 to i32
        %sign3A_905 = arith.subi %sign3A_901, %sign3A_904 : i32
        %sign3A_906 = arith.constant 0 : i32
        %sign3A_907 = arith.cmpi sgt, %jit3A_897, %sign3A_906 : i32
        %sign3A_908 = arith.extui %sign3A_907 : i1 to i32
        %sign3A_909 = arith.constant 0 : i32
        %sign3A_910 = arith.cmpi slt, %jit3A_897, %sign3A_909 : i32
        %sign3A_911 = arith.extui %sign3A_910 : i1 to i32
        %sign3A_912 = arith.subi %sign3A_908, %sign3A_911 : i32
        %ne3A_913 = arith.cmpi ne, %sign3A_905, %sign3A_912 : i32
        %rem3A_914 = arith.remsi %add3A_422, %jit3A_897 : i32
        %ne3A_915 = arith.constant 0 : i32
        %ne3A_916 = arith.cmpi ne, %rem3A_914, %ne3A_915 : i32
        %and3A_917 = arith.andi %ne3A_913, %ne3A_916 : i1
        %sub3A_918 = arith.constant 1 : i32
        %sub3A_919 = arith.subi %div3A_898, %sub3A_918 : i32
        %select_n3A_920 = arith.select %and3A_917, %sub3A_919, %div3A_898 : i32
        %jit3A_921 = arith.constant 2 : i32
        %eq3A_922 = arith.constant 0 : i32
        %eq3A_923 = arith.cmpi eq, %jit3A_921, %eq3A_922 : i32
        %jit3A_924 = arith.constant 1 : i32
        %select_n3A_925 = arith.select %eq3A_923, %jit3A_924, %jit3A_921 : i32
        %rem3A_926 = arith.remsi %add3A_422, %select_n3A_925 : i32
        %ne3A_927 = arith.constant 0 : i32
        %ne3A_928 = arith.cmpi ne, %rem3A_926, %ne3A_927 : i32
        %lt3A_929 = arith.constant 0 : i32
        %lt3A_930 = arith.cmpi slt, %rem3A_926, %lt3A_929 : i32
        %lt3A_931 = arith.constant 0 : i32
        %lt3A_932 = arith.cmpi slt, %select_n3A_925, %lt3A_931 : i32
        %ne3A_933 = arith.xori %lt3A_930, %lt3A_932 : i1
        %and3A_934 = arith.andi %ne3A_933, %ne3A_928 : i1
        %add3A_935 = arith.addi %rem3A_926, %select_n3A_925 : i32
        %select_n3A_936 = arith.select %and3A_934, %add3A_935, %rem3A_926 : i32
        %mul3A_937 = arith.constant 64 : i32
        %mul3A_938 = arith.muli %select_n3A_936, %mul3A_937 : i32
        %dma_start3A_939 = arith.constant 1 : i32
        %dma_start3A_940 = arith.constant 1 : i32
        %dma_start3A_941 = arith.constant 0 : i32
        %dma_start3A_942 = arith.constant 0 : i32
        %dma_start3A_943 = tpu.memref_slice %arg7[%dma_start3A_939, %dma_start3A_941, %dma_start3A_942] : memref<8x64x128xf32, #tpu.memory_space<vmem>> -> memref<1x64x128xf32, #tpu.memory_space<vmem>>
        %dma_start3A_944 = tpu.memref_squeeze %dma_start3A_943 : memref<1x64x128xf32, #tpu.memory_space<vmem>> -> memref<64x128xf32, #tpu.memory_space<vmem>>
        %dma_start3A_945 = tpu.memref_slice %arg6[%select_n3A_920, %mul3A_938] : memref<200x128xi32, #tpu.memory_space<vmem>> -> memref<1x64xi32, #tpu.memory_space<vmem>>
        %dma_start3A_946 = tpu.memref_squeeze %dma_start3A_945 : memref<1x64xi32, #tpu.memory_space<vmem>> -> memref<64xi32, #tpu.memory_space<vmem>>
        %dma_start3A_947 = arith.constant 0 : i32
        %dma_start3A_948 = arith.constant 0 : i32
        %dma_start3A_949 = tpu.memref_slice %arg3[%dma_start3A_947, %dma_start3A_948] : memref<1000000x128xf32, #tpu.memory_space<hbm>> -> memref<1000000x128xf32, #tpu.memory_space<hbm>>
        %dma_start3A_950 = tpu.memref_slice %arg9[%dma_start3A_940] : memref<8x!tpu.dma_semaphore, #tpu.memory_space<semaphore_mem>> -> memref<1x!tpu.dma_semaphore, #tpu.memory_space<semaphore_mem>>
        %dma_start3A_951 = tpu.memref_squeeze %dma_start3A_950 : memref<1x!tpu.dma_semaphore, #tpu.memory_space<semaphore_mem>> -> memref<!tpu.dma_semaphore, #tpu.memory_space<semaphore_mem>>
        tpu.enqueue_indirect_dma source(%dma_start3A_949 : memref<1000000x128xf32, #tpu.memory_space<hbm>>) target(%dma_start3A_944 : memref<64x128xf32, #tpu.memory_space<vmem>>) offsets(%dma_start3A_946 : memref<64xi32, #tpu.memory_space<vmem>>) semaphore(%dma_start3A_951 : memref<!tpu.dma_semaphore, #tpu.memory_space<semaphore_mem>>)
      } else {
      }
      %jit3A_433 = arith.constant 2 : i32
      %div3A_434 = arith.divsi %add3A_420, %jit3A_433 : i32
      %sign3A_435 = arith.constant 0 : i32
      %sign3A_436 = arith.cmpi sgt, %add3A_420, %sign3A_435 : i32
      %sign3A_437 = arith.extui %sign3A_436 : i1 to i32
      %sign3A_438 = arith.constant 0 : i32
      %sign3A_439 = arith.cmpi slt, %add3A_420, %sign3A_438 : i32
      %sign3A_440 = arith.extui %sign3A_439 : i1 to i32
      %sign3A_441 = arith.subi %sign3A_437, %sign3A_440 : i32
      %sign3A_442 = arith.constant 0 : i32
      %sign3A_443 = arith.cmpi sgt, %jit3A_433, %sign3A_442 : i32
      %sign3A_444 = arith.extui %sign3A_443 : i1 to i32
      %sign3A_445 = arith.constant 0 : i32
      %sign3A_446 = arith.cmpi slt, %jit3A_433, %sign3A_445 : i32
      %sign3A_447 = arith.extui %sign3A_446 : i1 to i32
      %sign3A_448 = arith.subi %sign3A_444, %sign3A_447 : i32
      %ne3A_449 = arith.cmpi ne, %sign3A_441, %sign3A_448 : i32
      %rem3A_450 = arith.remsi %add3A_420, %jit3A_433 : i32
      %ne3A_451 = arith.constant 0 : i32
      %ne3A_452 = arith.cmpi ne, %rem3A_450, %ne3A_451 : i32
      %and3A_453 = arith.andi %ne3A_449, %ne3A_452 : i1
      %sub3A_454 = arith.constant 1 : i32
      %sub3A_455 = arith.subi %div3A_434, %sub3A_454 : i32
      %select_n3A_456 = arith.select %and3A_453, %sub3A_455, %div3A_434 : i32
      %jit3A_457 = arith.constant 2 : i32
      %eq3A_458 = arith.constant 0 : i32
      %eq3A_459 = arith.cmpi eq, %jit3A_457, %eq3A_458 : i32
      %jit3A_460 = arith.constant 1 : i32
      %select_n3A_461 = arith.select %eq3A_459, %jit3A_460, %jit3A_457 : i32
      %rem3A_462 = arith.remsi %add3A_420, %select_n3A_461 : i32
      %ne3A_463 = arith.constant 0 : i32
      %ne3A_464 = arith.cmpi ne, %rem3A_462, %ne3A_463 : i32
      %lt3A_465 = arith.constant 0 : i32
      %lt3A_466 = arith.cmpi slt, %rem3A_462, %lt3A_465 : i32
      %lt3A_467 = arith.constant 0 : i32
      %lt3A_468 = arith.cmpi slt, %select_n3A_461, %lt3A_467 : i32
      %ne3A_469 = arith.xori %lt3A_466, %lt3A_468 : i1
      %and3A_470 = arith.andi %ne3A_469, %ne3A_464 : i1
      %add3A_471 = arith.addi %rem3A_462, %select_n3A_461 : i32
      %select_n3A_472 = arith.select %and3A_470, %add3A_471, %rem3A_462 : i32
      %mul3A_473 = arith.constant 64 : i32
      %mul3A_474 = arith.muli %select_n3A_472, %mul3A_473 : i32
      %dma_wait3A_475 = arith.constant 3 : i32
      %dma_wait3A_476 = arith.constant 3 : i32
      %dma_wait3A_477 = arith.constant 0 : i32
      %dma_wait3A_478 = arith.constant 0 : i32
      %dma_wait3A_479 = tpu.memref_slice %arg7[%dma_wait3A_475, %dma_wait3A_477, %dma_wait3A_478] : memref<8x64x128xf32, #tpu.memory_space<vmem>> -> memref<1x64x128xf32, #tpu.memory_space<vmem>>
      %dma_wait3A_480 = tpu.memref_squeeze %dma_wait3A_479 : memref<1x64x128xf32, #tpu.memory_space<vmem>> -> memref<64x128xf32, #tpu.memory_space<vmem>>
      %dma_wait3A_481 = tpu.memref_slice %arg6[%select_n3A_456, %mul3A_474] : memref<200x128xi32, #tpu.memory_space<vmem>> -> memref<1x64xi32, #tpu.memory_space<vmem>>
      %dma_wait3A_482 = tpu.memref_squeeze %dma_wait3A_481 : memref<1x64xi32, #tpu.memory_space<vmem>> -> memref<64xi32, #tpu.memory_space<vmem>>
      %dma_wait3A_483 = arith.constant 0 : i32
      %dma_wait3A_484 = arith.constant 0 : i32
      %dma_wait3A_485 = tpu.memref_slice %arg3[%dma_wait3A_483, %dma_wait3A_484] : memref<1000000x128xf32, #tpu.memory_space<hbm>> -> memref<1000000x128xf32, #tpu.memory_space<hbm>>
      %dma_wait3A_486 = tpu.memref_slice %arg9[%dma_wait3A_476] : memref<8x!tpu.dma_semaphore, #tpu.memory_space<semaphore_mem>> -> memref<1x!tpu.dma_semaphore, #tpu.memory_space<semaphore_mem>>
      %dma_wait3A_487 = tpu.memref_squeeze %dma_wait3A_486 : memref<1x!tpu.dma_semaphore, #tpu.memory_space<semaphore_mem>> -> memref<!tpu.dma_semaphore, #tpu.memory_space<semaphore_mem>>
      tpu.wait_indirect_dma semaphore(%dma_wait3A_487 : memref<!tpu.dma_semaphore, #tpu.memory_space<semaphore_mem>>) src(%dma_wait3A_485 : memref<1000000x128xf32, #tpu.memory_space<hbm>>) dst(%dma_wait3A_480 : memref<64x128xf32, #tpu.memory_space<vmem>>)
      %scan3A_488 = arith.constant 0 : i32
      %scan3A_489 = arith.constant 0 : i32
      %scan3A_490 = arith.constant 32 : i32
      %scan3A_491 = arith.addi %scan3A_489, %scan3A_490 : i32
      %scan3A_492 = arith.constant 1 : i32
      scf.for %scan3A_897 = %scan3A_489 to %scan3A_491 step %scan3A_492  : i32 {
        %mul3A_898 = arith.constant 2 : i32
        %mul3A_899 = arith.muli %scan3A_897, %mul3A_898 : i32
        %add3A_900 = arith.constant 0 : i32
        %add3A_901 = arith.addi %mul3A_899, %add3A_900 : i32
        %get3A_902 = arith.constant 3 : i32
        %get3A_903 = arith.index_cast %get3A_902 : i32 to index
        %get3A_904 = arith.index_cast %add3A_901 : i32 to index
        %get3A_905 = arith.constant 0 : index
        %get3A_906 = tpu.vector_load %arg7[%get3A_903, %get3A_904, %get3A_905] {strides = array<i32>} : memref<8x64x128xf32, #tpu.memory_space<vmem>>, vector<1x1x16xf32>,
        %get3A_907 = vector.shape_cast %get3A_906 : vector<1x1x16xf32> to vector<16xf32>
        %add3A_908 = arith.addf %get3A_907, %get3A_6 : vector<16xf32>
        %swap3A = arith.constant 3 : i32
        %swap3A_909 = arith.index_cast %swap3A : i32 to index
        %swap3A_910 = arith.index_cast %add3A_901 : i32 to index
        %swap3A_911 = arith.constant 0 : index
        %swap3A_912 = tpu.vector_load %arg7[%swap3A_909, %swap3A_910, %swap3A_911] {strides = array<i32>} : memref<8x64x128xf32, #tpu.memory_space<vmem>>, vector<1x1x16xf32>,
        %swap3A_913 = vector.shape_cast %swap3A_912 : vector<1x1x16xf32> to vector<16xf32>
        %swap3A_914 = vector.shape_cast %add3A_908 : vector<16xf32> to vector<1x1x16xf32>
        tpu.vector_store %arg7[%swap3A_909, %swap3A_910, %swap3A_911], %swap3A_914 {strides = array<i32>} : memref<8x64x128xf32, #tpu.memory_space<vmem>>, vector<1x1x16xf32>,
        %mul3A_915 = arith.constant 2 : i32
        %mul3A_916 = arith.muli %scan3A_897, %mul3A_915 : i32
        %add3A_917 = arith.constant 0 : i32
        %add3A_918 = arith.addi %mul3A_916, %add3A_917 : i32
        %get3A_919 = arith.constant 3 : i32
        %get3A_920 = arith.index_cast %get3A_919 : i32 to index
        %get3A_921 = arith.index_cast %add3A_918 : i32 to index
        %get3A_922 = arith.constant 16 : index
        %get3A_923 = tpu.vector_load %arg7[%get3A_920, %get3A_921, %get3A_922] {strides = array<i32>} : memref<8x64x128xf32, #tpu.memory_space<vmem>>, vector<1x1x16xf32>,
        %get3A_924 = vector.shape_cast %get3A_923 : vector<1x1x16xf32> to vector<16xf32>
        %add3A_925 = arith.addf %get3A_924, %get3A_9 : vector<16xf32>
        %swap3A_926 = arith.constant 3 : i32
        %swap3A_927 = arith.index_cast %swap3A_926 : i32 to index
        %swap3A_928 = arith.index_cast %add3A_918 : i32 to index
        %swap3A_929 = arith.constant 16 : index
        %swap3A_930 = tpu.vector_load %arg7[%swap3A_927, %swap3A_928, %swap3A_929] {strides = array<i32>} : memref<8x64x128xf32, #tpu.memory_space<vmem>>, vector<1x1x16xf32>,
        %swap3A_931 = vector.shape_cast %swap3A_930 : vector<1x1x16xf32> to vector<16xf32>
        %swap3A_932 = vector.shape_cast %add3A_925 : vector<16xf32> to vector<1x1x16xf32>
        tpu.vector_store %arg7[%swap3A_927, %swap3A_928, %swap3A_929], %swap3A_932 {strides = array<i32>} : memref<8x64x128xf32, #tpu.memory_space<vmem>>, vector<1x1x16xf32>,
        %mul3A_933 = arith.constant 2 : i32
        %mul3A_934 = arith.muli %scan3A_897, %mul3A_933 : i32
        %add3A_935 = arith.constant 0 : i32
        %add3A_936 = arith.addi %mul3A_934, %add3A_935 : i32
        %get3A_937 = arith.constant 3 : i32
        %get3A_938 = arith.index_cast %get3A_937 : i32 to index
        %get3A_939 = arith.index_cast %add3A_936 : i32 to index
        %get3A_940 = arith.constant 32 : index
        %get3A_941 = tpu.vector_load %arg7[%get3A_938, %get3A_939, %get3A_940] {strides = array<i32>} : memref<8x64x128xf32, #tpu.memory_space<vmem>>, vector<1x1x16xf32>,
        %get3A_942 = vector.shape_cast %get3A_941 : vector<1x1x16xf32> to vector<16xf32>
        %add3A_943 = arith.addf %get3A_942, %get3A_12 : vector<16xf32>
        %swap3A_944 = arith.constant 3 : i32
        %swap3A_945 = arith.index_cast %swap3A_944 : i32 to index
        %swap3A_946 = arith.index_cast %add3A_936 : i32 to index
        %swap3A_947 = arith.constant 32 : index
        %swap3A_948 = tpu.vector_load %arg7[%swap3A_945, %swap3A_946, %swap3A_947] {strides = array<i32>} : memref<8x64x128xf32, #tpu.memory_space<vmem>>, vector<1x1x16xf32>,
        %swap3A_949 = vector.shape_cast %swap3A_948 : vector<1x1x16xf32> to vector<16xf32>
        %swap3A_950 = vector.shape_cast %add3A_943 : vector<16xf32> to vector<1x1x16xf32>
        tpu.vector_store %arg7[%swap3A_945, %swap3A_946, %swap3A_947], %swap3A_950 {strides = array<i32>} : memref<8x64x128xf32, #tpu.memory_space<vmem>>, vector<1x1x16xf32>,
        %mul3A_951 = arith.constant 2 : i32
        %mul3A_952 = arith.muli %scan3A_897, %mul3A_951 : i32
        %add3A_953 = arith.constant 0 : i32
        %add3A_954 = arith.addi %mul3A_952, %add3A_953 : i32
        %get3A_955 = arith.constant 3 : i32
        %get3A_956 = arith.index_cast %get3A_955 : i32 to index
        %get3A_957 = arith.index_cast %add3A_954 : i32 to index
        %get3A_958 = arith.constant 48 : index
        %get3A_959 = tpu.vector_load %arg7[%get3A_956, %get3A_957, %get3A_958] {strides = array<i32>} : memref<8x64x128xf32, #tpu.memory_space<vmem>>, vector<1x1x16xf32>,
        %get3A_960 = vector.shape_cast %get3A_959 : vector<1x1x16xf32> to vector<16xf32>
        %add3A_961 = arith.addf %get3A_960, %get3A_15 : vector<16xf32>
        %swap3A_962 = arith.constant 3 : i32
        %swap3A_963 = arith.index_cast %swap3A_962 : i32 to index
        %swap3A_964 = arith.index_cast %add3A_954 : i32 to index
        %swap3A_965 = arith.constant 48 : index
        %swap3A_966 = tpu.vector_load %arg7[%swap3A_963, %swap3A_964, %swap3A_965] {strides = array<i32>} : memref<8x64x128xf32, #tpu.memory_space<vmem>>, vector<1x1x16xf32>,
        %swap3A_967 = vector.shape_cast %swap3A_966 : vector<1x1x16xf32> to vector<16xf32>
        %swap3A_968 = vector.shape_cast %add3A_961 : vector<16xf32> to vector<1x1x16xf32>
        tpu.vector_store %arg7[%swap3A_963, %swap3A_964, %swap3A_965], %swap3A_968 {strides = array<i32>} : memref<8x64x128xf32, #tpu.memory_space<vmem>>, vector<1x1x16xf32>,
        %mul3A_969 = arith.constant 2 : i32
        %mul3A_970 = arith.muli %scan3A_897, %mul3A_969 : i32
        %add3A_971 = arith.constant 1 : i32
        %add3A_972 = arith.addi %mul3A_970, %add3A_971 : i32
        %get3A_973 = arith.constant 3 : i32
        %get3A_974 = arith.index_cast %get3A_973 : i32 to index
        %get3A_975 = arith.index_cast %add3A_972 : i32 to index
        %get3A_976 = arith.constant 0 : index
        %get3A_977 = tpu.vector_load %arg7[%get3A_974, %get3A_975, %get3A_976] {strides = array<i32>} : memref<8x64x128xf32, #tpu.memory_space<vmem>>, vector<1x1x16xf32>,
        %get3A_978 = vector.shape_cast %get3A_977 : vector<1x1x16xf32> to vector<16xf32>
        %add3A_979 = arith.addf %get3A_978, %get3A_6 : vector<16xf32>
        %swap3A_980 = arith.constant 3 : i32
        %swap3A_981 = arith.index_cast %swap3A_980 : i32 to index
        %swap3A_982 = arith.index_cast %add3A_972 : i32 to index
        %swap3A_983 = arith.constant 0 : index
        %swap3A_984 = tpu.vector_load %arg7[%swap3A_981, %swap3A_982, %swap3A_983] {strides = array<i32>} : memref<8x64x128xf32, #tpu.memory_space<vmem>>, vector<1x1x16xf32>,
        %swap3A_985 = vector.shape_cast %swap3A_984 : vector<1x1x16xf32> to vector<16xf32>
        %swap3A_986 = vector.shape_cast %add3A_979 : vector<16xf32> to vector<1x1x16xf32>
        tpu.vector_store %arg7[%swap3A_981, %swap3A_982, %swap3A_983], %swap3A_986 {strides = array<i32>} : memref<8x64x128xf32, #tpu.memory_space<vmem>>, vector<1x1x16xf32>,
        %mul3A_987 = arith.constant 2 : i32
        %mul3A_988 = arith.muli %scan3A_897, %mul3A_987 : i32
        %add3A_989 = arith.constant 1 : i32
        %add3A_990 = arith.addi %mul3A_988, %add3A_989 : i32
        %get3A_991 = arith.constant 3 : i32
        %get3A_992 = arith.index_cast %get3A_991 : i32 to index
        %get3A_993 = arith.index_cast %add3A_990 : i32 to index
        %get3A_994 = arith.constant 16 : index
        %get3A_995 = tpu.vector_load %arg7[%get3A_992, %get3A_993, %get3A_994] {strides = array<i32>} : memref<8x64x128xf32, #tpu.memory_space<vmem>>, vector<1x1x16xf32>,
        %get3A_996 = vector.shape_cast %get3A_995 : vector<1x1x16xf32> to vector<16xf32>
        %add3A_997 = arith.addf %get3A_996, %get3A_9 : vector<16xf32>
        %swap3A_998 = arith.constant 3 : i32
        %swap3A_999 = arith.index_cast %swap3A_998 : i32 to index
        %swap3A_1000 = arith.index_cast %add3A_990 : i32 to index
        %swap3A_1001 = arith.constant 16 : index
        %swap3A_1002 = tpu.vector_load %arg7[%swap3A_999, %swap3A_1000, %swap3A_1001] {strides = array<i32>} : memref<8x64x128xf32, #tpu.memory_space<vmem>>, vector<1x1x16xf32>,
        %swap3A_1003 = vector.shape_cast %swap3A_1002 : vector<1x1x16xf32> to vector<16xf32>
        %swap3A_1004 = vector.shape_cast %add3A_997 : vector<16xf32> to vector<1x1x16xf32>
        tpu.vector_store %arg7[%swap3A_999, %swap3A_1000, %swap3A_1001], %swap3A_1004 {strides = array<i32>} : memref<8x64x128xf32, #tpu.memory_space<vmem>>, vector<1x1x16xf32>,
        %mul3A_1005 = arith.constant 2 : i32
        %mul3A_1006 = arith.muli %scan3A_897, %mul3A_1005 : i32
        %add3A_1007 = arith.constant 1 : i32
        %add3A_1008 = arith.addi %mul3A_1006, %add3A_1007 : i32
        %get3A_1009 = arith.constant 3 : i32
        %get3A_1010 = arith.index_cast %get3A_1009 : i32 to index
        %get3A_1011 = arith.index_cast %add3A_1008 : i32 to index
        %get3A_1012 = arith.constant 32 : index
        %get3A_1013 = tpu.vector_load %arg7[%get3A_1010, %get3A_1011, %get3A_1012] {strides = array<i32>} : memref<8x64x128xf32, #tpu.memory_space<vmem>>, vector<1x1x16xf32>,
        %get3A_1014 = vector.shape_cast %get3A_1013 : vector<1x1x16xf32> to vector<16xf32>
        %add3A_1015 = arith.addf %get3A_1014, %get3A_12 : vector<16xf32>
        %swap3A_1016 = arith.constant 3 : i32
        %swap3A_1017 = arith.index_cast %swap3A_1016 : i32 to index
        %swap3A_1018 = arith.index_cast %add3A_1008 : i32 to index
        %swap3A_1019 = arith.constant 32 : index
        %swap3A_1020 = tpu.vector_load %arg7[%swap3A_1017, %swap3A_1018, %swap3A_1019] {strides = array<i32>} : memref<8x64x128xf32, #tpu.memory_space<vmem>>, vector<1x1x16xf32>,
        %swap3A_1021 = vector.shape_cast %swap3A_1020 : vector<1x1x16xf32> to vector<16xf32>
        %swap3A_1022 = vector.shape_cast %add3A_1015 : vector<16xf32> to vector<1x1x16xf32>
        tpu.vector_store %arg7[%swap3A_1017, %swap3A_1018, %swap3A_1019], %swap3A_1022 {strides = array<i32>} : memref<8x64x128xf32, #tpu.memory_space<vmem>>, vector<1x1x16xf32>,
        %mul3A_1023 = arith.constant 2 : i32
        %mul3A_1024 = arith.muli %scan3A_897, %mul3A_1023 : i32
        %add3A_1025 = arith.constant 1 : i32
        %add3A_1026 = arith.addi %mul3A_1024, %add3A_1025 : i32
        %get3A_1027 = arith.constant 3 : i32
        %get3A_1028 = arith.index_cast %get3A_1027 : i32 to index
        %get3A_1029 = arith.index_cast %add3A_1026 : i32 to index
        %get3A_1030 = arith.constant 48 : index
        %get3A_1031 = tpu.vector_load %arg7[%get3A_1028, %get3A_1029, %get3A_1030] {strides = array<i32>} : memref<8x64x128xf32, #tpu.memory_space<vmem>>, vector<1x1x16xf32>,
        %get3A_1032 = vector.shape_cast %get3A_1031 : vector<1x1x16xf32> to vector<16xf32>
        %add3A_1033 = arith.addf %get3A_1032, %get3A_15 : vector<16xf32>
        %swap3A_1034 = arith.constant 3 : i32
        %swap3A_1035 = arith.index_cast %swap3A_1034 : i32 to index
        %swap3A_1036 = arith.index_cast %add3A_1026 : i32 to index
        %swap3A_1037 = arith.constant 48 : index
        %swap3A_1038 = tpu.vector_load %arg7[%swap3A_1035, %swap3A_1036, %swap3A_1037] {strides = array<i32>} : memref<8x64x128xf32, #tpu.memory_space<vmem>>, vector<1x1x16xf32>,
        %swap3A_1039 = vector.shape_cast %swap3A_1038 : vector<1x1x16xf32> to vector<16xf32>
        %swap3A_1040 = vector.shape_cast %add3A_1033 : vector<16xf32> to vector<1x1x16xf32>
        tpu.vector_store %arg7[%swap3A_1035, %swap3A_1036, %swap3A_1037], %swap3A_1040 {strides = array<i32>} : memref<8x64x128xf32, #tpu.memory_space<vmem>>, vector<1x1x16xf32>,
      }
      %scan3A_493 = arith.constant 32 : i32
      %mul3A_494 = arith.constant 64 : i32
      %mul3A_495 = arith.muli %add3A_420, %mul3A_494 : i32
      %add3A_496 = arith.addi %mul3A_2, %mul3A_495 : i32
      %dma_start3A_497 = arith.constant 3 : i32
      %dma_start3A_498 = arith.constant 3 : i32
      %dma_start3A_499 = arith.constant 0 : i32
      %dma_start3A_500 = arith.constant 0 : i32
      %dma_start3A_501 = tpu.memref_slice %arg7[%dma_start3A_497, %dma_start3A_499, %dma_start3A_500] : memref<8x64x128xf32, #tpu.memory_space<vmem>> -> memref<1x64x128xf32, #tpu.memory_space<vmem>>
      %dma_start3A_502 = tpu.memref_squeeze %dma_start3A_501 : memref<1x64x128xf32, #tpu.memory_space<vmem>> -> memref<64x128xf32, #tpu.memory_space<vmem>>
      %dma_start3A_503 = arith.constant 0 : i32
      %dma_start3A_504 = tpu.memref_slice %arg5[%add3A_496, %dma_start3A_503] : memref<819200x128xf32, #tpu.memory_space<hbm>> -> memref<64x128xf32, #tpu.memory_space<hbm>>
      %dma_start3A_505 = tpu.memref_slice %arg10[%dma_start3A_498] : memref<8x!tpu.dma_semaphore, #tpu.memory_space<semaphore_mem>> -> memref<1x!tpu.dma_semaphore, #tpu.memory_space<semaphore_mem>>
      %dma_start3A_506 = tpu.memref_squeeze %dma_start3A_505 : memref<1x!tpu.dma_semaphore, #tpu.memory_space<semaphore_mem>> -> memref<!tpu.dma_semaphore, #tpu.memory_space<semaphore_mem>>
      %dma_start3A_507 = arith.constant 0 : i32
      %dma_start3A_508 = tpu.memref_slice %arg5[%add3A_496, %dma_start3A_507] : memref<819200x128xf32, #tpu.memory_space<hbm>> -> memref<64x128xf32, #tpu.memory_space<hbm>>
      %dma_start3A_509 = arith.constant 0 : i32
      %dma_start3A_510 = arith.constant 0 : i32
      %dma_start3A_511 = tpu.memref_slice %arg7[%dma_start3A_497, %dma_start3A_509, %dma_start3A_510] : memref<8x64x128xf32, #tpu.memory_space<vmem>> -> memref<1x64x128xf32, #tpu.memory_space<vmem>>
      %dma_start3A_512 = tpu.memref_squeeze %dma_start3A_511 : memref<1x64x128xf32, #tpu.memory_space<vmem>> -> memref<64x128xf32, #tpu.memory_space<vmem>>
      tpu.enqueue_dma source(%dma_start3A_512 : memref<64x128xf32, #tpu.memory_space<vmem>>) target(%dma_start3A_508 : memref<64x128xf32, #tpu.memory_space<hbm>>) target_semaphore(%dma_start3A_506 : memref<!tpu.dma_semaphore, #tpu.memory_space<semaphore_mem>>)
      %mul3A_513 = arith.constant 8 : i32
      %mul3A_514 = arith.muli %scan3A_141, %mul3A_513 : i32
      %add3A_515 = arith.constant 4 : i32
      %add3A_516 = arith.addi %mul3A_514, %add3A_515 : i32
      %add3A_517 = arith.constant 6 : i32
      %add3A_518 = arith.addi %add3A_516, %add3A_517 : i32
      %gt3A_519 = arith.constant 1 : i32
      %gt3A_520 = arith.cmpi sgt, %add3A_516, %gt3A_519 : i32
      %convert_element_type3A_521 = arith.extui %gt3A_520 : i1 to i32
      %cond3A_522 = arith.constant 0 : i32
      %cond3A_523 = arith.cmpi ne, %convert_element_type3A_521, %cond3A_522 : i32
      scf.if %cond3A_523 {
        %dma_wait3A_897 = arith.constant 2 : i32
        %dma_wait3A_898 = arith.constant 2 : i32
        %dma_wait3A_899 = arith.constant 0 : i32
        %dma_wait3A_900 = arith.constant 0 : i32
        %dma_wait3A_901 = tpu.memref_slice %arg7[%dma_wait3A_897, %dma_wait3A_899, %dma_wait3A_900] : memref<8x64x128xf32, #tpu.memory_space<vmem>> -> memref<1x64x128xf32, #tpu.memory_space<vmem>>
        %dma_wait3A_902 = tpu.memref_squeeze %dma_wait3A_901 : memref<1x64x128xf32, #tpu.memory_space<vmem>> -> memref<64x128xf32, #tpu.memory_space<vmem>>
        %dma_wait3A_903 = arith.constant 0 : i32
        %dma_wait3A_904 = tpu.memref_slice %arg5[%mul3A_2, %dma_wait3A_903] : memref<819200x128xf32, #tpu.memory_space<hbm>> -> memref<64x128xf32, #tpu.memory_space<hbm>>
        %dma_wait3A_905 = tpu.memref_slice %arg10[%dma_wait3A_898] : memref<8x!tpu.dma_semaphore, #tpu.memory_space<semaphore_mem>> -> memref<1x!tpu.dma_semaphore, #tpu.memory_space<semaphore_mem>>
        %dma_wait3A_906 = tpu.memref_squeeze %dma_wait3A_905 : memref<1x!tpu.dma_semaphore, #tpu.memory_space<semaphore_mem>> -> memref<!tpu.dma_semaphore, #tpu.memory_space<semaphore_mem>>
        %dma_wait3A_907 = arith.constant 0 : i32
        %dma_wait3A_908 = tpu.memref_slice %arg5[%mul3A_2, %dma_wait3A_907] : memref<819200x128xf32, #tpu.memory_space<hbm>> -> memref<64x128xf32, #tpu.memory_space<hbm>>
        %dma_wait3A_909 = arith.constant 0 : i32
        %dma_wait3A_910 = arith.constant 0 : i32
        %dma_wait3A_911 = tpu.memref_slice %arg7[%dma_wait3A_897, %dma_wait3A_909, %dma_wait3A_910] : memref<8x64x128xf32, #tpu.memory_space<vmem>> -> memref<1x64x128xf32, #tpu.memory_space<vmem>>
        %dma_wait3A_912 = tpu.memref_squeeze %dma_wait3A_911 : memref<1x64x128xf32, #tpu.memory_space<vmem>> -> memref<64x128xf32, #tpu.memory_space<vmem>>
        tpu.wait_dma2 semaphore(%dma_wait3A_906 : memref<!tpu.dma_semaphore, #tpu.memory_space<semaphore_mem>>) src(%dma_wait3A_912 : memref<64x128xf32, #tpu.memory_space<vmem>>) dst(%dma_wait3A_908 : memref<64x128xf32, #tpu.memory_space<hbm>>)
      } else {
      }
      %lt3A_524 = arith.constant 400 : i32
      %lt3A_525 = arith.cmpi slt, %add3A_518, %lt3A_524 : i32
      %convert_element_type3A_526 = arith.extui %lt3A_525 : i1 to i32
      %cond3A_527 = arith.constant 0 : i32
      %cond3A_528 = arith.cmpi ne, %convert_element_type3A_526, %cond3A_527 : i32
      scf.if %cond3A_528 {
        %jit3A_897 = arith.constant 2 : i32
        %div3A_898 = arith.divsi %add3A_518, %jit3A_897 : i32
        %sign3A_899 = arith.constant 0 : i32
        %sign3A_900 = arith.cmpi sgt, %add3A_518, %sign3A_899 : i32
        %sign3A_901 = arith.extui %sign3A_900 : i1 to i32
        %sign3A_902 = arith.constant 0 : i32
        %sign3A_903 = arith.cmpi slt, %add3A_518, %sign3A_902 : i32
        %sign3A_904 = arith.extui %sign3A_903 : i1 to i32
        %sign3A_905 = arith.subi %sign3A_901, %sign3A_904 : i32
        %sign3A_906 = arith.constant 0 : i32
        %sign3A_907 = arith.cmpi sgt, %jit3A_897, %sign3A_906 : i32
        %sign3A_908 = arith.extui %sign3A_907 : i1 to i32
        %sign3A_909 = arith.constant 0 : i32
        %sign3A_910 = arith.cmpi slt, %jit3A_897, %sign3A_909 : i32
        %sign3A_911 = arith.extui %sign3A_910 : i1 to i32
        %sign3A_912 = arith.subi %sign3A_908, %sign3A_911 : i32
        %ne3A_913 = arith.cmpi ne, %sign3A_905, %sign3A_912 : i32
        %rem3A_914 = arith.remsi %add3A_518, %jit3A_897 : i32
        %ne3A_915 = arith.constant 0 : i32
        %ne3A_916 = arith.cmpi ne, %rem3A_914, %ne3A_915 : i32
        %and3A_917 = arith.andi %ne3A_913, %ne3A_916 : i1
        %sub3A_918 = arith.constant 1 : i32
        %sub3A_919 = arith.subi %div3A_898, %sub3A_918 : i32
        %select_n3A_920 = arith.select %and3A_917, %sub3A_919, %div3A_898 : i32
        %jit3A_921 = arith.constant 2 : i32
        %eq3A_922 = arith.constant 0 : i32
        %eq3A_923 = arith.cmpi eq, %jit3A_921, %eq3A_922 : i32
        %jit3A_924 = arith.constant 1 : i32
        %select_n3A_925 = arith.select %eq3A_923, %jit3A_924, %jit3A_921 : i32
        %rem3A_926 = arith.remsi %add3A_518, %select_n3A_925 : i32
        %ne3A_927 = arith.constant 0 : i32
        %ne3A_928 = arith.cmpi ne, %rem3A_926, %ne3A_927 : i32
        %lt3A_929 = arith.constant 0 : i32
        %lt3A_930 = arith.cmpi slt, %rem3A_926, %lt3A_929 : i32
        %lt3A_931 = arith.constant 0 : i32
        %lt3A_932 = arith.cmpi slt, %select_n3A_925, %lt3A_931 : i32
        %ne3A_933 = arith.xori %lt3A_930, %lt3A_932 : i1
        %and3A_934 = arith.andi %ne3A_933, %ne3A_928 : i1
        %add3A_935 = arith.addi %rem3A_926, %select_n3A_925 : i32
        %select_n3A_936 = arith.select %and3A_934, %add3A_935, %rem3A_926 : i32
        %mul3A_937 = arith.constant 64 : i32
        %mul3A_938 = arith.muli %select_n3A_936, %mul3A_937 : i32
        %dma_start3A_939 = arith.constant 2 : i32
        %dma_start3A_940 = arith.constant 2 : i32
        %dma_start3A_941 = arith.constant 0 : i32
        %dma_start3A_942 = arith.constant 0 : i32
        %dma_start3A_943 = tpu.memref_slice %arg7[%dma_start3A_939, %dma_start3A_941, %dma_start3A_942] : memref<8x64x128xf32, #tpu.memory_space<vmem>> -> memref<1x64x128xf32, #tpu.memory_space<vmem>>
        %dma_start3A_944 = tpu.memref_squeeze %dma_start3A_943 : memref<1x64x128xf32, #tpu.memory_space<vmem>> -> memref<64x128xf32, #tpu.memory_space<vmem>>
        %dma_start3A_945 = tpu.memref_slice %arg6[%select_n3A_920, %mul3A_938] : memref<200x128xi32, #tpu.memory_space<vmem>> -> memref<1x64xi32, #tpu.memory_space<vmem>>
        %dma_start3A_946 = tpu.memref_squeeze %dma_start3A_945 : memref<1x64xi32, #tpu.memory_space<vmem>> -> memref<64xi32, #tpu.memory_space<vmem>>
        %dma_start3A_947 = arith.constant 0 : i32
        %dma_start3A_948 = arith.constant 0 : i32
        %dma_start3A_949 = tpu.memref_slice %arg3[%dma_start3A_947, %dma_start3A_948] : memref<1000000x128xf32, #tpu.memory_space<hbm>> -> memref<1000000x128xf32, #tpu.memory_space<hbm>>
        %dma_start3A_950 = tpu.memref_slice %arg9[%dma_start3A_940] : memref<8x!tpu.dma_semaphore, #tpu.memory_space<semaphore_mem>> -> memref<1x!tpu.dma_semaphore, #tpu.memory_space<semaphore_mem>>
        %dma_start3A_951 = tpu.memref_squeeze %dma_start3A_950 : memref<1x!tpu.dma_semaphore, #tpu.memory_space<semaphore_mem>> -> memref<!tpu.dma_semaphore, #tpu.memory_space<semaphore_mem>>
        tpu.enqueue_indirect_dma source(%dma_start3A_949 : memref<1000000x128xf32, #tpu.memory_space<hbm>>) target(%dma_start3A_944 : memref<64x128xf32, #tpu.memory_space<vmem>>) offsets(%dma_start3A_946 : memref<64xi32, #tpu.memory_space<vmem>>) semaphore(%dma_start3A_951 : memref<!tpu.dma_semaphore, #tpu.memory_space<semaphore_mem>>)
      } else {
      }
      %jit3A_529 = arith.constant 2 : i32
      %div3A_530 = arith.divsi %add3A_516, %jit3A_529 : i32
      %sign3A_531 = arith.constant 0 : i32
      %sign3A_532 = arith.cmpi sgt, %add3A_516, %sign3A_531 : i32
      %sign3A_533 = arith.extui %sign3A_532 : i1 to i32
      %sign3A_534 = arith.constant 0 : i32
      %sign3A_535 = arith.cmpi slt, %add3A_516, %sign3A_534 : i32
      %sign3A_536 = arith.extui %sign3A_535 : i1 to i32
      %sign3A_537 = arith.subi %sign3A_533, %sign3A_536 : i32
      %sign3A_538 = arith.constant 0 : i32
      %sign3A_539 = arith.cmpi sgt, %jit3A_529, %sign3A_538 : i32
      %sign3A_540 = arith.extui %sign3A_539 : i1 to i32
      %sign3A_541 = arith.constant 0 : i32
      %sign3A_542 = arith.cmpi slt, %jit3A_529, %sign3A_541 : i32
      %sign3A_543 = arith.extui %sign3A_542 : i1 to i32
      %sign3A_544 = arith.subi %sign3A_540, %sign3A_543 : i32
      %ne3A_545 = arith.cmpi ne, %sign3A_537, %sign3A_544 : i32
      %rem3A_546 = arith.remsi %add3A_516, %jit3A_529 : i32
      %ne3A_547 = arith.constant 0 : i32
      %ne3A_548 = arith.cmpi ne, %rem3A_546, %ne3A_547 : i32
      %and3A_549 = arith.andi %ne3A_545, %ne3A_548 : i1
      %sub3A_550 = arith.constant 1 : i32
      %sub3A_551 = arith.subi %div3A_530, %sub3A_550 : i32
      %select_n3A_552 = arith.select %and3A_549, %sub3A_551, %div3A_530 : i32
      %jit3A_553 = arith.constant 2 : i32
      %eq3A_554 = arith.constant 0 : i32
      %eq3A_555 = arith.cmpi eq, %jit3A_553, %eq3A_554 : i32
      %jit3A_556 = arith.constant 1 : i32
      %select_n3A_557 = arith.select %eq3A_555, %jit3A_556, %jit3A_553 : i32
      %rem3A_558 = arith.remsi %add3A_516, %select_n3A_557 : i32
      %ne3A_559 = arith.constant 0 : i32
      %ne3A_560 = arith.cmpi ne, %rem3A_558, %ne3A_559 : i32
      %lt3A_561 = arith.constant 0 : i32
      %lt3A_562 = arith.cmpi slt, %rem3A_558, %lt3A_561 : i32
      %lt3A_563 = arith.constant 0 : i32
      %lt3A_564 = arith.cmpi slt, %select_n3A_557, %lt3A_563 : i32
      %ne3A_565 = arith.xori %lt3A_562, %lt3A_564 : i1
      %and3A_566 = arith.andi %ne3A_565, %ne3A_560 : i1
      %add3A_567 = arith.addi %rem3A_558, %select_n3A_557 : i32
      %select_n3A_568 = arith.select %and3A_566, %add3A_567, %rem3A_558 : i32
      %mul3A_569 = arith.constant 64 : i32
      %mul3A_570 = arith.muli %select_n3A_568, %mul3A_569 : i32
      %dma_wait3A_571 = arith.constant 4 : i32
      %dma_wait3A_572 = arith.constant 4 : i32
      %dma_wait3A_573 = arith.constant 0 : i32
      %dma_wait3A_574 = arith.constant 0 : i32
      %dma_wait3A_575 = tpu.memref_slice %arg7[%dma_wait3A_571, %dma_wait3A_573, %dma_wait3A_574] : memref<8x64x128xf32, #tpu.memory_space<vmem>> -> memref<1x64x128xf32, #tpu.memory_space<vmem>>
      %dma_wait3A_576 = tpu.memref_squeeze %dma_wait3A_575 : memref<1x64x128xf32, #tpu.memory_space<vmem>> -> memref<64x128xf32, #tpu.memory_space<vmem>>
      %dma_wait3A_577 = tpu.memref_slice %arg6[%select_n3A_552, %mul3A_570] : memref<200x128xi32, #tpu.memory_space<vmem>> -> memref<1x64xi32, #tpu.memory_space<vmem>>
      %dma_wait3A_578 = tpu.memref_squeeze %dma_wait3A_577 : memref<1x64xi32, #tpu.memory_space<vmem>> -> memref<64xi32, #tpu.memory_space<vmem>>
      %dma_wait3A_579 = arith.constant 0 : i32
      %dma_wait3A_580 = arith.constant 0 : i32
      %dma_wait3A_581 = tpu.memref_slice %arg3[%dma_wait3A_579, %dma_wait3A_580] : memref<1000000x128xf32, #tpu.memory_space<hbm>> -> memref<1000000x128xf32, #tpu.memory_space<hbm>>
      %dma_wait3A_582 = tpu.memref_slice %arg9[%dma_wait3A_572] : memref<8x!tpu.dma_semaphore, #tpu.memory_space<semaphore_mem>> -> memref<1x!tpu.dma_semaphore, #tpu.memory_space<semaphore_mem>>
      %dma_wait3A_583 = tpu.memref_squeeze %dma_wait3A_582 : memref<1x!tpu.dma_semaphore, #tpu.memory_space<semaphore_mem>> -> memref<!tpu.dma_semaphore, #tpu.memory_space<semaphore_mem>>
      tpu.wait_indirect_dma semaphore(%dma_wait3A_583 : memref<!tpu.dma_semaphore, #tpu.memory_space<semaphore_mem>>) src(%dma_wait3A_581 : memref<1000000x128xf32, #tpu.memory_space<hbm>>) dst(%dma_wait3A_576 : memref<64x128xf32, #tpu.memory_space<vmem>>)
      %scan3A_584 = arith.constant 0 : i32
      %scan3A_585 = arith.constant 0 : i32
      %scan3A_586 = arith.constant 32 : i32
      %scan3A_587 = arith.addi %scan3A_585, %scan3A_586 : i32
      %scan3A_588 = arith.constant 1 : i32
      scf.for %scan3A_897 = %scan3A_585 to %scan3A_587 step %scan3A_588  : i32 {
        %mul3A_898 = arith.constant 2 : i32
        %mul3A_899 = arith.muli %scan3A_897, %mul3A_898 : i32
        %add3A_900 = arith.constant 0 : i32
        %add3A_901 = arith.addi %mul3A_899, %add3A_900 : i32
        %get3A_902 = arith.constant 4 : i32
        %get3A_903 = arith.index_cast %get3A_902 : i32 to index
        %get3A_904 = arith.index_cast %add3A_901 : i32 to index
        %get3A_905 = arith.constant 0 : index
        %get3A_906 = tpu.vector_load %arg7[%get3A_903, %get3A_904, %get3A_905] {strides = array<i32>} : memref<8x64x128xf32, #tpu.memory_space<vmem>>, vector<1x1x16xf32>,
        %get3A_907 = vector.shape_cast %get3A_906 : vector<1x1x16xf32> to vector<16xf32>
        %add3A_908 = arith.addf %get3A_907, %get3A_6 : vector<16xf32>
        %swap3A = arith.constant 4 : i32
        %swap3A_909 = arith.index_cast %swap3A : i32 to index
        %swap3A_910 = arith.index_cast %add3A_901 : i32 to index
        %swap3A_911 = arith.constant 0 : index
        %swap3A_912 = tpu.vector_load %arg7[%swap3A_909, %swap3A_910, %swap3A_911] {strides = array<i32>} : memref<8x64x128xf32, #tpu.memory_space<vmem>>, vector<1x1x16xf32>,
        %swap3A_913 = vector.shape_cast %swap3A_912 : vector<1x1x16xf32> to vector<16xf32>
        %swap3A_914 = vector.shape_cast %add3A_908 : vector<16xf32> to vector<1x1x16xf32>
        tpu.vector_store %arg7[%swap3A_909, %swap3A_910, %swap3A_911], %swap3A_914 {strides = array<i32>} : memref<8x64x128xf32, #tpu.memory_space<vmem>>, vector<1x1x16xf32>,
        %mul3A_915 = arith.constant 2 : i32
        %mul3A_916 = arith.muli %scan3A_897, %mul3A_915 : i32
        %add3A_917 = arith.constant 0 : i32
        %add3A_918 = arith.addi %mul3A_916, %add3A_917 : i32
        %get3A_919 = arith.constant 4 : i32
        %get3A_920 = arith.index_cast %get3A_919 : i32 to index
        %get3A_921 = arith.index_cast %add3A_918 : i32 to index
        %get3A_922 = arith.constant 16 : index
        %get3A_923 = tpu.vector_load %arg7[%get3A_920, %get3A_921, %get3A_922] {strides = array<i32>} : memref<8x64x128xf32, #tpu.memory_space<vmem>>, vector<1x1x16xf32>,
        %get3A_924 = vector.shape_cast %get3A_923 : vector<1x1x16xf32> to vector<16xf32>
        %add3A_925 = arith.addf %get3A_924, %get3A_9 : vector<16xf32>
        %swap3A_926 = arith.constant 4 : i32
        %swap3A_927 = arith.index_cast %swap3A_926 : i32 to index
        %swap3A_928 = arith.index_cast %add3A_918 : i32 to index
        %swap3A_929 = arith.constant 16 : index
        %swap3A_930 = tpu.vector_load %arg7[%swap3A_927, %swap3A_928, %swap3A_929] {strides = array<i32>} : memref<8x64x128xf32, #tpu.memory_space<vmem>>, vector<1x1x16xf32>,
        %swap3A_931 = vector.shape_cast %swap3A_930 : vector<1x1x16xf32> to vector<16xf32>
        %swap3A_932 = vector.shape_cast %add3A_925 : vector<16xf32> to vector<1x1x16xf32>
        tpu.vector_store %arg7[%swap3A_927, %swap3A_928, %swap3A_929], %swap3A_932 {strides = array<i32>} : memref<8x64x128xf32, #tpu.memory_space<vmem>>, vector<1x1x16xf32>,
        %mul3A_933 = arith.constant 2 : i32
        %mul3A_934 = arith.muli %scan3A_897, %mul3A_933 : i32
        %add3A_935 = arith.constant 0 : i32
        %add3A_936 = arith.addi %mul3A_934, %add3A_935 : i32
        %get3A_937 = arith.constant 4 : i32
        %get3A_938 = arith.index_cast %get3A_937 : i32 to index
        %get3A_939 = arith.index_cast %add3A_936 : i32 to index
        %get3A_940 = arith.constant 32 : index
        %get3A_941 = tpu.vector_load %arg7[%get3A_938, %get3A_939, %get3A_940] {strides = array<i32>} : memref<8x64x128xf32, #tpu.memory_space<vmem>>, vector<1x1x16xf32>,
        %get3A_942 = vector.shape_cast %get3A_941 : vector<1x1x16xf32> to vector<16xf32>
        %add3A_943 = arith.addf %get3A_942, %get3A_12 : vector<16xf32>
        %swap3A_944 = arith.constant 4 : i32
        %swap3A_945 = arith.index_cast %swap3A_944 : i32 to index
        %swap3A_946 = arith.index_cast %add3A_936 : i32 to index
        %swap3A_947 = arith.constant 32 : index
        %swap3A_948 = tpu.vector_load %arg7[%swap3A_945, %swap3A_946, %swap3A_947] {strides = array<i32>} : memref<8x64x128xf32, #tpu.memory_space<vmem>>, vector<1x1x16xf32>,
        %swap3A_949 = vector.shape_cast %swap3A_948 : vector<1x1x16xf32> to vector<16xf32>
        %swap3A_950 = vector.shape_cast %add3A_943 : vector<16xf32> to vector<1x1x16xf32>
        tpu.vector_store %arg7[%swap3A_945, %swap3A_946, %swap3A_947], %swap3A_950 {strides = array<i32>} : memref<8x64x128xf32, #tpu.memory_space<vmem>>, vector<1x1x16xf32>,
        %mul3A_951 = arith.constant 2 : i32
        %mul3A_952 = arith.muli %scan3A_897, %mul3A_951 : i32
        %add3A_953 = arith.constant 0 : i32
        %add3A_954 = arith.addi %mul3A_952, %add3A_953 : i32
        %get3A_955 = arith.constant 4 : i32
        %get3A_956 = arith.index_cast %get3A_955 : i32 to index
        %get3A_957 = arith.index_cast %add3A_954 : i32 to index
        %get3A_958 = arith.constant 48 : index
        %get3A_959 = tpu.vector_load %arg7[%get3A_956, %get3A_957, %get3A_958] {strides = array<i32>} : memref<8x64x128xf32, #tpu.memory_space<vmem>>, vector<1x1x16xf32>,
        %get3A_960 = vector.shape_cast %get3A_959 : vector<1x1x16xf32> to vector<16xf32>
        %add3A_961 = arith.addf %get3A_960, %get3A_15 : vector<16xf32>
        %swap3A_962 = arith.constant 4 : i32
        %swap3A_963 = arith.index_cast %swap3A_962 : i32 to index
        %swap3A_964 = arith.index_cast %add3A_954 : i32 to index
        %swap3A_965 = arith.constant 48 : index
        %swap3A_966 = tpu.vector_load %arg7[%swap3A_963, %swap3A_964, %swap3A_965] {strides = array<i32>} : memref<8x64x128xf32, #tpu.memory_space<vmem>>, vector<1x1x16xf32>,
        %swap3A_967 = vector.shape_cast %swap3A_966 : vector<1x1x16xf32> to vector<16xf32>
        %swap3A_968 = vector.shape_cast %add3A_961 : vector<16xf32> to vector<1x1x16xf32>
        tpu.vector_store %arg7[%swap3A_963, %swap3A_964, %swap3A_965], %swap3A_968 {strides = array<i32>} : memref<8x64x128xf32, #tpu.memory_space<vmem>>, vector<1x1x16xf32>,
        %mul3A_969 = arith.constant 2 : i32
        %mul3A_970 = arith.muli %scan3A_897, %mul3A_969 : i32
        %add3A_971 = arith.constant 1 : i32
        %add3A_972 = arith.addi %mul3A_970, %add3A_971 : i32
        %get3A_973 = arith.constant 4 : i32
        %get3A_974 = arith.index_cast %get3A_973 : i32 to index
        %get3A_975 = arith.index_cast %add3A_972 : i32 to index
        %get3A_976 = arith.constant 0 : index
        %get3A_977 = tpu.vector_load %arg7[%get3A_974, %get3A_975, %get3A_976] {strides = array<i32>} : memref<8x64x128xf32, #tpu.memory_space<vmem>>, vector<1x1x16xf32>,
        %get3A_978 = vector.shape_cast %get3A_977 : vector<1x1x16xf32> to vector<16xf32>
        %add3A_979 = arith.addf %get3A_978, %get3A_6 : vector<16xf32>
        %swap3A_980 = arith.constant 4 : i32
        %swap3A_981 = arith.index_cast %swap3A_980 : i32 to index
        %swap3A_982 = arith.index_cast %add3A_972 : i32 to index
        %swap3A_983 = arith.constant 0 : index
        %swap3A_984 = tpu.vector_load %arg7[%swap3A_981, %swap3A_982, %swap3A_983] {strides = array<i32>} : memref<8x64x128xf32, #tpu.memory_space<vmem>>, vector<1x1x16xf32>,
        %swap3A_985 = vector.shape_cast %swap3A_984 : vector<1x1x16xf32> to vector<16xf32>
        %swap3A_986 = vector.shape_cast %add3A_979 : vector<16xf32> to vector<1x1x16xf32>
        tpu.vector_store %arg7[%swap3A_981, %swap3A_982, %swap3A_983], %swap3A_986 {strides = array<i32>} : memref<8x64x128xf32, #tpu.memory_space<vmem>>, vector<1x1x16xf32>,
        %mul3A_987 = arith.constant 2 : i32
        %mul3A_988 = arith.muli %scan3A_897, %mul3A_987 : i32
        %add3A_989 = arith.constant 1 : i32
        %add3A_990 = arith.addi %mul3A_988, %add3A_989 : i32
        %get3A_991 = arith.constant 4 : i32
        %get3A_992 = arith.index_cast %get3A_991 : i32 to index
        %get3A_993 = arith.index_cast %add3A_990 : i32 to index
        %get3A_994 = arith.constant 16 : index
        %get3A_995 = tpu.vector_load %arg7[%get3A_992, %get3A_993, %get3A_994] {strides = array<i32>} : memref<8x64x128xf32, #tpu.memory_space<vmem>>, vector<1x1x16xf32>,
        %get3A_996 = vector.shape_cast %get3A_995 : vector<1x1x16xf32> to vector<16xf32>
        %add3A_997 = arith.addf %get3A_996, %get3A_9 : vector<16xf32>
        %swap3A_998 = arith.constant 4 : i32
        %swap3A_999 = arith.index_cast %swap3A_998 : i32 to index
        %swap3A_1000 = arith.index_cast %add3A_990 : i32 to index
        %swap3A_1001 = arith.constant 16 : index
        %swap3A_1002 = tpu.vector_load %arg7[%swap3A_999, %swap3A_1000, %swap3A_1001] {strides = array<i32>} : memref<8x64x128xf32, #tpu.memory_space<vmem>>, vector<1x1x16xf32>,
        %swap3A_1003 = vector.shape_cast %swap3A_1002 : vector<1x1x16xf32> to vector<16xf32>
        %swap3A_1004 = vector.shape_cast %add3A_997 : vector<16xf32> to vector<1x1x16xf32>
        tpu.vector_store %arg7[%swap3A_999, %swap3A_1000, %swap3A_1001], %swap3A_1004 {strides = array<i32>} : memref<8x64x128xf32, #tpu.memory_space<vmem>>, vector<1x1x16xf32>,
        %mul3A_1005 = arith.constant 2 : i32
        %mul3A_1006 = arith.muli %scan3A_897, %mul3A_1005 : i32
        %add3A_1007 = arith.constant 1 : i32
        %add3A_1008 = arith.addi %mul3A_1006, %add3A_1007 : i32
        %get3A_1009 = arith.constant 4 : i32
        %get3A_1010 = arith.index_cast %get3A_1009 : i32 to index
        %get3A_1011 = arith.index_cast %add3A_1008 : i32 to index
        %get3A_1012 = arith.constant 32 : index
        %get3A_1013 = tpu.vector_load %arg7[%get3A_1010, %get3A_1011, %get3A_1012] {strides = array<i32>} : memref<8x64x128xf32, #tpu.memory_space<vmem>>, vector<1x1x16xf32>,
        %get3A_1014 = vector.shape_cast %get3A_1013 : vector<1x1x16xf32> to vector<16xf32>
        %add3A_1015 = arith.addf %get3A_1014, %get3A_12 : vector<16xf32>
        %swap3A_1016 = arith.constant 4 : i32
        %swap3A_1017 = arith.index_cast %swap3A_1016 : i32 to index
        %swap3A_1018 = arith.index_cast %add3A_1008 : i32 to index
        %swap3A_1019 = arith.constant 32 : index
        %swap3A_1020 = tpu.vector_load %arg7[%swap3A_1017, %swap3A_1018, %swap3A_1019] {strides = array<i32>} : memref<8x64x128xf32, #tpu.memory_space<vmem>>, vector<1x1x16xf32>,
        %swap3A_1021 = vector.shape_cast %swap3A_1020 : vector<1x1x16xf32> to vector<16xf32>
        %swap3A_1022 = vector.shape_cast %add3A_1015 : vector<16xf32> to vector<1x1x16xf32>
        tpu.vector_store %arg7[%swap3A_1017, %swap3A_1018, %swap3A_1019], %swap3A_1022 {strides = array<i32>} : memref<8x64x128xf32, #tpu.memory_space<vmem>>, vector<1x1x16xf32>,
        %mul3A_1023 = arith.constant 2 : i32
        %mul3A_1024 = arith.muli %scan3A_897, %mul3A_1023 : i32
        %add3A_1025 = arith.constant 1 : i32
        %add3A_1026 = arith.addi %mul3A_1024, %add3A_1025 : i32
        %get3A_1027 = arith.constant 4 : i32
        %get3A_1028 = arith.index_cast %get3A_1027 : i32 to index
        %get3A_1029 = arith.index_cast %add3A_1026 : i32 to index
        %get3A_1030 = arith.constant 48 : index
        %get3A_1031 = tpu.vector_load %arg7[%get3A_1028, %get3A_1029, %get3A_1030] {strides = array<i32>} : memref<8x64x128xf32, #tpu.memory_space<vmem>>, vector<1x1x16xf32>,
        %get3A_1032 = vector.shape_cast %get3A_1031 : vector<1x1x16xf32> to vector<16xf32>
        %add3A_1033 = arith.addf %get3A_1032, %get3A_15 : vector<16xf32>
        %swap3A_1034 = arith.constant 4 : i32
        %swap3A_1035 = arith.index_cast %swap3A_1034 : i32 to index
        %swap3A_1036 = arith.index_cast %add3A_1026 : i32 to index
        %swap3A_1037 = arith.constant 48 : index
        %swap3A_1038 = tpu.vector_load %arg7[%swap3A_1035, %swap3A_1036, %swap3A_1037] {strides = array<i32>} : memref<8x64x128xf32, #tpu.memory_space<vmem>>, vector<1x1x16xf32>,
        %swap3A_1039 = vector.shape_cast %swap3A_1038 : vector<1x1x16xf32> to vector<16xf32>
        %swap3A_1040 = vector.shape_cast %add3A_1033 : vector<16xf32> to vector<1x1x16xf32>
        tpu.vector_store %arg7[%swap3A_1035, %swap3A_1036, %swap3A_1037], %swap3A_1040 {strides = array<i32>} : memref<8x64x128xf32, #tpu.memory_space<vmem>>, vector<1x1x16xf32>,
      }
      %scan3A_589 = arith.constant 32 : i32
      %mul3A_590 = arith.constant 64 : i32
      %mul3A_591 = arith.muli %add3A_516, %mul3A_590 : i32
      %add3A_592 = arith.addi %mul3A_2, %mul3A_591 : i32
      %dma_start3A_593 = arith.constant 4 : i32
      %dma_start3A_594 = arith.constant 4 : i32
      %dma_start3A_595 = arith.constant 0 : i32
      %dma_start3A_596 = arith.constant 0 : i32
      %dma_start3A_597 = tpu.memref_slice %arg7[%dma_start3A_593, %dma_start3A_595, %dma_start3A_596] : memref<8x64x128xf32, #tpu.memory_space<vmem>> -> memref<1x64x128xf32, #tpu.memory_space<vmem>>
      %dma_start3A_598 = tpu.memref_squeeze %dma_start3A_597 : memref<1x64x128xf32, #tpu.memory_space<vmem>> -> memref<64x128xf32, #tpu.memory_space<vmem>>
      %dma_start3A_599 = arith.constant 0 : i32
      %dma_start3A_600 = tpu.memref_slice %arg5[%add3A_592, %dma_start3A_599] : memref<819200x128xf32, #tpu.memory_space<hbm>> -> memref<64x128xf32, #tpu.memory_space<hbm>>
      %dma_start3A_601 = tpu.memref_slice %arg10[%dma_start3A_594] : memref<8x!tpu.dma_semaphore, #tpu.memory_space<semaphore_mem>> -> memref<1x!tpu.dma_semaphore, #tpu.memory_space<semaphore_mem>>
      %dma_start3A_602 = tpu.memref_squeeze %dma_start3A_601 : memref<1x!tpu.dma_semaphore, #tpu.memory_space<semaphore_mem>> -> memref<!tpu.dma_semaphore, #tpu.memory_space<semaphore_mem>>
      %dma_start3A_603 = arith.constant 0 : i32
      %dma_start3A_604 = tpu.memref_slice %arg5[%add3A_592, %dma_start3A_603] : memref<819200x128xf32, #tpu.memory_space<hbm>> -> memref<64x128xf32, #tpu.memory_space<hbm>>
      %dma_start3A_605 = arith.constant 0 : i32
      %dma_start3A_606 = arith.constant 0 : i32
      %dma_start3A_607 = tpu.memref_slice %arg7[%dma_start3A_593, %dma_start3A_605, %dma_start3A_606] : memref<8x64x128xf32, #tpu.memory_space<vmem>> -> memref<1x64x128xf32, #tpu.memory_space<vmem>>
      %dma_start3A_608 = tpu.memref_squeeze %dma_start3A_607 : memref<1x64x128xf32, #tpu.memory_space<vmem>> -> memref<64x128xf32, #tpu.memory_space<vmem>>
      tpu.enqueue_dma source(%dma_start3A_608 : memref<64x128xf32, #tpu.memory_space<vmem>>) target(%dma_start3A_604 : memref<64x128xf32, #tpu.memory_space<hbm>>) target_semaphore(%dma_start3A_602 : memref<!tpu.dma_semaphore, #tpu.memory_space<semaphore_mem>>)
      %mul3A_609 = arith.constant 8 : i32
      %mul3A_610 = arith.muli %scan3A_141, %mul3A_609 : i32
      %add3A_611 = arith.constant 5 : i32
      %add3A_612 = arith.addi %mul3A_610, %add3A_611 : i32
      %add3A_613 = arith.constant 6 : i32
      %add3A_614 = arith.addi %add3A_612, %add3A_613 : i32
      %gt3A_615 = arith.constant 1 : i32
      %gt3A_616 = arith.cmpi sgt, %add3A_612, %gt3A_615 : i32
      %convert_element_type3A_617 = arith.extui %gt3A_616 : i1 to i32
      %cond3A_618 = arith.constant 0 : i32
      %cond3A_619 = arith.cmpi ne, %convert_element_type3A_617, %cond3A_618 : i32
      scf.if %cond3A_619 {
        %dma_wait3A_897 = arith.constant 3 : i32
        %dma_wait3A_898 = arith.constant 3 : i32
        %dma_wait3A_899 = arith.constant 0 : i32
        %dma_wait3A_900 = arith.constant 0 : i32
        %dma_wait3A_901 = tpu.memref_slice %arg7[%dma_wait3A_897, %dma_wait3A_899, %dma_wait3A_900] : memref<8x64x128xf32, #tpu.memory_space<vmem>> -> memref<1x64x128xf32, #tpu.memory_space<vmem>>
        %dma_wait3A_902 = tpu.memref_squeeze %dma_wait3A_901 : memref<1x64x128xf32, #tpu.memory_space<vmem>> -> memref<64x128xf32, #tpu.memory_space<vmem>>
        %dma_wait3A_903 = arith.constant 0 : i32
        %dma_wait3A_904 = tpu.memref_slice %arg5[%mul3A_2, %dma_wait3A_903] : memref<819200x128xf32, #tpu.memory_space<hbm>> -> memref<64x128xf32, #tpu.memory_space<hbm>>
        %dma_wait3A_905 = tpu.memref_slice %arg10[%dma_wait3A_898] : memref<8x!tpu.dma_semaphore, #tpu.memory_space<semaphore_mem>> -> memref<1x!tpu.dma_semaphore, #tpu.memory_space<semaphore_mem>>
        %dma_wait3A_906 = tpu.memref_squeeze %dma_wait3A_905 : memref<1x!tpu.dma_semaphore, #tpu.memory_space<semaphore_mem>> -> memref<!tpu.dma_semaphore, #tpu.memory_space<semaphore_mem>>
        %dma_wait3A_907 = arith.constant 0 : i32
        %dma_wait3A_908 = tpu.memref_slice %arg5[%mul3A_2, %dma_wait3A_907] : memref<819200x128xf32, #tpu.memory_space<hbm>> -> memref<64x128xf32, #tpu.memory_space<hbm>>
        %dma_wait3A_909 = arith.constant 0 : i32
        %dma_wait3A_910 = arith.constant 0 : i32
        %dma_wait3A_911 = tpu.memref_slice %arg7[%dma_wait3A_897, %dma_wait3A_909, %dma_wait3A_910] : memref<8x64x128xf32, #tpu.memory_space<vmem>> -> memref<1x64x128xf32, #tpu.memory_space<vmem>>
        %dma_wait3A_912 = tpu.memref_squeeze %dma_wait3A_911 : memref<1x64x128xf32, #tpu.memory_space<vmem>> -> memref<64x128xf32, #tpu.memory_space<vmem>>
        tpu.wait_dma2 semaphore(%dma_wait3A_906 : memref<!tpu.dma_semaphore, #tpu.memory_space<semaphore_mem>>) src(%dma_wait3A_912 : memref<64x128xf32, #tpu.memory_space<vmem>>) dst(%dma_wait3A_908 : memref<64x128xf32, #tpu.memory_space<hbm>>)
      } else {
      }
      %lt3A_620 = arith.constant 400 : i32
      %lt3A_621 = arith.cmpi slt, %add3A_614, %lt3A_620 : i32
      %convert_element_type3A_622 = arith.extui %lt3A_621 : i1 to i32
      %cond3A_623 = arith.constant 0 : i32
      %cond3A_624 = arith.cmpi ne, %convert_element_type3A_622, %cond3A_623 : i32
      scf.if %cond3A_624 {
        %jit3A_897 = arith.constant 2 : i32
        %div3A_898 = arith.divsi %add3A_614, %jit3A_897 : i32
        %sign3A_899 = arith.constant 0 : i32
        %sign3A_900 = arith.cmpi sgt, %add3A_614, %sign3A_899 : i32
        %sign3A_901 = arith.extui %sign3A_900 : i1 to i32
        %sign3A_902 = arith.constant 0 : i32
        %sign3A_903 = arith.cmpi slt, %add3A_614, %sign3A_902 : i32
        %sign3A_904 = arith.extui %sign3A_903 : i1 to i32
        %sign3A_905 = arith.subi %sign3A_901, %sign3A_904 : i32
        %sign3A_906 = arith.constant 0 : i32
        %sign3A_907 = arith.cmpi sgt, %jit3A_897, %sign3A_906 : i32
        %sign3A_908 = arith.extui %sign3A_907 : i1 to i32
        %sign3A_909 = arith.constant 0 : i32
        %sign3A_910 = arith.cmpi slt, %jit3A_897, %sign3A_909 : i32
        %sign3A_911 = arith.extui %sign3A_910 : i1 to i32
        %sign3A_912 = arith.subi %sign3A_908, %sign3A_911 : i32
        %ne3A_913 = arith.cmpi ne, %sign3A_905, %sign3A_912 : i32
        %rem3A_914 = arith.remsi %add3A_614, %jit3A_897 : i32
        %ne3A_915 = arith.constant 0 : i32
        %ne3A_916 = arith.cmpi ne, %rem3A_914, %ne3A_915 : i32
        %and3A_917 = arith.andi %ne3A_913, %ne3A_916 : i1
        %sub3A_918 = arith.constant 1 : i32
        %sub3A_919 = arith.subi %div3A_898, %sub3A_918 : i32
        %select_n3A_920 = arith.select %and3A_917, %sub3A_919, %div3A_898 : i32
        %jit3A_921 = arith.constant 2 : i32
        %eq3A_922 = arith.constant 0 : i32
        %eq3A_923 = arith.cmpi eq, %jit3A_921, %eq3A_922 : i32
        %jit3A_924 = arith.constant 1 : i32
        %select_n3A_925 = arith.select %eq3A_923, %jit3A_924, %jit3A_921 : i32
        %rem3A_926 = arith.remsi %add3A_614, %select_n3A_925 : i32
        %ne3A_927 = arith.constant 0 : i32
        %ne3A_928 = arith.cmpi ne, %rem3A_926, %ne3A_927 : i32
        %lt3A_929 = arith.constant 0 : i32
        %lt3A_930 = arith.cmpi slt, %rem3A_926, %lt3A_929 : i32
        %lt3A_931 = arith.constant 0 : i32
        %lt3A_932 = arith.cmpi slt, %select_n3A_925, %lt3A_931 : i32
        %ne3A_933 = arith.xori %lt3A_930, %lt3A_932 : i1
        %and3A_934 = arith.andi %ne3A_933, %ne3A_928 : i1
        %add3A_935 = arith.addi %rem3A_926, %select_n3A_925 : i32
        %select_n3A_936 = arith.select %and3A_934, %add3A_935, %rem3A_926 : i32
        %mul3A_937 = arith.constant 64 : i32
        %mul3A_938 = arith.muli %select_n3A_936, %mul3A_937 : i32
        %dma_start3A_939 = arith.constant 3 : i32
        %dma_start3A_940 = arith.constant 3 : i32
        %dma_start3A_941 = arith.constant 0 : i32
        %dma_start3A_942 = arith.constant 0 : i32
        %dma_start3A_943 = tpu.memref_slice %arg7[%dma_start3A_939, %dma_start3A_941, %dma_start3A_942] : memref<8x64x128xf32, #tpu.memory_space<vmem>> -> memref<1x64x128xf32, #tpu.memory_space<vmem>>
        %dma_start3A_944 = tpu.memref_squeeze %dma_start3A_943 : memref<1x64x128xf32, #tpu.memory_space<vmem>> -> memref<64x128xf32, #tpu.memory_space<vmem>>
        %dma_start3A_945 = tpu.memref_slice %arg6[%select_n3A_920, %mul3A_938] : memref<200x128xi32, #tpu.memory_space<vmem>> -> memref<1x64xi32, #tpu.memory_space<vmem>>
        %dma_start3A_946 = tpu.memref_squeeze %dma_start3A_945 : memref<1x64xi32, #tpu.memory_space<vmem>> -> memref<64xi32, #tpu.memory_space<vmem>>
        %dma_start3A_947 = arith.constant 0 : i32
        %dma_start3A_948 = arith.constant 0 : i32
        %dma_start3A_949 = tpu.memref_slice %arg3[%dma_start3A_947, %dma_start3A_948] : memref<1000000x128xf32, #tpu.memory_space<hbm>> -> memref<1000000x128xf32, #tpu.memory_space<hbm>>
        %dma_start3A_950 = tpu.memref_slice %arg9[%dma_start3A_940] : memref<8x!tpu.dma_semaphore, #tpu.memory_space<semaphore_mem>> -> memref<1x!tpu.dma_semaphore, #tpu.memory_space<semaphore_mem>>
        %dma_start3A_951 = tpu.memref_squeeze %dma_start3A_950 : memref<1x!tpu.dma_semaphore, #tpu.memory_space<semaphore_mem>> -> memref<!tpu.dma_semaphore, #tpu.memory_space<semaphore_mem>>
        tpu.enqueue_indirect_dma source(%dma_start3A_949 : memref<1000000x128xf32, #tpu.memory_space<hbm>>) target(%dma_start3A_944 : memref<64x128xf32, #tpu.memory_space<vmem>>) offsets(%dma_start3A_946 : memref<64xi32, #tpu.memory_space<vmem>>) semaphore(%dma_start3A_951 : memref<!tpu.dma_semaphore, #tpu.memory_space<semaphore_mem>>)
      } else {
      }
      %jit3A_625 = arith.constant 2 : i32
      %div3A_626 = arith.divsi %add3A_612, %jit3A_625 : i32
      %sign3A_627 = arith.constant 0 : i32
      %sign3A_628 = arith.cmpi sgt, %add3A_612, %sign3A_627 : i32
      %sign3A_629 = arith.extui %sign3A_628 : i1 to i32
      %sign3A_630 = arith.constant 0 : i32
      %sign3A_631 = arith.cmpi slt, %add3A_612, %sign3A_630 : i32
      %sign3A_632 = arith.extui %sign3A_631 : i1 to i32
      %sign3A_633 = arith.subi %sign3A_629, %sign3A_632 : i32
      %sign3A_634 = arith.constant 0 : i32
      %sign3A_635 = arith.cmpi sgt, %jit3A_625, %sign3A_634 : i32
      %sign3A_636 = arith.extui %sign3A_635 : i1 to i32
      %sign3A_637 = arith.constant 0 : i32
      %sign3A_638 = arith.cmpi slt, %jit3A_625, %sign3A_637 : i32
      %sign3A_639 = arith.extui %sign3A_638 : i1 to i32
      %sign3A_640 = arith.subi %sign3A_636, %sign3A_639 : i32
      %ne3A_641 = arith.cmpi ne, %sign3A_633, %sign3A_640 : i32
      %rem3A_642 = arith.remsi %add3A_612, %jit3A_625 : i32
      %ne3A_643 = arith.constant 0 : i32
      %ne3A_644 = arith.cmpi ne, %rem3A_642, %ne3A_643 : i32
      %and3A_645 = arith.andi %ne3A_641, %ne3A_644 : i1
      %sub3A_646 = arith.constant 1 : i32
      %sub3A_647 = arith.subi %div3A_626, %sub3A_646 : i32
      %select_n3A_648 = arith.select %and3A_645, %sub3A_647, %div3A_626 : i32
      %jit3A_649 = arith.constant 2 : i32
      %eq3A_650 = arith.constant 0 : i32
      %eq3A_651 = arith.cmpi eq, %jit3A_649, %eq3A_650 : i32
      %jit3A_652 = arith.constant 1 : i32
      %select_n3A_653 = arith.select %eq3A_651, %jit3A_652, %jit3A_649 : i32
      %rem3A_654 = arith.remsi %add3A_612, %select_n3A_653 : i32
      %ne3A_655 = arith.constant 0 : i32
      %ne3A_656 = arith.cmpi ne, %rem3A_654, %ne3A_655 : i32
      %lt3A_657 = arith.constant 0 : i32
      %lt3A_658 = arith.cmpi slt, %rem3A_654, %lt3A_657 : i32
      %lt3A_659 = arith.constant 0 : i32
      %lt3A_660 = arith.cmpi slt, %select_n3A_653, %lt3A_659 : i32
      %ne3A_661 = arith.xori %lt3A_658, %lt3A_660 : i1
      %and3A_662 = arith.andi %ne3A_661, %ne3A_656 : i1
      %add3A_663 = arith.addi %rem3A_654, %select_n3A_653 : i32
      %select_n3A_664 = arith.select %and3A_662, %add3A_663, %rem3A_654 : i32
      %mul3A_665 = arith.constant 64 : i32
      %mul3A_666 = arith.muli %select_n3A_664, %mul3A_665 : i32
      %dma_wait3A_667 = arith.constant 5 : i32
      %dma_wait3A_668 = arith.constant 5 : i32
      %dma_wait3A_669 = arith.constant 0 : i32
      %dma_wait3A_670 = arith.constant 0 : i32
      %dma_wait3A_671 = tpu.memref_slice %arg7[%dma_wait3A_667, %dma_wait3A_669, %dma_wait3A_670] : memref<8x64x128xf32, #tpu.memory_space<vmem>> -> memref<1x64x128xf32, #tpu.memory_space<vmem>>
      %dma_wait3A_672 = tpu.memref_squeeze %dma_wait3A_671 : memref<1x64x128xf32, #tpu.memory_space<vmem>> -> memref<64x128xf32, #tpu.memory_space<vmem>>
      %dma_wait3A_673 = tpu.memref_slice %arg6[%select_n3A_648, %mul3A_666] : memref<200x128xi32, #tpu.memory_space<vmem>> -> memref<1x64xi32, #tpu.memory_space<vmem>>
      %dma_wait3A_674 = tpu.memref_squeeze %dma_wait3A_673 : memref<1x64xi32, #tpu.memory_space<vmem>> -> memref<64xi32, #tpu.memory_space<vmem>>
      %dma_wait3A_675 = arith.constant 0 : i32
      %dma_wait3A_676 = arith.constant 0 : i32
      %dma_wait3A_677 = tpu.memref_slice %arg3[%dma_wait3A_675, %dma_wait3A_676] : memref<1000000x128xf32, #tpu.memory_space<hbm>> -> memref<1000000x128xf32, #tpu.memory_space<hbm>>
      %dma_wait3A_678 = tpu.memref_slice %arg9[%dma_wait3A_668] : memref<8x!tpu.dma_semaphore, #tpu.memory_space<semaphore_mem>> -> memref<1x!tpu.dma_semaphore, #tpu.memory_space<semaphore_mem>>
      %dma_wait3A_679 = tpu.memref_squeeze %dma_wait3A_678 : memref<1x!tpu.dma_semaphore, #tpu.memory_space<semaphore_mem>> -> memref<!tpu.dma_semaphore, #tpu.memory_space<semaphore_mem>>
      tpu.wait_indirect_dma semaphore(%dma_wait3A_679 : memref<!tpu.dma_semaphore, #tpu.memory_space<semaphore_mem>>) src(%dma_wait3A_677 : memref<1000000x128xf32, #tpu.memory_space<hbm>>) dst(%dma_wait3A_672 : memref<64x128xf32, #tpu.memory_space<vmem>>)
      %scan3A_680 = arith.constant 0 : i32
      %scan3A_681 = arith.constant 0 : i32
      %scan3A_682 = arith.constant 32 : i32
      %scan3A_683 = arith.addi %scan3A_681, %scan3A_682 : i32
      %scan3A_684 = arith.constant 1 : i32
      scf.for %scan3A_897 = %scan3A_681 to %scan3A_683 step %scan3A_684  : i32 {
        %mul3A_898 = arith.constant 2 : i32
        %mul3A_899 = arith.muli %scan3A_897, %mul3A_898 : i32
        %add3A_900 = arith.constant 0 : i32
        %add3A_901 = arith.addi %mul3A_899, %add3A_900 : i32
        %get3A_902 = arith.constant 5 : i32
        %get3A_903 = arith.index_cast %get3A_902 : i32 to index
        %get3A_904 = arith.index_cast %add3A_901 : i32 to index
        %get3A_905 = arith.constant 0 : index
        %get3A_906 = tpu.vector_load %arg7[%get3A_903, %get3A_904, %get3A_905] {strides = array<i32>} : memref<8x64x128xf32, #tpu.memory_space<vmem>>, vector<1x1x16xf32>,
        %get3A_907 = vector.shape_cast %get3A_906 : vector<1x1x16xf32> to vector<16xf32>
        %add3A_908 = arith.addf %get3A_907, %get3A_6 : vector<16xf32>
        %swap3A = arith.constant 5 : i32
        %swap3A_909 = arith.index_cast %swap3A : i32 to index
        %swap3A_910 = arith.index_cast %add3A_901 : i32 to index
        %swap3A_911 = arith.constant 0 : index
        %swap3A_912 = tpu.vector_load %arg7[%swap3A_909, %swap3A_910, %swap3A_911] {strides = array<i32>} : memref<8x64x128xf32, #tpu.memory_space<vmem>>, vector<1x1x16xf32>,
        %swap3A_913 = vector.shape_cast %swap3A_912 : vector<1x1x16xf32> to vector<16xf32>
        %swap3A_914 = vector.shape_cast %add3A_908 : vector<16xf32> to vector<1x1x16xf32>
        tpu.vector_store %arg7[%swap3A_909, %swap3A_910, %swap3A_911], %swap3A_914 {strides = array<i32>} : memref<8x64x128xf32, #tpu.memory_space<vmem>>, vector<1x1x16xf32>,
        %mul3A_915 = arith.constant 2 : i32
        %mul3A_916 = arith.muli %scan3A_897, %mul3A_915 : i32
        %add3A_917 = arith.constant 0 : i32
        %add3A_918 = arith.addi %mul3A_916, %add3A_917 : i32
        %get3A_919 = arith.constant 5 : i32
        %get3A_920 = arith.index_cast %get3A_919 : i32 to index
        %get3A_921 = arith.index_cast %add3A_918 : i32 to index
        %get3A_922 = arith.constant 16 : index
        %get3A_923 = tpu.vector_load %arg7[%get3A_920, %get3A_921, %get3A_922] {strides = array<i32>} : memref<8x64x128xf32, #tpu.memory_space<vmem>>, vector<1x1x16xf32>,
        %get3A_924 = vector.shape_cast %get3A_923 : vector<1x1x16xf32> to vector<16xf32>
        %add3A_925 = arith.addf %get3A_924, %get3A_9 : vector<16xf32>
        %swap3A_926 = arith.constant 5 : i32
        %swap3A_927 = arith.index_cast %swap3A_926 : i32 to index
        %swap3A_928 = arith.index_cast %add3A_918 : i32 to index
        %swap3A_929 = arith.constant 16 : index
        %swap3A_930 = tpu.vector_load %arg7[%swap3A_927, %swap3A_928, %swap3A_929] {strides = array<i32>} : memref<8x64x128xf32, #tpu.memory_space<vmem>>, vector<1x1x16xf32>,
        %swap3A_931 = vector.shape_cast %swap3A_930 : vector<1x1x16xf32> to vector<16xf32>
        %swap3A_932 = vector.shape_cast %add3A_925 : vector<16xf32> to vector<1x1x16xf32>
        tpu.vector_store %arg7[%swap3A_927, %swap3A_928, %swap3A_929], %swap3A_932 {strides = array<i32>} : memref<8x64x128xf32, #tpu.memory_space<vmem>>, vector<1x1x16xf32>,
        %mul3A_933 = arith.constant 2 : i32
        %mul3A_934 = arith.muli %scan3A_897, %mul3A_933 : i32
        %add3A_935 = arith.constant 0 : i32
        %add3A_936 = arith.addi %mul3A_934, %add3A_935 : i32
        %get3A_937 = arith.constant 5 : i32
        %get3A_938 = arith.index_cast %get3A_937 : i32 to index
        %get3A_939 = arith.index_cast %add3A_936 : i32 to index
        %get3A_940 = arith.constant 32 : index
        %get3A_941 = tpu.vector_load %arg7[%get3A_938, %get3A_939, %get3A_940] {strides = array<i32>} : memref<8x64x128xf32, #tpu.memory_space<vmem>>, vector<1x1x16xf32>,
        %get3A_942 = vector.shape_cast %get3A_941 : vector<1x1x16xf32> to vector<16xf32>
        %add3A_943 = arith.addf %get3A_942, %get3A_12 : vector<16xf32>
        %swap3A_944 = arith.constant 5 : i32
        %swap3A_945 = arith.index_cast %swap3A_944 : i32 to index
        %swap3A_946 = arith.index_cast %add3A_936 : i32 to index
        %swap3A_947 = arith.constant 32 : index
        %swap3A_948 = tpu.vector_load %arg7[%swap3A_945, %swap3A_946, %swap3A_947] {strides = array<i32>} : memref<8x64x128xf32, #tpu.memory_space<vmem>>, vector<1x1x16xf32>,
        %swap3A_949 = vector.shape_cast %swap3A_948 : vector<1x1x16xf32> to vector<16xf32>
        %swap3A_950 = vector.shape_cast %add3A_943 : vector<16xf32> to vector<1x1x16xf32>
        tpu.vector_store %arg7[%swap3A_945, %swap3A_946, %swap3A_947], %swap3A_950 {strides = array<i32>} : memref<8x64x128xf32, #tpu.memory_space<vmem>>, vector<1x1x16xf32>,
        %mul3A_951 = arith.constant 2 : i32
        %mul3A_952 = arith.muli %scan3A_897, %mul3A_951 : i32
        %add3A_953 = arith.constant 0 : i32
        %add3A_954 = arith.addi %mul3A_952, %add3A_953 : i32
        %get3A_955 = arith.constant 5 : i32
        %get3A_956 = arith.index_cast %get3A_955 : i32 to index
        %get3A_957 = arith.index_cast %add3A_954 : i32 to index
        %get3A_958 = arith.constant 48 : index
        %get3A_959 = tpu.vector_load %arg7[%get3A_956, %get3A_957, %get3A_958] {strides = array<i32>} : memref<8x64x128xf32, #tpu.memory_space<vmem>>, vector<1x1x16xf32>,
        %get3A_960 = vector.shape_cast %get3A_959 : vector<1x1x16xf32> to vector<16xf32>
        %add3A_961 = arith.addf %get3A_960, %get3A_15 : vector<16xf32>
        %swap3A_962 = arith.constant 5 : i32
        %swap3A_963 = arith.index_cast %swap3A_962 : i32 to index
        %swap3A_964 = arith.index_cast %add3A_954 : i32 to index
        %swap3A_965 = arith.constant 48 : index
        %swap3A_966 = tpu.vector_load %arg7[%swap3A_963, %swap3A_964, %swap3A_965] {strides = array<i32>} : memref<8x64x128xf32, #tpu.memory_space<vmem>>, vector<1x1x16xf32>,
        %swap3A_967 = vector.shape_cast %swap3A_966 : vector<1x1x16xf32> to vector<16xf32>
        %swap3A_968 = vector.shape_cast %add3A_961 : vector<16xf32> to vector<1x1x16xf32>
        tpu.vector_store %arg7[%swap3A_963, %swap3A_964, %swap3A_965], %swap3A_968 {strides = array<i32>} : memref<8x64x128xf32, #tpu.memory_space<vmem>>, vector<1x1x16xf32>,
        %mul3A_969 = arith.constant 2 : i32
        %mul3A_970 = arith.muli %scan3A_897, %mul3A_969 : i32
        %add3A_971 = arith.constant 1 : i32
        %add3A_972 = arith.addi %mul3A_970, %add3A_971 : i32
        %get3A_973 = arith.constant 5 : i32
        %get3A_974 = arith.index_cast %get3A_973 : i32 to index
        %get3A_975 = arith.index_cast %add3A_972 : i32 to index
        %get3A_976 = arith.constant 0 : index
        %get3A_977 = tpu.vector_load %arg7[%get3A_974, %get3A_975, %get3A_976] {strides = array<i32>} : memref<8x64x128xf32, #tpu.memory_space<vmem>>, vector<1x1x16xf32>,
        %get3A_978 = vector.shape_cast %get3A_977 : vector<1x1x16xf32> to vector<16xf32>
        %add3A_979 = arith.addf %get3A_978, %get3A_6 : vector<16xf32>
        %swap3A_980 = arith.constant 5 : i32
        %swap3A_981 = arith.index_cast %swap3A_980 : i32 to index
        %swap3A_982 = arith.index_cast %add3A_972 : i32 to index
        %swap3A_983 = arith.constant 0 : index
        %swap3A_984 = tpu.vector_load %arg7[%swap3A_981, %swap3A_982, %swap3A_983] {strides = array<i32>} : memref<8x64x128xf32, #tpu.memory_space<vmem>>, vector<1x1x16xf32>,
        %swap3A_985 = vector.shape_cast %swap3A_984 : vector<1x1x16xf32> to vector<16xf32>
        %swap3A_986 = vector.shape_cast %add3A_979 : vector<16xf32> to vector<1x1x16xf32>
        tpu.vector_store %arg7[%swap3A_981, %swap3A_982, %swap3A_983], %swap3A_986 {strides = array<i32>} : memref<8x64x128xf32, #tpu.memory_space<vmem>>, vector<1x1x16xf32>,
        %mul3A_987 = arith.constant 2 : i32
        %mul3A_988 = arith.muli %scan3A_897, %mul3A_987 : i32
        %add3A_989 = arith.constant 1 : i32
        %add3A_990 = arith.addi %mul3A_988, %add3A_989 : i32
        %get3A_991 = arith.constant 5 : i32
        %get3A_992 = arith.index_cast %get3A_991 : i32 to index
        %get3A_993 = arith.index_cast %add3A_990 : i32 to index
        %get3A_994 = arith.constant 16 : index
        %get3A_995 = tpu.vector_load %arg7[%get3A_992, %get3A_993, %get3A_994] {strides = array<i32>} : memref<8x64x128xf32, #tpu.memory_space<vmem>>, vector<1x1x16xf32>,
        %get3A_996 = vector.shape_cast %get3A_995 : vector<1x1x16xf32> to vector<16xf32>
        %add3A_997 = arith.addf %get3A_996, %get3A_9 : vector<16xf32>
        %swap3A_998 = arith.constant 5 : i32
        %swap3A_999 = arith.index_cast %swap3A_998 : i32 to index
        %swap3A_1000 = arith.index_cast %add3A_990 : i32 to index
        %swap3A_1001 = arith.constant 16 : index
        %swap3A_1002 = tpu.vector_load %arg7[%swap3A_999, %swap3A_1000, %swap3A_1001] {strides = array<i32>} : memref<8x64x128xf32, #tpu.memory_space<vmem>>, vector<1x1x16xf32>,
        %swap3A_1003 = vector.shape_cast %swap3A_1002 : vector<1x1x16xf32> to vector<16xf32>
        %swap3A_1004 = vector.shape_cast %add3A_997 : vector<16xf32> to vector<1x1x16xf32>
        tpu.vector_store %arg7[%swap3A_999, %swap3A_1000, %swap3A_1001], %swap3A_1004 {strides = array<i32>} : memref<8x64x128xf32, #tpu.memory_space<vmem>>, vector<1x1x16xf32>,
        %mul3A_1005 = arith.constant 2 : i32
        %mul3A_1006 = arith.muli %scan3A_897, %mul3A_1005 : i32
        %add3A_1007 = arith.constant 1 : i32
        %add3A_1008 = arith.addi %mul3A_1006, %add3A_1007 : i32
        %get3A_1009 = arith.constant 5 : i32
        %get3A_1010 = arith.index_cast %get3A_1009 : i32 to index
        %get3A_1011 = arith.index_cast %add3A_1008 : i32 to index
        %get3A_1012 = arith.constant 32 : index
        %get3A_1013 = tpu.vector_load %arg7[%get3A_1010, %get3A_1011, %get3A_1012] {strides = array<i32>} : memref<8x64x128xf32, #tpu.memory_space<vmem>>, vector<1x1x16xf32>,
        %get3A_1014 = vector.shape_cast %get3A_1013 : vector<1x1x16xf32> to vector<16xf32>
        %add3A_1015 = arith.addf %get3A_1014, %get3A_12 : vector<16xf32>
        %swap3A_1016 = arith.constant 5 : i32
        %swap3A_1017 = arith.index_cast %swap3A_1016 : i32 to index
        %swap3A_1018 = arith.index_cast %add3A_1008 : i32 to index
        %swap3A_1019 = arith.constant 32 : index
        %swap3A_1020 = tpu.vector_load %arg7[%swap3A_1017, %swap3A_1018, %swap3A_1019] {strides = array<i32>} : memref<8x64x128xf32, #tpu.memory_space<vmem>>, vector<1x1x16xf32>,
        %swap3A_1021 = vector.shape_cast %swap3A_1020 : vector<1x1x16xf32> to vector<16xf32>
        %swap3A_1022 = vector.shape_cast %add3A_1015 : vector<16xf32> to vector<1x1x16xf32>
        tpu.vector_store %arg7[%swap3A_1017, %swap3A_1018, %swap3A_1019], %swap3A_1022 {strides = array<i32>} : memref<8x64x128xf32, #tpu.memory_space<vmem>>, vector<1x1x16xf32>,
        %mul3A_1023 = arith.constant 2 : i32
        %mul3A_1024 = arith.muli %scan3A_897, %mul3A_1023 : i32
        %add3A_1025 = arith.constant 1 : i32
        %add3A_1026 = arith.addi %mul3A_1024, %add3A_1025 : i32
        %get3A_1027 = arith.constant 5 : i32
        %get3A_1028 = arith.index_cast %get3A_1027 : i32 to index
        %get3A_1029 = arith.index_cast %add3A_1026 : i32 to index
        %get3A_1030 = arith.constant 48 : index
        %get3A_1031 = tpu.vector_load %arg7[%get3A_1028, %get3A_1029, %get3A_1030] {strides = array<i32>} : memref<8x64x128xf32, #tpu.memory_space<vmem>>, vector<1x1x16xf32>,
        %get3A_1032 = vector.shape_cast %get3A_1031 : vector<1x1x16xf32> to vector<16xf32>
        %add3A_1033 = arith.addf %get3A_1032, %get3A_15 : vector<16xf32>
        %swap3A_1034 = arith.constant 5 : i32
        %swap3A_1035 = arith.index_cast %swap3A_1034 : i32 to index
        %swap3A_1036 = arith.index_cast %add3A_1026 : i32 to index
        %swap3A_1037 = arith.constant 48 : index
        %swap3A_1038 = tpu.vector_load %arg7[%swap3A_1035, %swap3A_1036, %swap3A_1037] {strides = array<i32>} : memref<8x64x128xf32, #tpu.memory_space<vmem>>, vector<1x1x16xf32>,
        %swap3A_1039 = vector.shape_cast %swap3A_1038 : vector<1x1x16xf32> to vector<16xf32>
        %swap3A_1040 = vector.shape_cast %add3A_1033 : vector<16xf32> to vector<1x1x16xf32>
        tpu.vector_store %arg7[%swap3A_1035, %swap3A_1036, %swap3A_1037], %swap3A_1040 {strides = array<i32>} : memref<8x64x128xf32, #tpu.memory_space<vmem>>, vector<1x1x16xf32>,
      }
      %scan3A_685 = arith.constant 32 : i32
      %mul3A_686 = arith.constant 64 : i32
      %mul3A_687 = arith.muli %add3A_612, %mul3A_686 : i32
      %add3A_688 = arith.addi %mul3A_2, %mul3A_687 : i32
      %dma_start3A_689 = arith.constant 5 : i32
      %dma_start3A_690 = arith.constant 5 : i32
      %dma_start3A_691 = arith.constant 0 : i32
      %dma_start3A_692 = arith.constant 0 : i32
      %dma_start3A_693 = tpu.memref_slice %arg7[%dma_start3A_689, %dma_start3A_691, %dma_start3A_692] : memref<8x64x128xf32, #tpu.memory_space<vmem>> -> memref<1x64x128xf32, #tpu.memory_space<vmem>>
      %dma_start3A_694 = tpu.memref_squeeze %dma_start3A_693 : memref<1x64x128xf32, #tpu.memory_space<vmem>> -> memref<64x128xf32, #tpu.memory_space<vmem>>
      %dma_start3A_695 = arith.constant 0 : i32
      %dma_start3A_696 = tpu.memref_slice %arg5[%add3A_688, %dma_start3A_695] : memref<819200x128xf32, #tpu.memory_space<hbm>> -> memref<64x128xf32, #tpu.memory_space<hbm>>
      %dma_start3A_697 = tpu.memref_slice %arg10[%dma_start3A_690] : memref<8x!tpu.dma_semaphore, #tpu.memory_space<semaphore_mem>> -> memref<1x!tpu.dma_semaphore, #tpu.memory_space<semaphore_mem>>
      %dma_start3A_698 = tpu.memref_squeeze %dma_start3A_697 : memref<1x!tpu.dma_semaphore, #tpu.memory_space<semaphore_mem>> -> memref<!tpu.dma_semaphore, #tpu.memory_space<semaphore_mem>>
      %dma_start3A_699 = arith.constant 0 : i32
      %dma_start3A_700 = tpu.memref_slice %arg5[%add3A_688, %dma_start3A_699] : memref<819200x128xf32, #tpu.memory_space<hbm>> -> memref<64x128xf32, #tpu.memory_space<hbm>>
      %dma_start3A_701 = arith.constant 0 : i32
      %dma_start3A_702 = arith.constant 0 : i32
      %dma_start3A_703 = tpu.memref_slice %arg7[%dma_start3A_689, %dma_start3A_701, %dma_start3A_702] : memref<8x64x128xf32, #tpu.memory_space<vmem>> -> memref<1x64x128xf32, #tpu.memory_space<vmem>>
      %dma_start3A_704 = tpu.memref_squeeze %dma_start3A_703 : memref<1x64x128xf32, #tpu.memory_space<vmem>> -> memref<64x128xf32, #tpu.memory_space<vmem>>
      tpu.enqueue_dma source(%dma_start3A_704 : memref<64x128xf32, #tpu.memory_space<vmem>>) target(%dma_start3A_700 : memref<64x128xf32, #tpu.memory_space<hbm>>) target_semaphore(%dma_start3A_698 : memref<!tpu.dma_semaphore, #tpu.memory_space<semaphore_mem>>)
      %mul3A_705 = arith.constant 8 : i32
      %mul3A_706 = arith.muli %scan3A_141, %mul3A_705 : i32
      %add3A_707 = arith.constant 6 : i32
      %add3A_708 = arith.addi %mul3A_706, %add3A_707 : i32
      %add3A_709 = arith.constant 6 : i32
      %add3A_710 = arith.addi %add3A_708, %add3A_709 : i32
      %gt3A_711 = arith.constant 1 : i32
      %gt3A_712 = arith.cmpi sgt, %add3A_708, %gt3A_711 : i32
      %convert_element_type3A_713 = arith.extui %gt3A_712 : i1 to i32
      %cond3A_714 = arith.constant 0 : i32
      %cond3A_715 = arith.cmpi ne, %convert_element_type3A_713, %cond3A_714 : i32
      scf.if %cond3A_715 {
        %dma_wait3A_897 = arith.constant 4 : i32
        %dma_wait3A_898 = arith.constant 4 : i32
        %dma_wait3A_899 = arith.constant 0 : i32
        %dma_wait3A_900 = arith.constant 0 : i32
        %dma_wait3A_901 = tpu.memref_slice %arg7[%dma_wait3A_897, %dma_wait3A_899, %dma_wait3A_900] : memref<8x64x128xf32, #tpu.memory_space<vmem>> -> memref<1x64x128xf32, #tpu.memory_space<vmem>>
        %dma_wait3A_902 = tpu.memref_squeeze %dma_wait3A_901 : memref<1x64x128xf32, #tpu.memory_space<vmem>> -> memref<64x128xf32, #tpu.memory_space<vmem>>
        %dma_wait3A_903 = arith.constant 0 : i32
        %dma_wait3A_904 = tpu.memref_slice %arg5[%mul3A_2, %dma_wait3A_903] : memref<819200x128xf32, #tpu.memory_space<hbm>> -> memref<64x128xf32, #tpu.memory_space<hbm>>
        %dma_wait3A_905 = tpu.memref_slice %arg10[%dma_wait3A_898] : memref<8x!tpu.dma_semaphore, #tpu.memory_space<semaphore_mem>> -> memref<1x!tpu.dma_semaphore, #tpu.memory_space<semaphore_mem>>
        %dma_wait3A_906 = tpu.memref_squeeze %dma_wait3A_905 : memref<1x!tpu.dma_semaphore, #tpu.memory_space<semaphore_mem>> -> memref<!tpu.dma_semaphore, #tpu.memory_space<semaphore_mem>>
        %dma_wait3A_907 = arith.constant 0 : i32
        %dma_wait3A_908 = tpu.memref_slice %arg5[%mul3A_2, %dma_wait3A_907] : memref<819200x128xf32, #tpu.memory_space<hbm>> -> memref<64x128xf32, #tpu.memory_space<hbm>>
        %dma_wait3A_909 = arith.constant 0 : i32
        %dma_wait3A_910 = arith.constant 0 : i32
        %dma_wait3A_911 = tpu.memref_slice %arg7[%dma_wait3A_897, %dma_wait3A_909, %dma_wait3A_910] : memref<8x64x128xf32, #tpu.memory_space<vmem>> -> memref<1x64x128xf32, #tpu.memory_space<vmem>>
        %dma_wait3A_912 = tpu.memref_squeeze %dma_wait3A_911 : memref<1x64x128xf32, #tpu.memory_space<vmem>> -> memref<64x128xf32, #tpu.memory_space<vmem>>
        tpu.wait_dma2 semaphore(%dma_wait3A_906 : memref<!tpu.dma_semaphore, #tpu.memory_space<semaphore_mem>>) src(%dma_wait3A_912 : memref<64x128xf32, #tpu.memory_space<vmem>>) dst(%dma_wait3A_908 : memref<64x128xf32, #tpu.memory_space<hbm>>)
      } else {
      }
      %lt3A_716 = arith.constant 400 : i32
      %lt3A_717 = arith.cmpi slt, %add3A_710, %lt3A_716 : i32
      %convert_element_type3A_718 = arith.extui %lt3A_717 : i1 to i32
      %cond3A_719 = arith.constant 0 : i32
      %cond3A_720 = arith.cmpi ne, %convert_element_type3A_718, %cond3A_719 : i32
      scf.if %cond3A_720 {
        %jit3A_897 = arith.constant 2 : i32
        %div3A_898 = arith.divsi %add3A_710, %jit3A_897 : i32
        %sign3A_899 = arith.constant 0 : i32
        %sign3A_900 = arith.cmpi sgt, %add3A_710, %sign3A_899 : i32
        %sign3A_901 = arith.extui %sign3A_900 : i1 to i32
        %sign3A_902 = arith.constant 0 : i32
        %sign3A_903 = arith.cmpi slt, %add3A_710, %sign3A_902 : i32
        %sign3A_904 = arith.extui %sign3A_903 : i1 to i32
        %sign3A_905 = arith.subi %sign3A_901, %sign3A_904 : i32
        %sign3A_906 = arith.constant 0 : i32
        %sign3A_907 = arith.cmpi sgt, %jit3A_897, %sign3A_906 : i32
        %sign3A_908 = arith.extui %sign3A_907 : i1 to i32
        %sign3A_909 = arith.constant 0 : i32
        %sign3A_910 = arith.cmpi slt, %jit3A_897, %sign3A_909 : i32
        %sign3A_911 = arith.extui %sign3A_910 : i1 to i32
        %sign3A_912 = arith.subi %sign3A_908, %sign3A_911 : i32
        %ne3A_913 = arith.cmpi ne, %sign3A_905, %sign3A_912 : i32
        %rem3A_914 = arith.remsi %add3A_710, %jit3A_897 : i32
        %ne3A_915 = arith.constant 0 : i32
        %ne3A_916 = arith.cmpi ne, %rem3A_914, %ne3A_915 : i32
        %and3A_917 = arith.andi %ne3A_913, %ne3A_916 : i1
        %sub3A_918 = arith.constant 1 : i32
        %sub3A_919 = arith.subi %div3A_898, %sub3A_918 : i32
        %select_n3A_920 = arith.select %and3A_917, %sub3A_919, %div3A_898 : i32
        %jit3A_921 = arith.constant 2 : i32
        %eq3A_922 = arith.constant 0 : i32
        %eq3A_923 = arith.cmpi eq, %jit3A_921, %eq3A_922 : i32
        %jit3A_924 = arith.constant 1 : i32
        %select_n3A_925 = arith.select %eq3A_923, %jit3A_924, %jit3A_921 : i32
        %rem3A_926 = arith.remsi %add3A_710, %select_n3A_925 : i32
        %ne3A_927 = arith.constant 0 : i32
        %ne3A_928 = arith.cmpi ne, %rem3A_926, %ne3A_927 : i32
        %lt3A_929 = arith.constant 0 : i32
        %lt3A_930 = arith.cmpi slt, %rem3A_926, %lt3A_929 : i32
        %lt3A_931 = arith.constant 0 : i32
        %lt3A_932 = arith.cmpi slt, %select_n3A_925, %lt3A_931 : i32
        %ne3A_933 = arith.xori %lt3A_930, %lt3A_932 : i1
        %and3A_934 = arith.andi %ne3A_933, %ne3A_928 : i1
        %add3A_935 = arith.addi %rem3A_926, %select_n3A_925 : i32
        %select_n3A_936 = arith.select %and3A_934, %add3A_935, %rem3A_926 : i32
        %mul3A_937 = arith.constant 64 : i32
        %mul3A_938 = arith.muli %select_n3A_936, %mul3A_937 : i32
        %dma_start3A_939 = arith.constant 4 : i32
        %dma_start3A_940 = arith.constant 4 : i32
        %dma_start3A_941 = arith.constant 0 : i32
        %dma_start3A_942 = arith.constant 0 : i32
        %dma_start3A_943 = tpu.memref_slice %arg7[%dma_start3A_939, %dma_start3A_941, %dma_start3A_942] : memref<8x64x128xf32, #tpu.memory_space<vmem>> -> memref<1x64x128xf32, #tpu.memory_space<vmem>>
        %dma_start3A_944 = tpu.memref_squeeze %dma_start3A_943 : memref<1x64x128xf32, #tpu.memory_space<vmem>> -> memref<64x128xf32, #tpu.memory_space<vmem>>
        %dma_start3A_945 = tpu.memref_slice %arg6[%select_n3A_920, %mul3A_938] : memref<200x128xi32, #tpu.memory_space<vmem>> -> memref<1x64xi32, #tpu.memory_space<vmem>>
        %dma_start3A_946 = tpu.memref_squeeze %dma_start3A_945 : memref<1x64xi32, #tpu.memory_space<vmem>> -> memref<64xi32, #tpu.memory_space<vmem>>
        %dma_start3A_947 = arith.constant 0 : i32
        %dma_start3A_948 = arith.constant 0 : i32
        %dma_start3A_949 = tpu.memref_slice %arg3[%dma_start3A_947, %dma_start3A_948] : memref<1000000x128xf32, #tpu.memory_space<hbm>> -> memref<1000000x128xf32, #tpu.memory_space<hbm>>
        %dma_start3A_950 = tpu.memref_slice %arg9[%dma_start3A_940] : memref<8x!tpu.dma_semaphore, #tpu.memory_space<semaphore_mem>> -> memref<1x!tpu.dma_semaphore, #tpu.memory_space<semaphore_mem>>
        %dma_start3A_951 = tpu.memref_squeeze %dma_start3A_950 : memref<1x!tpu.dma_semaphore, #tpu.memory_space<semaphore_mem>> -> memref<!tpu.dma_semaphore, #tpu.memory_space<semaphore_mem>>
        tpu.enqueue_indirect_dma source(%dma_start3A_949 : memref<1000000x128xf32, #tpu.memory_space<hbm>>) target(%dma_start3A_944 : memref<64x128xf32, #tpu.memory_space<vmem>>) offsets(%dma_start3A_946 : memref<64xi32, #tpu.memory_space<vmem>>) semaphore(%dma_start3A_951 : memref<!tpu.dma_semaphore, #tpu.memory_space<semaphore_mem>>)
      } else {
      }
      %jit3A_721 = arith.constant 2 : i32
      %div3A_722 = arith.divsi %add3A_708, %jit3A_721 : i32
      %sign3A_723 = arith.constant 0 : i32
      %sign3A_724 = arith.cmpi sgt, %add3A_708, %sign3A_723 : i32
      %sign3A_725 = arith.extui %sign3A_724 : i1 to i32
      %sign3A_726 = arith.constant 0 : i32
      %sign3A_727 = arith.cmpi slt, %add3A_708, %sign3A_726 : i32
      %sign3A_728 = arith.extui %sign3A_727 : i1 to i32
      %sign3A_729 = arith.subi %sign3A_725, %sign3A_728 : i32
      %sign3A_730 = arith.constant 0 : i32
      %sign3A_731 = arith.cmpi sgt, %jit3A_721, %sign3A_730 : i32
      %sign3A_732 = arith.extui %sign3A_731 : i1 to i32
      %sign3A_733 = arith.constant 0 : i32
      %sign3A_734 = arith.cmpi slt, %jit3A_721, %sign3A_733 : i32
      %sign3A_735 = arith.extui %sign3A_734 : i1 to i32
      %sign3A_736 = arith.subi %sign3A_732, %sign3A_735 : i32
      %ne3A_737 = arith.cmpi ne, %sign3A_729, %sign3A_736 : i32
      %rem3A_738 = arith.remsi %add3A_708, %jit3A_721 : i32
      %ne3A_739 = arith.constant 0 : i32
      %ne3A_740 = arith.cmpi ne, %rem3A_738, %ne3A_739 : i32
      %and3A_741 = arith.andi %ne3A_737, %ne3A_740 : i1
      %sub3A_742 = arith.constant 1 : i32
      %sub3A_743 = arith.subi %div3A_722, %sub3A_742 : i32
      %select_n3A_744 = arith.select %and3A_741, %sub3A_743, %div3A_722 : i32
      %jit3A_745 = arith.constant 2 : i32
      %eq3A_746 = arith.constant 0 : i32
      %eq3A_747 = arith.cmpi eq, %jit3A_745, %eq3A_746 : i32
      %jit3A_748 = arith.constant 1 : i32
      %select_n3A_749 = arith.select %eq3A_747, %jit3A_748, %jit3A_745 : i32
      %rem3A_750 = arith.remsi %add3A_708, %select_n3A_749 : i32
      %ne3A_751 = arith.constant 0 : i32
      %ne3A_752 = arith.cmpi ne, %rem3A_750, %ne3A_751 : i32
      %lt3A_753 = arith.constant 0 : i32
      %lt3A_754 = arith.cmpi slt, %rem3A_750, %lt3A_753 : i32
      %lt3A_755 = arith.constant 0 : i32
      %lt3A_756 = arith.cmpi slt, %select_n3A_749, %lt3A_755 : i32
      %ne3A_757 = arith.xori %lt3A_754, %lt3A_756 : i1
      %and3A_758 = arith.andi %ne3A_757, %ne3A_752 : i1
      %add3A_759 = arith.addi %rem3A_750, %select_n3A_749 : i32
      %select_n3A_760 = arith.select %and3A_758, %add3A_759, %rem3A_750 : i32
      %mul3A_761 = arith.constant 64 : i32
      %mul3A_762 = arith.muli %select_n3A_760, %mul3A_761 : i32
      %dma_wait3A_763 = arith.constant 6 : i32
      %dma_wait3A_764 = arith.constant 6 : i32
      %dma_wait3A_765 = arith.constant 0 : i32
      %dma_wait3A_766 = arith.constant 0 : i32
      %dma_wait3A_767 = tpu.memref_slice %arg7[%dma_wait3A_763, %dma_wait3A_765, %dma_wait3A_766] : memref<8x64x128xf32, #tpu.memory_space<vmem>> -> memref<1x64x128xf32, #tpu.memory_space<vmem>>
      %dma_wait3A_768 = tpu.memref_squeeze %dma_wait3A_767 : memref<1x64x128xf32, #tpu.memory_space<vmem>> -> memref<64x128xf32, #tpu.memory_space<vmem>>
      %dma_wait3A_769 = tpu.memref_slice %arg6[%select_n3A_744, %mul3A_762] : memref<200x128xi32, #tpu.memory_space<vmem>> -> memref<1x64xi32, #tpu.memory_space<vmem>>
      %dma_wait3A_770 = tpu.memref_squeeze %dma_wait3A_769 : memref<1x64xi32, #tpu.memory_space<vmem>> -> memref<64xi32, #tpu.memory_space<vmem>>
      %dma_wait3A_771 = arith.constant 0 : i32
      %dma_wait3A_772 = arith.constant 0 : i32
      %dma_wait3A_773 = tpu.memref_slice %arg3[%dma_wait3A_771, %dma_wait3A_772] : memref<1000000x128xf32, #tpu.memory_space<hbm>> -> memref<1000000x128xf32, #tpu.memory_space<hbm>>
      %dma_wait3A_774 = tpu.memref_slice %arg9[%dma_wait3A_764] : memref<8x!tpu.dma_semaphore, #tpu.memory_space<semaphore_mem>> -> memref<1x!tpu.dma_semaphore, #tpu.memory_space<semaphore_mem>>
      %dma_wait3A_775 = tpu.memref_squeeze %dma_wait3A_774 : memref<1x!tpu.dma_semaphore, #tpu.memory_space<semaphore_mem>> -> memref<!tpu.dma_semaphore, #tpu.memory_space<semaphore_mem>>
      tpu.wait_indirect_dma semaphore(%dma_wait3A_775 : memref<!tpu.dma_semaphore, #tpu.memory_space<semaphore_mem>>) src(%dma_wait3A_773 : memref<1000000x128xf32, #tpu.memory_space<hbm>>) dst(%dma_wait3A_768 : memref<64x128xf32, #tpu.memory_space<vmem>>)
      %scan3A_776 = arith.constant 0 : i32
      %scan3A_777 = arith.constant 0 : i32
      %scan3A_778 = arith.constant 32 : i32
      %scan3A_779 = arith.addi %scan3A_777, %scan3A_778 : i32
      %scan3A_780 = arith.constant 1 : i32
      scf.for %scan3A_897 = %scan3A_777 to %scan3A_779 step %scan3A_780  : i32 {
        %mul3A_898 = arith.constant 2 : i32
        %mul3A_899 = arith.muli %scan3A_897, %mul3A_898 : i32
        %add3A_900 = arith.constant 0 : i32
        %add3A_901 = arith.addi %mul3A_899, %add3A_900 : i32
        %get3A_902 = arith.constant 6 : i32
        %get3A_903 = arith.index_cast %get3A_902 : i32 to index
        %get3A_904 = arith.index_cast %add3A_901 : i32 to index
        %get3A_905 = arith.constant 0 : index
        %get3A_906 = tpu.vector_load %arg7[%get3A_903, %get3A_904, %get3A_905] {strides = array<i32>} : memref<8x64x128xf32, #tpu.memory_space<vmem>>, vector<1x1x16xf32>,
        %get3A_907 = vector.shape_cast %get3A_906 : vector<1x1x16xf32> to vector<16xf32>
        %add3A_908 = arith.addf %get3A_907, %get3A_6 : vector<16xf32>
        %swap3A = arith.constant 6 : i32
        %swap3A_909 = arith.index_cast %swap3A : i32 to index
        %swap3A_910 = arith.index_cast %add3A_901 : i32 to index
        %swap3A_911 = arith.constant 0 : index
        %swap3A_912 = tpu.vector_load %arg7[%swap3A_909, %swap3A_910, %swap3A_911] {strides = array<i32>} : memref<8x64x128xf32, #tpu.memory_space<vmem>>, vector<1x1x16xf32>,
        %swap3A_913 = vector.shape_cast %swap3A_912 : vector<1x1x16xf32> to vector<16xf32>
        %swap3A_914 = vector.shape_cast %add3A_908 : vector<16xf32> to vector<1x1x16xf32>
        tpu.vector_store %arg7[%swap3A_909, %swap3A_910, %swap3A_911], %swap3A_914 {strides = array<i32>} : memref<8x64x128xf32, #tpu.memory_space<vmem>>, vector<1x1x16xf32>,
        %mul3A_915 = arith.constant 2 : i32
        %mul3A_916 = arith.muli %scan3A_897, %mul3A_915 : i32
        %add3A_917 = arith.constant 0 : i32
        %add3A_918 = arith.addi %mul3A_916, %add3A_917 : i32
        %get3A_919 = arith.constant 6 : i32
        %get3A_920 = arith.index_cast %get3A_919 : i32 to index
        %get3A_921 = arith.index_cast %add3A_918 : i32 to index
        %get3A_922 = arith.constant 16 : index
        %get3A_923 = tpu.vector_load %arg7[%get3A_920, %get3A_921, %get3A_922] {strides = array<i32>} : memref<8x64x128xf32, #tpu.memory_space<vmem>>, vector<1x1x16xf32>,
        %get3A_924 = vector.shape_cast %get3A_923 : vector<1x1x16xf32> to vector<16xf32>
        %add3A_925 = arith.addf %get3A_924, %get3A_9 : vector<16xf32>
        %swap3A_926 = arith.constant 6 : i32
        %swap3A_927 = arith.index_cast %swap3A_926 : i32 to index
        %swap3A_928 = arith.index_cast %add3A_918 : i32 to index
        %swap3A_929 = arith.constant 16 : index
        %swap3A_930 = tpu.vector_load %arg7[%swap3A_927, %swap3A_928, %swap3A_929] {strides = array<i32>} : memref<8x64x128xf32, #tpu.memory_space<vmem>>, vector<1x1x16xf32>,
        %swap3A_931 = vector.shape_cast %swap3A_930 : vector<1x1x16xf32> to vector<16xf32>
        %swap3A_932 = vector.shape_cast %add3A_925 : vector<16xf32> to vector<1x1x16xf32>
        tpu.vector_store %arg7[%swap3A_927, %swap3A_928, %swap3A_929], %swap3A_932 {strides = array<i32>} : memref<8x64x128xf32, #tpu.memory_space<vmem>>, vector<1x1x16xf32>,
        %mul3A_933 = arith.constant 2 : i32
        %mul3A_934 = arith.muli %scan3A_897, %mul3A_933 : i32
        %add3A_935 = arith.constant 0 : i32
        %add3A_936 = arith.addi %mul3A_934, %add3A_935 : i32
        %get3A_937 = arith.constant 6 : i32
        %get3A_938 = arith.index_cast %get3A_937 : i32 to index
        %get3A_939 = arith.index_cast %add3A_936 : i32 to index
        %get3A_940 = arith.constant 32 : index
        %get3A_941 = tpu.vector_load %arg7[%get3A_938, %get3A_939, %get3A_940] {strides = array<i32>} : memref<8x64x128xf32, #tpu.memory_space<vmem>>, vector<1x1x16xf32>,
        %get3A_942 = vector.shape_cast %get3A_941 : vector<1x1x16xf32> to vector<16xf32>
        %add3A_943 = arith.addf %get3A_942, %get3A_12 : vector<16xf32>
        %swap3A_944 = arith.constant 6 : i32
        %swap3A_945 = arith.index_cast %swap3A_944 : i32 to index
        %swap3A_946 = arith.index_cast %add3A_936 : i32 to index
        %swap3A_947 = arith.constant 32 : index
        %swap3A_948 = tpu.vector_load %arg7[%swap3A_945, %swap3A_946, %swap3A_947] {strides = array<i32>} : memref<8x64x128xf32, #tpu.memory_space<vmem>>, vector<1x1x16xf32>,
        %swap3A_949 = vector.shape_cast %swap3A_948 : vector<1x1x16xf32> to vector<16xf32>
        %swap3A_950 = vector.shape_cast %add3A_943 : vector<16xf32> to vector<1x1x16xf32>
        tpu.vector_store %arg7[%swap3A_945, %swap3A_946, %swap3A_947], %swap3A_950 {strides = array<i32>} : memref<8x64x128xf32, #tpu.memory_space<vmem>>, vector<1x1x16xf32>,
        %mul3A_951 = arith.constant 2 : i32
        %mul3A_952 = arith.muli %scan3A_897, %mul3A_951 : i32
        %add3A_953 = arith.constant 0 : i32
        %add3A_954 = arith.addi %mul3A_952, %add3A_953 : i32
        %get3A_955 = arith.constant 6 : i32
        %get3A_956 = arith.index_cast %get3A_955 : i32 to index
        %get3A_957 = arith.index_cast %add3A_954 : i32 to index
        %get3A_958 = arith.constant 48 : index
        %get3A_959 = tpu.vector_load %arg7[%get3A_956, %get3A_957, %get3A_958] {strides = array<i32>} : memref<8x64x128xf32, #tpu.memory_space<vmem>>, vector<1x1x16xf32>,
        %get3A_960 = vector.shape_cast %get3A_959 : vector<1x1x16xf32> to vector<16xf32>
        %add3A_961 = arith.addf %get3A_960, %get3A_15 : vector<16xf32>
        %swap3A_962 = arith.constant 6 : i32
        %swap3A_963 = arith.index_cast %swap3A_962 : i32 to index
        %swap3A_964 = arith.index_cast %add3A_954 : i32 to index
        %swap3A_965 = arith.constant 48 : index
        %swap3A_966 = tpu.vector_load %arg7[%swap3A_963, %swap3A_964, %swap3A_965] {strides = array<i32>} : memref<8x64x128xf32, #tpu.memory_space<vmem>>, vector<1x1x16xf32>,
        %swap3A_967 = vector.shape_cast %swap3A_966 : vector<1x1x16xf32> to vector<16xf32>
        %swap3A_968 = vector.shape_cast %add3A_961 : vector<16xf32> to vector<1x1x16xf32>
        tpu.vector_store %arg7[%swap3A_963, %swap3A_964, %swap3A_965], %swap3A_968 {strides = array<i32>} : memref<8x64x128xf32, #tpu.memory_space<vmem>>, vector<1x1x16xf32>,
        %mul3A_969 = arith.constant 2 : i32
        %mul3A_970 = arith.muli %scan3A_897, %mul3A_969 : i32
        %add3A_971 = arith.constant 1 : i32
        %add3A_972 = arith.addi %mul3A_970, %add3A_971 : i32
        %get3A_973 = arith.constant 6 : i32
        %get3A_974 = arith.index_cast %get3A_973 : i32 to index
        %get3A_975 = arith.index_cast %add3A_972 : i32 to index
        %get3A_976 = arith.constant 0 : index
        %get3A_977 = tpu.vector_load %arg7[%get3A_974, %get3A_975, %get3A_976] {strides = array<i32>} : memref<8x64x128xf32, #tpu.memory_space<vmem>>, vector<1x1x16xf32>,
        %get3A_978 = vector.shape_cast %get3A_977 : vector<1x1x16xf32> to vector<16xf32>
        %add3A_979 = arith.addf %get3A_978, %get3A_6 : vector<16xf32>
        %swap3A_980 = arith.constant 6 : i32
        %swap3A_981 = arith.index_cast %swap3A_980 : i32 to index
        %swap3A_982 = arith.index_cast %add3A_972 : i32 to index
        %swap3A_983 = arith.constant 0 : index
        %swap3A_984 = tpu.vector_load %arg7[%swap3A_981, %swap3A_982, %swap3A_983] {strides = array<i32>} : memref<8x64x128xf32, #tpu.memory_space<vmem>>, vector<1x1x16xf32>,
        %swap3A_985 = vector.shape_cast %swap3A_984 : vector<1x1x16xf32> to vector<16xf32>
        %swap3A_986 = vector.shape_cast %add3A_979 : vector<16xf32> to vector<1x1x16xf32>
        tpu.vector_store %arg7[%swap3A_981, %swap3A_982, %swap3A_983], %swap3A_986 {strides = array<i32>} : memref<8x64x128xf32, #tpu.memory_space<vmem>>, vector<1x1x16xf32>,
        %mul3A_987 = arith.constant 2 : i32
        %mul3A_988 = arith.muli %scan3A_897, %mul3A_987 : i32
        %add3A_989 = arith.constant 1 : i32
        %add3A_990 = arith.addi %mul3A_988, %add3A_989 : i32
        %get3A_991 = arith.constant 6 : i32
        %get3A_992 = arith.index_cast %get3A_991 : i32 to index
        %get3A_993 = arith.index_cast %add3A_990 : i32 to index
        %get3A_994 = arith.constant 16 : index
        %get3A_995 = tpu.vector_load %arg7[%get3A_992, %get3A_993, %get3A_994] {strides = array<i32>} : memref<8x64x128xf32, #tpu.memory_space<vmem>>, vector<1x1x16xf32>,
        %get3A_996 = vector.shape_cast %get3A_995 : vector<1x1x16xf32> to vector<16xf32>
        %add3A_997 = arith.addf %get3A_996, %get3A_9 : vector<16xf32>
        %swap3A_998 = arith.constant 6 : i32
        %swap3A_999 = arith.index_cast %swap3A_998 : i32 to index
        %swap3A_1000 = arith.index_cast %add3A_990 : i32 to index
        %swap3A_1001 = arith.constant 16 : index
        %swap3A_1002 = tpu.vector_load %arg7[%swap3A_999, %swap3A_1000, %swap3A_1001] {strides = array<i32>} : memref<8x64x128xf32, #tpu.memory_space<vmem>>, vector<1x1x16xf32>,
        %swap3A_1003 = vector.shape_cast %swap3A_1002 : vector<1x1x16xf32> to vector<16xf32>
        %swap3A_1004 = vector.shape_cast %add3A_997 : vector<16xf32> to vector<1x1x16xf32>
        tpu.vector_store %arg7[%swap3A_999, %swap3A_1000, %swap3A_1001], %swap3A_1004 {strides = array<i32>} : memref<8x64x128xf32, #tpu.memory_space<vmem>>, vector<1x1x16xf32>,
        %mul3A_1005 = arith.constant 2 : i32
        %mul3A_1006 = arith.muli %scan3A_897, %mul3A_1005 : i32
        %add3A_1007 = arith.constant 1 : i32
        %add3A_1008 = arith.addi %mul3A_1006, %add3A_1007 : i32
        %get3A_1009 = arith.constant 6 : i32
        %get3A_1010 = arith.index_cast %get3A_1009 : i32 to index
        %get3A_1011 = arith.index_cast %add3A_1008 : i32 to index
        %get3A_1012 = arith.constant 32 : index
        %get3A_1013 = tpu.vector_load %arg7[%get3A_1010, %get3A_1011, %get3A_1012] {strides = array<i32>} : memref<8x64x128xf32, #tpu.memory_space<vmem>>, vector<1x1x16xf32>,
        %get3A_1014 = vector.shape_cast %get3A_1013 : vector<1x1x16xf32> to vector<16xf32>
        %add3A_1015 = arith.addf %get3A_1014, %get3A_12 : vector<16xf32>
        %swap3A_1016 = arith.constant 6 : i32
        %swap3A_1017 = arith.index_cast %swap3A_1016 : i32 to index
        %swap3A_1018 = arith.index_cast %add3A_1008 : i32 to index
        %swap3A_1019 = arith.constant 32 : index
        %swap3A_1020 = tpu.vector_load %arg7[%swap3A_1017, %swap3A_1018, %swap3A_1019] {strides = array<i32>} : memref<8x64x128xf32, #tpu.memory_space<vmem>>, vector<1x1x16xf32>,
        %swap3A_1021 = vector.shape_cast %swap3A_1020 : vector<1x1x16xf32> to vector<16xf32>
        %swap3A_1022 = vector.shape_cast %add3A_1015 : vector<16xf32> to vector<1x1x16xf32>
        tpu.vector_store %arg7[%swap3A_1017, %swap3A_1018, %swap3A_1019], %swap3A_1022 {strides = array<i32>} : memref<8x64x128xf32, #tpu.memory_space<vmem>>, vector<1x1x16xf32>,
        %mul3A_1023 = arith.constant 2 : i32
        %mul3A_1024 = arith.muli %scan3A_897, %mul3A_1023 : i32
        %add3A_1025 = arith.constant 1 : i32
        %add3A_1026 = arith.addi %mul3A_1024, %add3A_1025 : i32
        %get3A_1027 = arith.constant 6 : i32
        %get3A_1028 = arith.index_cast %get3A_1027 : i32 to index
        %get3A_1029 = arith.index_cast %add3A_1026 : i32 to index
        %get3A_1030 = arith.constant 48 : index
        %get3A_1031 = tpu.vector_load %arg7[%get3A_1028, %get3A_1029, %get3A_1030] {strides = array<i32>} : memref<8x64x128xf32, #tpu.memory_space<vmem>>, vector<1x1x16xf32>,
        %get3A_1032 = vector.shape_cast %get3A_1031 : vector<1x1x16xf32> to vector<16xf32>
        %add3A_1033 = arith.addf %get3A_1032, %get3A_15 : vector<16xf32>
        %swap3A_1034 = arith.constant 6 : i32
        %swap3A_1035 = arith.index_cast %swap3A_1034 : i32 to index
        %swap3A_1036 = arith.index_cast %add3A_1026 : i32 to index
        %swap3A_1037 = arith.constant 48 : index
        %swap3A_1038 = tpu.vector_load %arg7[%swap3A_1035, %swap3A_1036, %swap3A_1037] {strides = array<i32>} : memref<8x64x128xf32, #tpu.memory_space<vmem>>, vector<1x1x16xf32>,
        %swap3A_1039 = vector.shape_cast %swap3A_1038 : vector<1x1x16xf32> to vector<16xf32>
        %swap3A_1040 = vector.shape_cast %add3A_1033 : vector<16xf32> to vector<1x1x16xf32>
        tpu.vector_store %arg7[%swap3A_1035, %swap3A_1036, %swap3A_1037], %swap3A_1040 {strides = array<i32>} : memref<8x64x128xf32, #tpu.memory_space<vmem>>, vector<1x1x16xf32>,
      }
      %scan3A_781 = arith.constant 32 : i32
      %mul3A_782 = arith.constant 64 : i32
      %mul3A_783 = arith.muli %add3A_708, %mul3A_782 : i32
      %add3A_784 = arith.addi %mul3A_2, %mul3A_783 : i32
      %dma_start3A_785 = arith.constant 6 : i32
      %dma_start3A_786 = arith.constant 6 : i32
      %dma_start3A_787 = arith.constant 0 : i32
      %dma_start3A_788 = arith.constant 0 : i32
      %dma_start3A_789 = tpu.memref_slice %arg7[%dma_start3A_785, %dma_start3A_787, %dma_start3A_788] : memref<8x64x128xf32, #tpu.memory_space<vmem>> -> memref<1x64x128xf32, #tpu.memory_space<vmem>>
      %dma_start3A_790 = tpu.memref_squeeze %dma_start3A_789 : memref<1x64x128xf32, #tpu.memory_space<vmem>> -> memref<64x128xf32, #tpu.memory_space<vmem>>
      %dma_start3A_791 = arith.constant 0 : i32
      %dma_start3A_792 = tpu.memref_slice %arg5[%add3A_784, %dma_start3A_791] : memref<819200x128xf32, #tpu.memory_space<hbm>> -> memref<64x128xf32, #tpu.memory_space<hbm>>
      %dma_start3A_793 = tpu.memref_slice %arg10[%dma_start3A_786] : memref<8x!tpu.dma_semaphore, #tpu.memory_space<semaphore_mem>> -> memref<1x!tpu.dma_semaphore, #tpu.memory_space<semaphore_mem>>
      %dma_start3A_794 = tpu.memref_squeeze %dma_start3A_793 : memref<1x!tpu.dma_semaphore, #tpu.memory_space<semaphore_mem>> -> memref<!tpu.dma_semaphore, #tpu.memory_space<semaphore_mem>>
      %dma_start3A_795 = arith.constant 0 : i32
      %dma_start3A_796 = tpu.memref_slice %arg5[%add3A_784, %dma_start3A_795] : memref<819200x128xf32, #tpu.memory_space<hbm>> -> memref<64x128xf32, #tpu.memory_space<hbm>>
      %dma_start3A_797 = arith.constant 0 : i32
      %dma_start3A_798 = arith.constant 0 : i32
      %dma_start3A_799 = tpu.memref_slice %arg7[%dma_start3A_785, %dma_start3A_797, %dma_start3A_798] : memref<8x64x128xf32, #tpu.memory_space<vmem>> -> memref<1x64x128xf32, #tpu.memory_space<vmem>>
      %dma_start3A_800 = tpu.memref_squeeze %dma_start3A_799 : memref<1x64x128xf32, #tpu.memory_space<vmem>> -> memref<64x128xf32, #tpu.memory_space<vmem>>
      tpu.enqueue_dma source(%dma_start3A_800 : memref<64x128xf32, #tpu.memory_space<vmem>>) target(%dma_start3A_796 : memref<64x128xf32, #tpu.memory_space<hbm>>) target_semaphore(%dma_start3A_794 : memref<!tpu.dma_semaphore, #tpu.memory_space<semaphore_mem>>)
      %mul3A_801 = arith.constant 8 : i32
      %mul3A_802 = arith.muli %scan3A_141, %mul3A_801 : i32
      %add3A_803 = arith.constant 7 : i32
      %add3A_804 = arith.addi %mul3A_802, %add3A_803 : i32
      %add3A_805 = arith.constant 6 : i32
      %add3A_806 = arith.addi %add3A_804, %add3A_805 : i32
      %gt3A_807 = arith.constant 1 : i32
      %gt3A_808 = arith.cmpi sgt, %add3A_804, %gt3A_807 : i32
      %convert_element_type3A_809 = arith.extui %gt3A_808 : i1 to i32
      %cond3A_810 = arith.constant 0 : i32
      %cond3A_811 = arith.cmpi ne, %convert_element_type3A_809, %cond3A_810 : i32
      scf.if %cond3A_811 {
        %dma_wait3A_897 = arith.constant 5 : i32
        %dma_wait3A_898 = arith.constant 5 : i32
        %dma_wait3A_899 = arith.constant 0 : i32
        %dma_wait3A_900 = arith.constant 0 : i32
        %dma_wait3A_901 = tpu.memref_slice %arg7[%dma_wait3A_897, %dma_wait3A_899, %dma_wait3A_900] : memref<8x64x128xf32, #tpu.memory_space<vmem>> -> memref<1x64x128xf32, #tpu.memory_space<vmem>>
        %dma_wait3A_902 = tpu.memref_squeeze %dma_wait3A_901 : memref<1x64x128xf32, #tpu.memory_space<vmem>> -> memref<64x128xf32, #tpu.memory_space<vmem>>
        %dma_wait3A_903 = arith.constant 0 : i32
        %dma_wait3A_904 = tpu.memref_slice %arg5[%mul3A_2, %dma_wait3A_903] : memref<819200x128xf32, #tpu.memory_space<hbm>> -> memref<64x128xf32, #tpu.memory_space<hbm>>
        %dma_wait3A_905 = tpu.memref_slice %arg10[%dma_wait3A_898] : memref<8x!tpu.dma_semaphore, #tpu.memory_space<semaphore_mem>> -> memref<1x!tpu.dma_semaphore, #tpu.memory_space<semaphore_mem>>
        %dma_wait3A_906 = tpu.memref_squeeze %dma_wait3A_905 : memref<1x!tpu.dma_semaphore, #tpu.memory_space<semaphore_mem>> -> memref<!tpu.dma_semaphore, #tpu.memory_space<semaphore_mem>>
        %dma_wait3A_907 = arith.constant 0 : i32
        %dma_wait3A_908 = tpu.memref_slice %arg5[%mul3A_2, %dma_wait3A_907] : memref<819200x128xf32, #tpu.memory_space<hbm>> -> memref<64x128xf32, #tpu.memory_space<hbm>>
        %dma_wait3A_909 = arith.constant 0 : i32
        %dma_wait3A_910 = arith.constant 0 : i32
        %dma_wait3A_911 = tpu.memref_slice %arg7[%dma_wait3A_897, %dma_wait3A_909, %dma_wait3A_910] : memref<8x64x128xf32, #tpu.memory_space<vmem>> -> memref<1x64x128xf32, #tpu.memory_space<vmem>>
        %dma_wait3A_912 = tpu.memref_squeeze %dma_wait3A_911 : memref<1x64x128xf32, #tpu.memory_space<vmem>> -> memref<64x128xf32, #tpu.memory_space<vmem>>
        tpu.wait_dma2 semaphore(%dma_wait3A_906 : memref<!tpu.dma_semaphore, #tpu.memory_space<semaphore_mem>>) src(%dma_wait3A_912 : memref<64x128xf32, #tpu.memory_space<vmem>>) dst(%dma_wait3A_908 : memref<64x128xf32, #tpu.memory_space<hbm>>)
      } else {
      }
      %lt3A_812 = arith.constant 400 : i32
      %lt3A_813 = arith.cmpi slt, %add3A_806, %lt3A_812 : i32
      %convert_element_type3A_814 = arith.extui %lt3A_813 : i1 to i32
      %cond3A_815 = arith.constant 0 : i32
      %cond3A_816 = arith.cmpi ne, %convert_element_type3A_814, %cond3A_815 : i32
      scf.if %cond3A_816 {
        %jit3A_897 = arith.constant 2 : i32
        %div3A_898 = arith.divsi %add3A_806, %jit3A_897 : i32
        %sign3A_899 = arith.constant 0 : i32
        %sign3A_900 = arith.cmpi sgt, %add3A_806, %sign3A_899 : i32
        %sign3A_901 = arith.extui %sign3A_900 : i1 to i32
        %sign3A_902 = arith.constant 0 : i32
        %sign3A_903 = arith.cmpi slt, %add3A_806, %sign3A_902 : i32
        %sign3A_904 = arith.extui %sign3A_903 : i1 to i32
        %sign3A_905 = arith.subi %sign3A_901, %sign3A_904 : i32
        %sign3A_906 = arith.constant 0 : i32
        %sign3A_907 = arith.cmpi sgt, %jit3A_897, %sign3A_906 : i32
        %sign3A_908 = arith.extui %sign3A_907 : i1 to i32
        %sign3A_909 = arith.constant 0 : i32
        %sign3A_910 = arith.cmpi slt, %jit3A_897, %sign3A_909 : i32
        %sign3A_911 = arith.extui %sign3A_910 : i1 to i32
        %sign3A_912 = arith.subi %sign3A_908, %sign3A_911 : i32
        %ne3A_913 = arith.cmpi ne, %sign3A_905, %sign3A_912 : i32
        %rem3A_914 = arith.remsi %add3A_806, %jit3A_897 : i32
        %ne3A_915 = arith.constant 0 : i32
        %ne3A_916 = arith.cmpi ne, %rem3A_914, %ne3A_915 : i32
        %and3A_917 = arith.andi %ne3A_913, %ne3A_916 : i1
        %sub3A_918 = arith.constant 1 : i32
        %sub3A_919 = arith.subi %div3A_898, %sub3A_918 : i32
        %select_n3A_920 = arith.select %and3A_917, %sub3A_919, %div3A_898 : i32
        %jit3A_921 = arith.constant 2 : i32
        %eq3A_922 = arith.constant 0 : i32
        %eq3A_923 = arith.cmpi eq, %jit3A_921, %eq3A_922 : i32
        %jit3A_924 = arith.constant 1 : i32
        %select_n3A_925 = arith.select %eq3A_923, %jit3A_924, %jit3A_921 : i32
        %rem3A_926 = arith.remsi %add3A_806, %select_n3A_925 : i32
        %ne3A_927 = arith.constant 0 : i32
        %ne3A_928 = arith.cmpi ne, %rem3A_926, %ne3A_927 : i32
        %lt3A_929 = arith.constant 0 : i32
        %lt3A_930 = arith.cmpi slt, %rem3A_926, %lt3A_929 : i32
        %lt3A_931 = arith.constant 0 : i32
        %lt3A_932 = arith.cmpi slt, %select_n3A_925, %lt3A_931 : i32
        %ne3A_933 = arith.xori %lt3A_930, %lt3A_932 : i1
        %and3A_934 = arith.andi %ne3A_933, %ne3A_928 : i1
        %add3A_935 = arith.addi %rem3A_926, %select_n3A_925 : i32
        %select_n3A_936 = arith.select %and3A_934, %add3A_935, %rem3A_926 : i32
        %mul3A_937 = arith.constant 64 : i32
        %mul3A_938 = arith.muli %select_n3A_936, %mul3A_937 : i32
        %dma_start3A_939 = arith.constant 5 : i32
        %dma_start3A_940 = arith.constant 5 : i32
        %dma_start3A_941 = arith.constant 0 : i32
        %dma_start3A_942 = arith.constant 0 : i32
        %dma_start3A_943 = tpu.memref_slice %arg7[%dma_start3A_939, %dma_start3A_941, %dma_start3A_942] : memref<8x64x128xf32, #tpu.memory_space<vmem>> -> memref<1x64x128xf32, #tpu.memory_space<vmem>>
        %dma_start3A_944 = tpu.memref_squeeze %dma_start3A_943 : memref<1x64x128xf32, #tpu.memory_space<vmem>> -> memref<64x128xf32, #tpu.memory_space<vmem>>
        %dma_start3A_945 = tpu.memref_slice %arg6[%select_n3A_920, %mul3A_938] : memref<200x128xi32, #tpu.memory_space<vmem>> -> memref<1x64xi32, #tpu.memory_space<vmem>>
        %dma_start3A_946 = tpu.memref_squeeze %dma_start3A_945 : memref<1x64xi32, #tpu.memory_space<vmem>> -> memref<64xi32, #tpu.memory_space<vmem>>
        %dma_start3A_947 = arith.constant 0 : i32
        %dma_start3A_948 = arith.constant 0 : i32
        %dma_start3A_949 = tpu.memref_slice %arg3[%dma_start3A_947, %dma_start3A_948] : memref<1000000x128xf32, #tpu.memory_space<hbm>> -> memref<1000000x128xf32, #tpu.memory_space<hbm>>
        %dma_start3A_950 = tpu.memref_slice %arg9[%dma_start3A_940] : memref<8x!tpu.dma_semaphore, #tpu.memory_space<semaphore_mem>> -> memref<1x!tpu.dma_semaphore, #tpu.memory_space<semaphore_mem>>
        %dma_start3A_951 = tpu.memref_squeeze %dma_start3A_950 : memref<1x!tpu.dma_semaphore, #tpu.memory_space<semaphore_mem>> -> memref<!tpu.dma_semaphore, #tpu.memory_space<semaphore_mem>>
        tpu.enqueue_indirect_dma source(%dma_start3A_949 : memref<1000000x128xf32, #tpu.memory_space<hbm>>) target(%dma_start3A_944 : memref<64x128xf32, #tpu.memory_space<vmem>>) offsets(%dma_start3A_946 : memref<64xi32, #tpu.memory_space<vmem>>) semaphore(%dma_start3A_951 : memref<!tpu.dma_semaphore, #tpu.memory_space<semaphore_mem>>)
      } else {
      }
      %jit3A_817 = arith.constant 2 : i32
      %div3A_818 = arith.divsi %add3A_804, %jit3A_817 : i32
      %sign3A_819 = arith.constant 0 : i32
      %sign3A_820 = arith.cmpi sgt, %add3A_804, %sign3A_819 : i32
      %sign3A_821 = arith.extui %sign3A_820 : i1 to i32
      %sign3A_822 = arith.constant 0 : i32
      %sign3A_823 = arith.cmpi slt, %add3A_804, %sign3A_822 : i32
      %sign3A_824 = arith.extui %sign3A_823 : i1 to i32
      %sign3A_825 = arith.subi %sign3A_821, %sign3A_824 : i32
      %sign3A_826 = arith.constant 0 : i32
      %sign3A_827 = arith.cmpi sgt, %jit3A_817, %sign3A_826 : i32
      %sign3A_828 = arith.extui %sign3A_827 : i1 to i32
      %sign3A_829 = arith.constant 0 : i32
      %sign3A_830 = arith.cmpi slt, %jit3A_817, %sign3A_829 : i32
      %sign3A_831 = arith.extui %sign3A_830 : i1 to i32
      %sign3A_832 = arith.subi %sign3A_828, %sign3A_831 : i32
      %ne3A_833 = arith.cmpi ne, %sign3A_825, %sign3A_832 : i32
      %rem3A_834 = arith.remsi %add3A_804, %jit3A_817 : i32
      %ne3A_835 = arith.constant 0 : i32
      %ne3A_836 = arith.cmpi ne, %rem3A_834, %ne3A_835 : i32
      %and3A_837 = arith.andi %ne3A_833, %ne3A_836 : i1
      %sub3A_838 = arith.constant 1 : i32
      %sub3A_839 = arith.subi %div3A_818, %sub3A_838 : i32
      %select_n3A_840 = arith.select %and3A_837, %sub3A_839, %div3A_818 : i32
      %jit3A_841 = arith.constant 2 : i32
      %eq3A_842 = arith.constant 0 : i32
      %eq3A_843 = arith.cmpi eq, %jit3A_841, %eq3A_842 : i32
      %jit3A_844 = arith.constant 1 : i32
      %select_n3A_845 = arith.select %eq3A_843, %jit3A_844, %jit3A_841 : i32
      %rem3A_846 = arith.remsi %add3A_804, %select_n3A_845 : i32
      %ne3A_847 = arith.constant 0 : i32
      %ne3A_848 = arith.cmpi ne, %rem3A_846, %ne3A_847 : i32
      %lt3A_849 = arith.constant 0 : i32
      %lt3A_850 = arith.cmpi slt, %rem3A_846, %lt3A_849 : i32
      %lt3A_851 = arith.constant 0 : i32
      %lt3A_852 = arith.cmpi slt, %select_n3A_845, %lt3A_851 : i32
      %ne3A_853 = arith.xori %lt3A_850, %lt3A_852 : i1
      %and3A_854 = arith.andi %ne3A_853, %ne3A_848 : i1
      %add3A_855 = arith.addi %rem3A_846, %select_n3A_845 : i32
      %select_n3A_856 = arith.select %and3A_854, %add3A_855, %rem3A_846 : i32
      %mul3A_857 = arith.constant 64 : i32
      %mul3A_858 = arith.muli %select_n3A_856, %mul3A_857 : i32
      %dma_wait3A_859 = arith.constant 7 : i32
      %dma_wait3A_860 = arith.constant 7 : i32
      %dma_wait3A_861 = arith.constant 0 : i32
      %dma_wait3A_862 = arith.constant 0 : i32
      %dma_wait3A_863 = tpu.memref_slice %arg7[%dma_wait3A_859, %dma_wait3A_861, %dma_wait3A_862] : memref<8x64x128xf32, #tpu.memory_space<vmem>> -> memref<1x64x128xf32, #tpu.memory_space<vmem>>
      %dma_wait3A_864 = tpu.memref_squeeze %dma_wait3A_863 : memref<1x64x128xf32, #tpu.memory_space<vmem>> -> memref<64x128xf32, #tpu.memory_space<vmem>>
      %dma_wait3A_865 = tpu.memref_slice %arg6[%select_n3A_840, %mul3A_858] : memref<200x128xi32, #tpu.memory_space<vmem>> -> memref<1x64xi32, #tpu.memory_space<vmem>>
      %dma_wait3A_866 = tpu.memref_squeeze %dma_wait3A_865 : memref<1x64xi32, #tpu.memory_space<vmem>> -> memref<64xi32, #tpu.memory_space<vmem>>
      %dma_wait3A_867 = arith.constant 0 : i32
      %dma_wait3A_868 = arith.constant 0 : i32
      %dma_wait3A_869 = tpu.memref_slice %arg3[%dma_wait3A_867, %dma_wait3A_868] : memref<1000000x128xf32, #tpu.memory_space<hbm>> -> memref<1000000x128xf32, #tpu.memory_space<hbm>>
      %dma_wait3A_870 = tpu.memref_slice %arg9[%dma_wait3A_860] : memref<8x!tpu.dma_semaphore, #tpu.memory_space<semaphore_mem>> -> memref<1x!tpu.dma_semaphore, #tpu.memory_space<semaphore_mem>>
      %dma_wait3A_871 = tpu.memref_squeeze %dma_wait3A_870 : memref<1x!tpu.dma_semaphore, #tpu.memory_space<semaphore_mem>> -> memref<!tpu.dma_semaphore, #tpu.memory_space<semaphore_mem>>
      tpu.wait_indirect_dma semaphore(%dma_wait3A_871 : memref<!tpu.dma_semaphore, #tpu.memory_space<semaphore_mem>>) src(%dma_wait3A_869 : memref<1000000x128xf32, #tpu.memory_space<hbm>>) dst(%dma_wait3A_864 : memref<64x128xf32, #tpu.memory_space<vmem>>)
      %scan3A_872 = arith.constant 0 : i32
      %scan3A_873 = arith.constant 0 : i32
      %scan3A_874 = arith.constant 32 : i32
      %scan3A_875 = arith.addi %scan3A_873, %scan3A_874 : i32
      %scan3A_876 = arith.constant 1 : i32
      scf.for %scan3A_897 = %scan3A_873 to %scan3A_875 step %scan3A_876  : i32 {
        %mul3A_898 = arith.constant 2 : i32
        %mul3A_899 = arith.muli %scan3A_897, %mul3A_898 : i32
        %add3A_900 = arith.constant 0 : i32
        %add3A_901 = arith.addi %mul3A_899, %add3A_900 : i32
        %get3A_902 = arith.constant 7 : i32
        %get3A_903 = arith.index_cast %get3A_902 : i32 to index
        %get3A_904 = arith.index_cast %add3A_901 : i32 to index
        %get3A_905 = arith.constant 0 : index
        %get3A_906 = tpu.vector_load %arg7[%get3A_903, %get3A_904, %get3A_905] {strides = array<i32>} : memref<8x64x128xf32, #tpu.memory_space<vmem>>, vector<1x1x16xf32>,
        %get3A_907 = vector.shape_cast %get3A_906 : vector<1x1x16xf32> to vector<16xf32>
        %add3A_908 = arith.addf %get3A_907, %get3A_6 : vector<16xf32>
        %swap3A = arith.constant 7 : i32
        %swap3A_909 = arith.index_cast %swap3A : i32 to index
        %swap3A_910 = arith.index_cast %add3A_901 : i32 to index
        %swap3A_911 = arith.constant 0 : index
        %swap3A_912 = tpu.vector_load %arg7[%swap3A_909, %swap3A_910, %swap3A_911] {strides = array<i32>} : memref<8x64x128xf32, #tpu.memory_space<vmem>>, vector<1x1x16xf32>,
        %swap3A_913 = vector.shape_cast %swap3A_912 : vector<1x1x16xf32> to vector<16xf32>
        %swap3A_914 = vector.shape_cast %add3A_908 : vector<16xf32> to vector<1x1x16xf32>
        tpu.vector_store %arg7[%swap3A_909, %swap3A_910, %swap3A_911], %swap3A_914 {strides = array<i32>} : memref<8x64x128xf32, #tpu.memory_space<vmem>>, vector<1x1x16xf32>,
        %mul3A_915 = arith.constant 2 : i32
        %mul3A_916 = arith.muli %scan3A_897, %mul3A_915 : i32
        %add3A_917 = arith.constant 0 : i32
        %add3A_918 = arith.addi %mul3A_916, %add3A_917 : i32
        %get3A_919 = arith.constant 7 : i32
        %get3A_920 = arith.index_cast %get3A_919 : i32 to index
        %get3A_921 = arith.index_cast %add3A_918 : i32 to index
        %get3A_922 = arith.constant 16 : index
        %get3A_923 = tpu.vector_load %arg7[%get3A_920, %get3A_921, %get3A_922] {strides = array<i32>} : memref<8x64x128xf32, #tpu.memory_space<vmem>>, vector<1x1x16xf32>,
        %get3A_924 = vector.shape_cast %get3A_923 : vector<1x1x16xf32> to vector<16xf32>
        %add3A_925 = arith.addf %get3A_924, %get3A_9 : vector<16xf32>
        %swap3A_926 = arith.constant 7 : i32
        %swap3A_927 = arith.index_cast %swap3A_926 : i32 to index
        %swap3A_928 = arith.index_cast %add3A_918 : i32 to index
        %swap3A_929 = arith.constant 16 : index
        %swap3A_930 = tpu.vector_load %arg7[%swap3A_927, %swap3A_928, %swap3A_929] {strides = array<i32>} : memref<8x64x128xf32, #tpu.memory_space<vmem>>, vector<1x1x16xf32>,
        %swap3A_931 = vector.shape_cast %swap3A_930 : vector<1x1x16xf32> to vector<16xf32>
        %swap3A_932 = vector.shape_cast %add3A_925 : vector<16xf32> to vector<1x1x16xf32>
        tpu.vector_store %arg7[%swap3A_927, %swap3A_928, %swap3A_929], %swap3A_932 {strides = array<i32>} : memref<8x64x128xf32, #tpu.memory_space<vmem>>, vector<1x1x16xf32>,
        %mul3A_933 = arith.constant 2 : i32
        %mul3A_934 = arith.muli %scan3A_897, %mul3A_933 : i32
        %add3A_935 = arith.constant 0 : i32
        %add3A_936 = arith.addi %mul3A_934, %add3A_935 : i32
        %get3A_937 = arith.constant 7 : i32
        %get3A_938 = arith.index_cast %get3A_937 : i32 to index
        %get3A_939 = arith.index_cast %add3A_936 : i32 to index
        %get3A_940 = arith.constant 32 : index
        %get3A_941 = tpu.vector_load %arg7[%get3A_938, %get3A_939, %get3A_940] {strides = array<i32>} : memref<8x64x128xf32, #tpu.memory_space<vmem>>, vector<1x1x16xf32>,
        %get3A_942 = vector.shape_cast %get3A_941 : vector<1x1x16xf32> to vector<16xf32>
        %add3A_943 = arith.addf %get3A_942, %get3A_12 : vector<16xf32>
        %swap3A_944 = arith.constant 7 : i32
        %swap3A_945 = arith.index_cast %swap3A_944 : i32 to index
        %swap3A_946 = arith.index_cast %add3A_936 : i32 to index
        %swap3A_947 = arith.constant 32 : index
        %swap3A_948 = tpu.vector_load %arg7[%swap3A_945, %swap3A_946, %swap3A_947] {strides = array<i32>} : memref<8x64x128xf32, #tpu.memory_space<vmem>>, vector<1x1x16xf32>,
        %swap3A_949 = vector.shape_cast %swap3A_948 : vector<1x1x16xf32> to vector<16xf32>
        %swap3A_950 = vector.shape_cast %add3A_943 : vector<16xf32> to vector<1x1x16xf32>
        tpu.vector_store %arg7[%swap3A_945, %swap3A_946, %swap3A_947], %swap3A_950 {strides = array<i32>} : memref<8x64x128xf32, #tpu.memory_space<vmem>>, vector<1x1x16xf32>,
        %mul3A_951 = arith.constant 2 : i32
        %mul3A_952 = arith.muli %scan3A_897, %mul3A_951 : i32
        %add3A_953 = arith.constant 0 : i32
        %add3A_954 = arith.addi %mul3A_952, %add3A_953 : i32
        %get3A_955 = arith.constant 7 : i32
        %get3A_956 = arith.index_cast %get3A_955 : i32 to index
        %get3A_957 = arith.index_cast %add3A_954 : i32 to index
        %get3A_958 = arith.constant 48 : index
        %get3A_959 = tpu.vector_load %arg7[%get3A_956, %get3A_957, %get3A_958] {strides = array<i32>} : memref<8x64x128xf32, #tpu.memory_space<vmem>>, vector<1x1x16xf32>,
        %get3A_960 = vector.shape_cast %get3A_959 : vector<1x1x16xf32> to vector<16xf32>
        %add3A_961 = arith.addf %get3A_960, %get3A_15 : vector<16xf32>
        %swap3A_962 = arith.constant 7 : i32
        %swap3A_963 = arith.index_cast %swap3A_962 : i32 to index
        %swap3A_964 = arith.index_cast %add3A_954 : i32 to index
        %swap3A_965 = arith.constant 48 : index
        %swap3A_966 = tpu.vector_load %arg7[%swap3A_963, %swap3A_964, %swap3A_965] {strides = array<i32>} : memref<8x64x128xf32, #tpu.memory_space<vmem>>, vector<1x1x16xf32>,
        %swap3A_967 = vector.shape_cast %swap3A_966 : vector<1x1x16xf32> to vector<16xf32>
        %swap3A_968 = vector.shape_cast %add3A_961 : vector<16xf32> to vector<1x1x16xf32>
        tpu.vector_store %arg7[%swap3A_963, %swap3A_964, %swap3A_965], %swap3A_968 {strides = array<i32>} : memref<8x64x128xf32, #tpu.memory_space<vmem>>, vector<1x1x16xf32>,
        %mul3A_969 = arith.constant 2 : i32
        %mul3A_970 = arith.muli %scan3A_897, %mul3A_969 : i32
        %add3A_971 = arith.constant 1 : i32
        %add3A_972 = arith.addi %mul3A_970, %add3A_971 : i32
        %get3A_973 = arith.constant 7 : i32
        %get3A_974 = arith.index_cast %get3A_973 : i32 to index
        %get3A_975 = arith.index_cast %add3A_972 : i32 to index
        %get3A_976 = arith.constant 0 : index
        %get3A_977 = tpu.vector_load %arg7[%get3A_974, %get3A_975, %get3A_976] {strides = array<i32>} : memref<8x64x128xf32, #tpu.memory_space<vmem>>, vector<1x1x16xf32>,
        %get3A_978 = vector.shape_cast %get3A_977 : vector<1x1x16xf32> to vector<16xf32>
        %add3A_979 = arith.addf %get3A_978, %get3A_6 : vector<16xf32>
        %swap3A_980 = arith.constant 7 : i32
        %swap3A_981 = arith.index_cast %swap3A_980 : i32 to index
        %swap3A_982 = arith.index_cast %add3A_972 : i32 to index
        %swap3A_983 = arith.constant 0 : index
        %swap3A_984 = tpu.vector_load %arg7[%swap3A_981, %swap3A_982, %swap3A_983] {strides = array<i32>} : memref<8x64x128xf32, #tpu.memory_space<vmem>>, vector<1x1x16xf32>,
        %swap3A_985 = vector.shape_cast %swap3A_984 : vector<1x1x16xf32> to vector<16xf32>
        %swap3A_986 = vector.shape_cast %add3A_979 : vector<16xf32> to vector<1x1x16xf32>
        tpu.vector_store %arg7[%swap3A_981, %swap3A_982, %swap3A_983], %swap3A_986 {strides = array<i32>} : memref<8x64x128xf32, #tpu.memory_space<vmem>>, vector<1x1x16xf32>,
        %mul3A_987 = arith.constant 2 : i32
        %mul3A_988 = arith.muli %scan3A_897, %mul3A_987 : i32
        %add3A_989 = arith.constant 1 : i32
        %add3A_990 = arith.addi %mul3A_988, %add3A_989 : i32
        %get3A_991 = arith.constant 7 : i32
        %get3A_992 = arith.index_cast %get3A_991 : i32 to index
        %get3A_993 = arith.index_cast %add3A_990 : i32 to index
        %get3A_994 = arith.constant 16 : index
        %get3A_995 = tpu.vector_load %arg7[%get3A_992, %get3A_993, %get3A_994] {strides = array<i32>} : memref<8x64x128xf32, #tpu.memory_space<vmem>>, vector<1x1x16xf32>,
        %get3A_996 = vector.shape_cast %get3A_995 : vector<1x1x16xf32> to vector<16xf32>
        %add3A_997 = arith.addf %get3A_996, %get3A_9 : vector<16xf32>
        %swap3A_998 = arith.constant 7 : i32
        %swap3A_999 = arith.index_cast %swap3A_998 : i32 to index
        %swap3A_1000 = arith.index_cast %add3A_990 : i32 to index
        %swap3A_1001 = arith.constant 16 : index
        %swap3A_1002 = tpu.vector_load %arg7[%swap3A_999, %swap3A_1000, %swap3A_1001] {strides = array<i32>} : memref<8x64x128xf32, #tpu.memory_space<vmem>>, vector<1x1x16xf32>,
        %swap3A_1003 = vector.shape_cast %swap3A_1002 : vector<1x1x16xf32> to vector<16xf32>
        %swap3A_1004 = vector.shape_cast %add3A_997 : vector<16xf32> to vector<1x1x16xf32>
        tpu.vector_store %arg7[%swap3A_999, %swap3A_1000, %swap3A_1001], %swap3A_1004 {strides = array<i32>} : memref<8x64x128xf32, #tpu.memory_space<vmem>>, vector<1x1x16xf32>,
        %mul3A_1005 = arith.constant 2 : i32
        %mul3A_1006 = arith.muli %scan3A_897, %mul3A_1005 : i32
        %add3A_1007 = arith.constant 1 : i32
        %add3A_1008 = arith.addi %mul3A_1006, %add3A_1007 : i32
        %get3A_1009 = arith.constant 7 : i32
        %get3A_1010 = arith.index_cast %get3A_1009 : i32 to index
        %get3A_1011 = arith.index_cast %add3A_1008 : i32 to index
        %get3A_1012 = arith.constant 32 : index
        %get3A_1013 = tpu.vector_load %arg7[%get3A_1010, %get3A_1011, %get3A_1012] {strides = array<i32>} : memref<8x64x128xf32, #tpu.memory_space<vmem>>, vector<1x1x16xf32>,
        %get3A_1014 = vector.shape_cast %get3A_1013 : vector<1x1x16xf32> to vector<16xf32>
        %add3A_1015 = arith.addf %get3A_1014, %get3A_12 : vector<16xf32>
        %swap3A_1016 = arith.constant 7 : i32
        %swap3A_1017 = arith.index_cast %swap3A_1016 : i32 to index
        %swap3A_1018 = arith.index_cast %add3A_1008 : i32 to index
        %swap3A_1019 = arith.constant 32 : index
        %swap3A_1020 = tpu.vector_load %arg7[%swap3A_1017, %swap3A_1018, %swap3A_1019] {strides = array<i32>} : memref<8x64x128xf32, #tpu.memory_space<vmem>>, vector<1x1x16xf32>,
        %swap3A_1021 = vector.shape_cast %swap3A_1020 : vector<1x1x16xf32> to vector<16xf32>
        %swap3A_1022 = vector.shape_cast %add3A_1015 : vector<16xf32> to vector<1x1x16xf32>
        tpu.vector_store %arg7[%swap3A_1017, %swap3A_1018, %swap3A_1019], %swap3A_1022 {strides = array<i32>} : memref<8x64x128xf32, #tpu.memory_space<vmem>>, vector<1x1x16xf32>,
        %mul3A_1023 = arith.constant 2 : i32
        %mul3A_1024 = arith.muli %scan3A_897, %mul3A_1023 : i32
        %add3A_1025 = arith.constant 1 : i32
        %add3A_1026 = arith.addi %mul3A_1024, %add3A_1025 : i32
        %get3A_1027 = arith.constant 7 : i32
        %get3A_1028 = arith.index_cast %get3A_1027 : i32 to index
        %get3A_1029 = arith.index_cast %add3A_1026 : i32 to index
        %get3A_1030 = arith.constant 48 : index
        %get3A_1031 = tpu.vector_load %arg7[%get3A_1028, %get3A_1029, %get3A_1030] {strides = array<i32>} : memref<8x64x128xf32, #tpu.memory_space<vmem>>, vector<1x1x16xf32>,
        %get3A_1032 = vector.shape_cast %get3A_1031 : vector<1x1x16xf32> to vector<16xf32>
        %add3A_1033 = arith.addf %get3A_1032, %get3A_15 : vector<16xf32>
        %swap3A_1034 = arith.constant 7 : i32
        %swap3A_1035 = arith.index_cast %swap3A_1034 : i32 to index
        %swap3A_1036 = arith.index_cast %add3A_1026 : i32 to index
        %swap3A_1037 = arith.constant 48 : index
        %swap3A_1038 = tpu.vector_load %arg7[%swap3A_1035, %swap3A_1036, %swap3A_1037] {strides = array<i32>} : memref<8x64x128xf32, #tpu.memory_space<vmem>>, vector<1x1x16xf32>,
        %swap3A_1039 = vector.shape_cast %swap3A_1038 : vector<1x1x16xf32> to vector<16xf32>
        %swap3A_1040 = vector.shape_cast %add3A_1033 : vector<16xf32> to vector<1x1x16xf32>
        tpu.vector_store %arg7[%swap3A_1035, %swap3A_1036, %swap3A_1037], %swap3A_1040 {strides = array<i32>} : memref<8x64x128xf32, #tpu.memory_space<vmem>>, vector<1x1x16xf32>,
      }
      %scan3A_877 = arith.constant 32 : i32
      %mul3A_878 = arith.constant 64 : i32
      %mul3A_879 = arith.muli %add3A_804, %mul3A_878 : i32
      %add3A_880 = arith.addi %mul3A_2, %mul3A_879 : i32
      %dma_start3A_881 = arith.constant 7 : i32
      %dma_start3A_882 = arith.constant 7 : i32
      %dma_start3A_883 = arith.constant 0 : i32
      %dma_start3A_884 = arith.constant 0 : i32
      %dma_start3A_885 = tpu.memref_slice %arg7[%dma_start3A_881, %dma_start3A_883, %dma_start3A_884] : memref<8x64x128xf32, #tpu.memory_space<vmem>> -> memref<1x64x128xf32, #tpu.memory_space<vmem>>
      %dma_start3A_886 = tpu.memref_squeeze %dma_start3A_885 : memref<1x64x128xf32, #tpu.memory_space<vmem>> -> memref<64x128xf32, #tpu.memory_space<vmem>>
      %dma_start3A_887 = arith.constant 0 : i32
      %dma_start3A_888 = tpu.memref_slice %arg5[%add3A_880, %dma_start3A_887] : memref<819200x128xf32, #tpu.memory_space<hbm>> -> memref<64x128xf32, #tpu.memory_space<hbm>>
      %dma_start3A_889 = tpu.memref_slice %arg10[%dma_start3A_882] : memref<8x!tpu.dma_semaphore, #tpu.memory_space<semaphore_mem>> -> memref<1x!tpu.dma_semaphore, #tpu.memory_space<semaphore_mem>>
      %dma_start3A_890 = tpu.memref_squeeze %dma_start3A_889 : memref<1x!tpu.dma_semaphore, #tpu.memory_space<semaphore_mem>> -> memref<!tpu.dma_semaphore, #tpu.memory_space<semaphore_mem>>
      %dma_start3A_891 = arith.constant 0 : i32
      %dma_start3A_892 = tpu.memref_slice %arg5[%add3A_880, %dma_start3A_891] : memref<819200x128xf32, #tpu.memory_space<hbm>> -> memref<64x128xf32, #tpu.memory_space<hbm>>
      %dma_start3A_893 = arith.constant 0 : i32
      %dma_start3A_894 = arith.constant 0 : i32
      %dma_start3A_895 = tpu.memref_slice %arg7[%dma_start3A_881, %dma_start3A_893, %dma_start3A_894] : memref<8x64x128xf32, #tpu.memory_space<vmem>> -> memref<1x64x128xf32, #tpu.memory_space<vmem>>
      %dma_start3A_896 = tpu.memref_squeeze %dma_start3A_895 : memref<1x64x128xf32, #tpu.memory_space<vmem>> -> memref<64x128xf32, #tpu.memory_space<vmem>>
      tpu.enqueue_dma source(%dma_start3A_896 : memref<64x128xf32, #tpu.memory_space<vmem>>) target(%dma_start3A_892 : memref<64x128xf32, #tpu.memory_space<hbm>>) target_semaphore(%dma_start3A_890 : memref<!tpu.dma_semaphore, #tpu.memory_space<semaphore_mem>>)
    }
    %scan3A_109 = arith.constant 50 : i32
    %dma_wait3A = arith.constant 6 : i32
    %dma_wait3A_110 = arith.constant 6 : i32
    %dma_wait3A_111 = arith.constant 0 : i32
    %dma_wait3A_112 = arith.constant 0 : i32
    %dma_wait3A_113 = tpu.memref_slice %arg7[%dma_wait3A, %dma_wait3A_111, %dma_wait3A_112] : memref<8x64x128xf32, #tpu.memory_space<vmem>> -> memref<1x64x128xf32, #tpu.memory_space<vmem>>
    %dma_wait3A_114 = tpu.memref_squeeze %dma_wait3A_113 : memref<1x64x128xf32, #tpu.memory_space<vmem>> -> memref<64x128xf32, #tpu.memory_space<vmem>>
    %dma_wait3A_115 = arith.constant 0 : i32
    %dma_wait3A_116 = tpu.memref_slice %arg5[%mul3A_2, %dma_wait3A_115] : memref<819200x128xf32, #tpu.memory_space<hbm>> -> memref<64x128xf32, #tpu.memory_space<hbm>>
    %dma_wait3A_117 = tpu.memref_slice %arg10[%dma_wait3A_110] : memref<8x!tpu.dma_semaphore, #tpu.memory_space<semaphore_mem>> -> memref<1x!tpu.dma_semaphore, #tpu.memory_space<semaphore_mem>>
    %dma_wait3A_118 = tpu.memref_squeeze %dma_wait3A_117 : memref<1x!tpu.dma_semaphore, #tpu.memory_space<semaphore_mem>> -> memref<!tpu.dma_semaphore, #tpu.memory_space<semaphore_mem>>
    %dma_wait3A_119 = arith.constant 0 : i32
    %dma_wait3A_120 = tpu.memref_slice %arg5[%mul3A_2, %dma_wait3A_119] : memref<819200x128xf32, #tpu.memory_space<hbm>> -> memref<64x128xf32, #tpu.memory_space<hbm>>
    %dma_wait3A_121 = arith.constant 0 : i32
    %dma_wait3A_122 = arith.constant 0 : i32
    %dma_wait3A_123 = tpu.memref_slice %arg7[%dma_wait3A, %dma_wait3A_121, %dma_wait3A_122] : memref<8x64x128xf32, #tpu.memory_space<vmem>> -> memref<1x64x128xf32, #tpu.memory_space<vmem>>
    %dma_wait3A_124 = tpu.memref_squeeze %dma_wait3A_123 : memref<1x64x128xf32, #tpu.memory_space<vmem>> -> memref<64x128xf32, #tpu.memory_space<vmem>>
    tpu.wait_dma2 semaphore(%dma_wait3A_118 : memref<!tpu.dma_semaphore, #tpu.memory_space<semaphore_mem>>) src(%dma_wait3A_124 : memref<64x128xf32, #tpu.memory_space<vmem>>) dst(%dma_wait3A_120 : memref<64x128xf32, #tpu.memory_space<hbm>>)
    %dma_wait3A_125 = arith.constant 7 : i32
    %dma_wait3A_126 = arith.constant 7 : i32
    %dma_wait3A_127 = arith.constant 0 : i32
    %dma_wait3A_128 = arith.constant 0 : i32
    %dma_wait3A_129 = tpu.memref_slice %arg7[%dma_wait3A_125, %dma_wait3A_127, %dma_wait3A_128] : memref<8x64x128xf32, #tpu.memory_space<vmem>> -> memref<1x64x128xf32, #tpu.memory_space<vmem>>
    %dma_wait3A_130 = tpu.memref_squeeze %dma_wait3A_129 : memref<1x64x128xf32, #tpu.memory_space<vmem>> -> memref<64x128xf32, #tpu.memory_space<vmem>>
    %dma_wait3A_131 = arith.constant 0 : i32
    %dma_wait3A_132 = tpu.memref_slice %arg5[%mul3A_2, %dma_wait3A_131] : memref<819200x128xf32, #tpu.memory_space<hbm>> -> memref<64x128xf32, #tpu.memory_space<hbm>>
    %dma_wait3A_133 = tpu.memref_slice %arg10[%dma_wait3A_126] : memref<8x!tpu.dma_semaphore, #tpu.memory_space<semaphore_mem>> -> memref<1x!tpu.dma_semaphore, #tpu.memory_space<semaphore_mem>>
    %dma_wait3A_134 = tpu.memref_squeeze %dma_wait3A_133 : memref<1x!tpu.dma_semaphore, #tpu.memory_space<semaphore_mem>> -> memref<!tpu.dma_semaphore, #tpu.memory_space<semaphore_mem>>
    %dma_wait3A_135 = arith.constant 0 : i32
    %dma_wait3A_136 = tpu.memref_slice %arg5[%mul3A_2, %dma_wait3A_135] : memref<819200x128xf32, #tpu.memory_space<hbm>> -> memref<64x128xf32, #tpu.memory_space<hbm>>
    %dma_wait3A_137 = arith.constant 0 : i32
    %dma_wait3A_138 = arith.constant 0 : i32
    %dma_wait3A_139 = tpu.memref_slice %arg7[%dma_wait3A_125, %dma_wait3A_137, %dma_wait3A_138] : memref<8x64x128xf32, #tpu.memory_space<vmem>> -> memref<1x64x128xf32, #tpu.memory_space<vmem>>
    %dma_wait3A_140 = tpu.memref_squeeze %dma_wait3A_139 : memref<1x64x128xf32, #tpu.memory_space<vmem>> -> memref<64x128xf32, #tpu.memory_space<vmem>>
    tpu.wait_dma2 semaphore(%dma_wait3A_134 : memref<!tpu.dma_semaphore, #tpu.memory_space<semaphore_mem>>) src(%dma_wait3A_140 : memref<64x128xf32, #tpu.memory_space<vmem>>) dst(%dma_wait3A_136 : memref<64x128xf32, #tpu.memory_space<hbm>>)
    return
  }
}

</mosaic_0001>

<sc_bundles>
// kernel: kernel.3.cloned.1.call-start
scs
__scs_entry_jumppad:
0x0: {  	(pc) =	sbr.rel $0x88, $3  }
0x1: {  	(tag) =	ssettag $0x0;
	lr =	simm.s32 $0x1  }
0x2: {  	[smem:$0x3F9F] =	sst lr;
	_ =	strace $0xD0000000  }
0x3: {  	_ = 	snop  }
0x4: {  	_ = 	snop  }
0x5: {  	_ = 	snop  }
0x6: {  	_ = 	snop  }
0x7: {  	_ = 	snop  }
__scs_overlays_trampoline_lowered:
0x8: {  	[smem:$0x3FAE] =	sst s0  }
0x9: {  	[smem:$0x3FAF] =	sst s1  }
0xa: {  	[smem:$0x3FB0] =	sst s2  }
0xb: {  	[smem:$0x3FB1] =	sst s3  }
0xc: {  	[smem:$0x3FB2] =	sst s4  }
0xd: {  	[smem:$0x3FB3] =	sst s5  }
0xe: {  	[smem:$0x3FB4] =	sst s6  }
0xf: {  	[smem:$0x3FB5] =	sst s7  }
0x10: {  	[smem:$0x3FB6] =	sst s8  }
0x11: {  	[smem:$0x3FB7] =	sst s9;
	s0 =	simm.s32 @!p0 $0x0  }
0x12: {  	s1 =	sld [smem:$0x3F9D];
	s0 =	simm.s32 @p0 $0x1  }
0x13: {  	[smem:$0x3FB8] =	sst s0;
	s0 =	simm.s32 @!p1 $0x0  }
0x14: {  	s2 =	sld [smem:$0x3F9C];
	s0 =	simm.s32 @p1 $0x1  }
0x15: {  	[smem:$0x3FB9] =	sst s0;
	s0 =	simm.s32 @!p2 $0x0  }
0x16: {  	s3 =	sld [smem:$0x3FDB];
	s0 =	simm.s32 @p2 $0x1  }
0x17: {  	s4 =	simm.s32 $0x1BF5;
	[smem:$0x3FBB] =	sst s0  }
0x18: {  	s0 =	sld [smem:$0x3F9E];
	_ =	swait.ge [sflag:s4], $0x0  }
0x19: {  	s7 =	sld [smem:$0x3F9F]  }
0x1a: {  	s8 =	sadd.s32 $0xFFFFE003, lr  }
0x1b: {  	s9 =	sadd.s32 $0xFFFFFEF7, lr;
	s5 =	simm.s32 $0xFFFFFFFF;
	p2 =	slt.u32 s8, $0xFFFFF086  }
0x1c: {  	p1 =	slt.u32 s9, $0xF7A;
	s5 =	simm.s32 @!p2 $0x0  }
0x1d: {  	s5 =	simm.s32 @p1 $0x1;
	p0 =	seq.s32 s7, s2  }
0x1e: {  	s7 =	smul.u32 @!p0 $0xF7A, s2;
	p2 =	seq.s32 @!p0 s5, $0x0  }
0x1f: {  	s9 =	smul.u32 $0xF7A, s1;
	s8 =	simm.s32 @!p0 $0x1BF5;
	p2 =	por !p2, p0  }
0x20: {  	[sflag:s8] =	ssyncset.s32 @!p0 $0xFFFFF086;
	s6 =	sadd.s32 @!p0 s3, s7;
	s7 =	simm.s32 @!p0 $0x108  }
0x21: {  	s3 =	sadd.s32 s3, s9;
	s6 =	sadd.s32 @!p0 $0x88, s6;
	s7 =	simm.s32 @p2 $0x1082  }
0x22: {  	[simem:s7], [sflag:s8] =	dma.local @!p0 [hbm:s6], $0xF7A  }
0x23: {  	s9 =	sor.u32 $0xD0000000, s2;
	s6 =	simm.s32 $0x108;
	_ =	swait.ge @!p0 [sflag:s8], $0x0  }
0x24: {  	s3 =	sadd.s32 $0x88, s3;
	s6 =	simm.s32 @!p1 $0x1082;
	[sflag:s4] =	ssyncset.s32 $0xFFFFF086  }
0x25: {  	[simem:s6], [sflag:s4] =	dma.local [hbm:s3], $0xF7A  }
0x26: {  	[smem:$0x3F9F] =	sst s1;
	(tag) =	ssettag s2;
	_ =	strace s9  }
0x27: {  	s1 =	sld [smem:$0x3FAF]  }
0x28: {  	s2 =	sld [smem:$0x3FB0]  }
0x29: {  	s4 =	sld [smem:$0x3FB2]  }
0x2a: {  	p0 =	seq.s32 s5, $0x0;
	s5 =	sld [smem:$0x3FB3]  }
0x2b: {  	s6 =	sld [smem:$0x3FB4]  }
0x2c: {  	s7 =	sld [smem:$0x3FB5]  }
0x2d: {  	s3 =	simm.s32 $0x108;
	s8 =	sld [smem:$0x3FB6]  }
0x2e: {  	s3 =	simm.s32 @!p0 $0x1082;
	s9 =	sld [smem:$0x3FB7]  }
0x2f: {  	lr =	sadd.s32 s0, s3;
	s0 =	sld [smem:$0x3FAE]  }
0x30: {  	s3 =	sld [smem:$0x3FB1]  }
0x31: {  	[smem:$0x3FBA] =	sst s10  }
0x32: {  	s10 =	sld [smem:$0x3FB8];
	_ =	sdelay $0x3  }
0x33: {  	p0 =	seq.s32 s10, $0x1;
	s10 =	sld [smem:$0x3FBA];
	_ =	sdelay $0x3  }
0x34: {  	[smem:$0x3FBA] =	sst s10  }
0x35: {  	s10 =	sld [smem:$0x3FB9];
	_ =	sdelay $0x3  }
0x36: {  	p1 =	seq.s32 s10, $0x1;
	s10 =	sld [smem:$0x3FBA];
	_ =	sdelay $0x3  }
0x37: {  	[smem:$0x3FBA] =	sst s10  }
0x38: {  	s10 =	sld [smem:$0x3FBB]  }
0x39: {  	_ = 	snop;
	(pc) =	sbr.ind lr, $3  }
0x3a: {  	_ = 	snop  }
0x3b: {  	_ = 	snop  }
0x3c: {  	p2 =	seq.s32 s10, $0x1;
	s10 =	sld [smem:$0x3FBA]  }
0x3d: {  	_ =	shalt  }
0x3e: {  	_ =	shalt  }
0x3f: {  	_ =	shalt  }
0x40: {  	_ =	shalt  }
0x41: {  	_ =	shalt  }
0x42: {  	_ =	shalt  }
0x43: {  	_ =	shalt  }
0x44: {  	_ =	shalt  }
0x45: {  	_ =	shalt  }
0x46: {  	_ =	shalt  }
0x47: {  	_ =	shalt  }
0x48: {  	_ =	shalt  }
0x49: {  	_ =	shalt  }
0x4a: {  	_ =	shalt  }
0x4b: {  	_ =	shalt  }
0x4c: {  	_ =	shalt  }
0x4d: {  	_ =	shalt  }
0x4e: {  	_ =	shalt  }
0x4f: {  	_ =	shalt  }
0x50: {  	_ =	shalt  }
0x51: {  	_ =	shalt  }
0x52: {  	_ =	shalt  }
0x53: {  	_ =	shalt  }
0x54: {  	_ =	shalt  }
0x55: {  	_ =	shalt  }
0x56: {  	_ =	shalt  }
0x57: {  	_ =	shalt  }
0x58: {  	_ =	shalt  }
0x59: {  	_ =	shalt  }
0x5a: {  	_ =	shalt  }
0x5b: {  	_ =	shalt  }
0x5c: {  	_ =	shalt  }
0x5d: {  	_ =	shalt  }
0x5e: {  	_ =	shalt  }
0x5f: {  	_ =	shalt  }
0x60: {  	_ =	shalt  }
0x61: {  	_ =	shalt  }
0x62: {  	_ =	shalt  }
0x63: {  	_ =	shalt  }
0x64: {  	_ =	shalt  }
0x65: {  	_ =	shalt  }
0x66: {  	_ =	shalt  }
0x67: {  	_ =	shalt  }
0x68: {  	_ =	shalt  }
0x69: {  	_ =	shalt  }
0x6a: {  	_ =	shalt  }
0x6b: {  	_ =	shalt  }
0x6c: {  	_ =	shalt  }
0x6d: {  	_ =	shalt  }
0x6e: {  	_ =	shalt  }
0x6f: {  	_ =	shalt  }
0x70: {  	_ =	shalt  }
0x71: {  	_ =	shalt  }
0x72: {  	_ =	shalt  }
0x73: {  	_ =	shalt  }
0x74: {  	_ =	shalt  }
0x75: {  	_ =	shalt  }
0x76: {  	_ =	shalt  }
0x77: {  	_ =	shalt  }
0x78: {  	_ =	shalt  }
0x79: {  	_ =	shalt  }
0x7a: {  	_ =	shalt  }
0x7b: {  	_ =	shalt  }
0x7c: {  	_ =	shalt  }
0x7d: {  	_ =	shalt  }
0x7e: {  	_ =	shalt  }
0x7f: {  	_ =	shalt  }
0x80: {  	_ =	shalt  }
0x81: {  	_ =	shalt  }
0x82: {  	_ =	shalt  }
0x83: {  	_ =	shalt  }
0x84: {  	_ =	shalt  }
0x85: {  	_ =	shalt  }
0x86: {  	_ =	shalt  }
0x87: {  	_ =	shalt  }
.Lfunc_end0:
.L_simem_size_0:
called_computation.1_lowered:
.L_overlay_start_0:
0x88: {  	s2 =	sld [smem:$0x3FD9]  }
0x89: {  	s3 =	sld [smem:$0x3FFE];
	_ =	sdelay $0x1  }
0x8a: {  	s1 =	srdreg.scid  }
0x8b: {  	s0 =	sand.u32 $0x1, s1  }
0x8c: {  	s17 =	sshll.u32 s0, $0xA;
	s2 =	sadd.s32 s3, s2  }
0x8d: {  	s2 =	sadd.s32 s2, s17  }
0x8e: {  	[smem:$0x3FC6] =	sst s2  }
0x8f: {  	_ = 	snop  }
0x90: {  	s2 =	sld [smem:$0x3FD0];
	(tm) =	ssettm $0x1  }
0x91: {  	s18 =	sld [smem:$0x3FFB];
	_ =	sdelay $0x3  }
0x92: {  	_ =	strace s18  }
0x93: {  	s3 =	sld [smem:$0x3FFC];
	_ =	sdelay $0x3  }
0x94: {  	_ =	strace s3  }
0x95: {  	s3 =	sld [smem:$0x3FFD];
	_ =	sdelay $0x3  }
0x96: {  	_ =	strace s3  }
0x97: {  	_ =	strace $0x8FFFFFFF  }
0x98: {  	s19 =	sld [smem:$0x3FDB];
	_ =	sdelay $0x1  }
0x99: {  	s4 =	simm.s32 $_scs_section_size  }
0x9a: {  	s5 =	simm.s32 $_size__tile_overlayer_lowered;
	s6 =	simm.s32 $_tile_overlayer_lowered  }
0x9b: {  	s22 =	simm.s32 $0x1BFF;
	s21 =	sshll.u32 s6, $0x1;
	s3 =	sadd.s32 s4, s19  }
0x9c: {  	s7 =	simm.s32 $0x0;
	s20 =	sshll.u32 s5, $0x1;
	s5 =	sadd.s32 s21, s3  }
0x9d: {  	[timem:s7], [sflag:s22] =	dma.local [hbm:s5], s20  }
0x9e: {  	_ =	swait.ge [sflag:s22], s20  }
0x9f: {  	s4 =	ssub.s32 $0x0, s20;
	[sflag:s22] =	ssyncset.done $0x0  }
0xa0: {  	[sflag:s22] =	ssyncadd.s32 s4;
	_ =	sdelay $0x1  }
0xa1: {  	s23 =	simm.s32 $0x1B8B  }
0xa2: {  	_ =	swait.ge [sflag:s23], $0x1  }
0xa3: {  	[sflag:s23] =	ssyncset.done $0x0  }
0xa4: {  	s25 =	simm.s32 $0x1B8E;
	s24 =	sld [smem:$0x3FFE];
	[sflag:s23] =	ssyncadd.s32 $0xFFFFFFFF  }
0xa5: {  	s26 =	simm.s32 $execute0_lowered;
	[smem:$0x3FD2] =	sst s25  }
0xa6: {  	s5 =	sshll.u32 s26, $0x1;
	_ =	strace $0x80000046;
	[dreg:$0x1] =	wrdreg $0xFFFFFFFF  }
0xa7: {  	s28 =	simm.s32 $_size_execute0_lowered;
	s3 =	sadd.s32 s3, s5;
	[dreg:$0x0] =	wrdreg $0x0  }
0xa8: {  	s5 =	sshll.u32 s28, $0x1;
	[dreg:$0x2] =	wrdreg s3  }
0xa9: {  	[dreg:$0x3] =	wrdreg s5  }
0xaa: {  	[dreg:$0x4] =	wrdreg $0xC0  }
0xab: {  	_ =	task [dreg:s7], $0x5FFFF  }
0xac: {  	[dreg:$0x1] =	wrdreg $0xFFFFFFFF  }
0xad: {  	[dreg:$0x0] =	wrdreg $0x60  }
0xae: {  	[dreg:$0x2] =	wrdreg s2  }
0xaf: {  	[dreg:$0x3] =	wrdreg s24  }
0xb0: {  	[dreg:$0x4] =	wrdreg $0x9  }
0xb1: {  	_ =	task.clear_ibuf [dreg:s7], $0x5FFFF;
	_ =	strace $0x90000046  }
0xb2: {  	s29 =	simm.s32 $0x9;
	_ =	strace $0x80000048  }
0xb3: {  	_ =	swait.ge [sflag:s29], $0x1  }
0xb4: {  	[sflag:s29] =	ssyncadd.s32 $0xFFFFFFFF  }
0xb5: {  	_ =	strace $0x90000048  }
0xb6: {  	_ =	sfence  }
0xb7: {  	s30 =	sld [smem:$0x0];
	_ =	sdelay $0x2  }
0xb8: {  	s31 =	sshll.u32 s1, $0xD;
	s1 =	sshrl.u32 s1, $0x2  }
0xb9: {  	s3 =	sand.u32 $0x4000, s31;
	s1 =	sadd.s32 s1, s30  }
0xba: {  	s0 =	sor.u32 s3, s0;
	s1 =	sshll.u32 s1, $0x11  }
0xbb: {  	s0 =	sor.u32 s1, s0  }
0xbc: {  	s0 =	sadd.s32 $0x8F2B, s0  }
0xbd: {  	[sflag:s0] =	ssyncadd.remote.s32 $0x1  }
0xbe: {  	_ =	sfence.sel $0xFFFF  }
0xbf: {  	[dreg:$0x0] =	wrdreg $0xFFFFFFFF;
	(pc) =	sbr.abs _section_cstart, $3  }
0xc0: {  	[dreg:$0x1] =	wrdreg $0xFFFFFFFF  }
0xc1: {  	_ =	task.clear_ibuf [dreg:s7], $0x2FFFF;
	_ =	strace $0x9FFFFFFF  }
0xc2: {  	(tm) =	ssettm $0x7FFFFFFF  }
0xc3: {  	_ =	shalt  }
tec
execute0_lowered:
.L_overlay_start_1:
0x0: {  	(tag) =	ssettag $0x1  }
0x1: {  	s0 =	rddreg [dreg:$0x0]  }
0x2: {  	s1 =	rddreg [dreg:$0x1]  }
0x3: {  	s2 =	simm.s32 $0x0;
	s3 =	srdreg.scid;
	s5 =	stileid.u32  }
0x4: {  	s16 =	simm.s32 $0x40;
	s28 =	simm.s32 $0x12400;
	s29 =	simm.s32 $0x1  }
0x5: {  	s30 =	simm.s32 $0x14400;
	s31 =	simm.s32 $0x2;
	s14 =	simm.s32 $0xA  }
0x6: {  	s19 =	simm.s32 $0x4;
	s13 =	simm.s32 $0x7;
	s15 =	simm.s32 $0xE  }
0x7: {  	s17 =	simm.s32 $0x8;
	s10 =	simm.s32 $0x0;
	[smem:$0x7FF] =	sst s2  }
0x8: {  	s4 =	sand.u32 $0x1, s3;
	s20 =	sshll.u32 s5, $0x1;
	s3 =	sadd.s32 $0xF43600, s1  }
0x9: {  	s21 =	sadd.s32 $0xA00, s1;
	s5 =	sadd.s32 $0xC00, s1;
	s6 =	sor.u32 s4, s20  }
0xa: {  	s1 =	simm.s32 $0x3;
	_ =	strace $0x80000047;
	s7 =	smul.u32 $0xC80, s6  }
0xb: {  	s4 =	ssub.s32 $0x2, s4;
	[dreg:$0x3] =	wrdreg s21;
	s9 =	smul.u32 $0x6400, s6  }
0xc: {  	s21 =	simm.s32 $0xB;
	s8 =	sshrl.u32 s4, $0x1;
	s0 =	sadd.s32 s0, s7  }
0xd: {  	s22 =	ssub.s32 s4, s8;
	s23 =	sor.u32 $0x40, s9;
	[dreg:$0x4] =	wrdreg s0  }
0xe: {  	s4 =	simm.s32 $0x6;
	s24 =	sor.u32 $0x80, s9;
	[dreg:$0x5] =	wrdreg s23  }
0xf: {  	s7 =	smul.u32 $0x320000, s6;
	s25 =	sor.u32 $0xC0, s9;
	[dreg:$0x6] =	wrdreg s24  }
0x10: {  	s11 =	sor.u32 $0x100, s9;
	s26 =	smax.u32 s22, $0x1;
	[dreg:$0x7] =	wrdreg s25  }
0x11: {  	s12 =	sor.u32 $0x140, s9;
	s6 =	simm.s32 $0xD;
	[dreg:$0x8] =	wrdreg s26  }
0x12: {  	s0 =	simm.s32 $0x9;
	s23 =	simm.s32 $0x5;
	s25 =	simm.s32 $0xC  }
.LBB2_1:
0x13: {  	[dreg:$0x9] =	wrdreg s10  }
0x14: {  	s8 =	rddreg [dreg:$0x3];
	s9 =	simm.s32 $0x16400;
	s10 =	simm.s32 $0x11  }
0x15: {  	[tilespmem:s9], [sflag:$0x11] =	stream.linear.gather [hbm4b:s8+s2], $0x80, $0x38;
	[tilespmem:$0x16480] =	vst v63  }
0x16: {  	_ =	swait.ge [sflag:s10], $0x80  }
0x17: {  	[sflag:s10] =	ssyncset.done $0x0  }
0x18: {  	[sflag:s10] =	ssyncadd.s32 $0xFFFFFF80  }
0x19: {  	v0 =	vld [tilespmem:$0x16400]  }
0x1a: {  	v1 =	vld [tilespmem:$0x16410]  }
0x1b: {  	s18 =	rddreg [dreg:$0x4];
	v2 =	vld [tilespmem:$0x16420]  }
0x1c: {  	v3 =	vld [tilespmem:$0x16430];
	[tilespmem:s2], [sflag:$0x11] =	stream.linear.gather [hbm4b:s18+s2], $0x6400, $0x38  }
0x1d: {  	_ =	swait.ge [sflag:s10], $0x6400  }
0x1e: {  	[sflag:s10] =	ssyncset.done $0x0  }
0x1f: {  	s20 =	simm.s32 $0x6400;
	[sflag:s10] =	ssyncadd.s32 $0xFFFF9C00  }
0x20: {  	[tilespmem:s20], [sflag:$0x1] =	stream.indirect.gather [hbm4b:s3+s16], $0x80, s2, s16, $0xb8;
	[tilespmem:$0x16480] =	vst v63  }
0x21: {  	s22 =	simm.s32 $0x8400  }
0x22: {  	[tilespmem:s22], [sflag:$0x2] =	stream.indirect.gather [hbm4b:s3+s16], $0x80, s16, s16, $0xb8;
	[tilespmem:$0x16480] =	vst v63  }
0x23: {  	s24 =	simm.s32 $0x80;
	s26 =	simm.s32 $0xA400  }
0x24: {  	[tilespmem:s26], [sflag:$0x3] =	stream.indirect.gather [hbm4b:s3+s16], $0x80, s24, s16, $0xb8;
	[tilespmem:$0x16480] =	vst v63  }
0x25: {  	s18 =	simm.s32 $0xC400;
	s10 =	simm.s32 $0xC0  }
0x26: {  	[tilespmem:s18], [sflag:$0x4] =	stream.indirect.gather [hbm4b:s3+s16], $0x80, s10, s16, $0xb8;
	[tilespmem:$0x16480] =	vst v63  }
0x27: {  	s20 =	simm.s32 $0x100;
	s22 =	simm.s32 $0xE400  }
0x28: {  	[tilespmem:s22], [sflag:$0x5] =	stream.indirect.gather [hbm4b:s3+s16], $0x80, s20, s16, $0xb8;
	[tilespmem:$0x16480] =	vst v63  }
0x29: {  	s24 =	simm.s32 $0x140;
	s26 =	simm.s32 $0x10400;
	s18 =	simm.s32 $0x0  }
0x2a: {  	[tilespmem:s26], [sflag:$0x6] =	stream.indirect.gather [hbm4b:s3+s16], $0x80, s24, s16, $0xb8;
	[tilespmem:$0x16480] =	vst v63  }
.LBB2_2:
0x2b: {  	p0 =	seq.s32 s18, $0x0  }
0x2c: {  	s22 =	sshll.u32 s18, $0x3;
	s8 =	simm.s32 @!p0 $0xF  }
0x2d: {  	s20 =	sor.u32 $0x6, s22;
	_ =	swait.ge @!p0 [sflag:s8], $0x2000  }
0x2e: {  	s9 =	sshll.u32 s20, $0x6;
	[sflag:s8] =	ssyncset.done @!p0 $0x0  }
0x2f: {  	s26 =	sand.u32 $0x3FFFFFC0, s9;
	[sflag:s8] =	ssyncadd.s32 @!p0 $0xFFFFE000  }
0x30: {  	[tilespmem:s28], [sflag:$0x7] =	stream.indirect.gather [hbm4b:s3+s16], $0x80, s26, s16, $0xb8;
	[tilespmem:$0x16480] =	vst v63  }
0x31: {  	_ =	swait.ge [sflag:s29], $0x2000  }
0x32: {  	[sflag:s29] =	ssyncset.done $0x0  }
0x33: {  	s24 =	simm.s32 $0x0;
	[sflag:s29] =	ssyncadd.s32 $0xFFFFE000  }
0x34: {  	v7 =	vld [tilespmem:s24+$0x6400]  }
0x35: {  	v9 =	vld [tilespmem:s24+$0x6410]  }
0x36: {  	v8 =	vld [tilespmem:s24+$0x6420]  }
0x37: {  	v6 =	vld [tilespmem:s24+$0x6430]  }
0x38: {  	v4 =	vld [tilespmem:s24+$0x6480]  }
0x39: {  	v5 =	vld [tilespmem:s24+$0x6490];
	v10 =	vadd.f32 v7, v0  }
0x3a: {  	s8 =	simm.s32 $0x400;
	v9 =	vadd.f32 v9, v1;
	v7 =	vld [tilespmem:s24+$0x64A0]  }
.LBB2_3:
0x3b: {  	s9 =	sshra.s32 s8, $0x2;
	p1 =	sne.s32 s8, $0x7C00;
	[tilespmem:s24+$0x6400] =	vst v10;
	v8 =	vadd.f32 v8, v2;
	v10 =	vld [tilespmem:s24+$0x64B0]  }
0x3c: {  	v11 =	vld [tilespmem:s9+$0x6400];
	[tilespmem:s24+$0x6410] =	vst v9;
	v6 =	vadd.f32 v6, v3  }
0x3d: {  	v9 =	vld [tilespmem:s9+$0x6410];
	[tilespmem:s24+$0x6420] =	vst v8;
	v4 =	vadd.f32 v4, v0  }
.Ltmp0:
0x3e: {  	v8 =	vld [tilespmem:s9+$0x6420];
	[tilespmem:s24+$0x6430] =	vst v6;
	v5 =	vadd.f32 v5, v1;
	(pc) =	sbr.rel @p1 .LBB2_3-.Ltmp0, $4  }
0x3f: {  	v6 =	vld [tilespmem:s9+$0x6430];
	[tilespmem:s24+$0x6480] =	vst v4;
	v7 =	vadd.f32 v7, v2  }
0x40: {  	v4 =	vld [tilespmem:s9+$0x6480];
	[tilespmem:s24+$0x6490] =	vst v5;
	v12 =	vadd.f32 v10, v3  }
0x41: {  	v10 =	vadd.f32 v11, v0;
	v5 =	vld [tilespmem:s9+$0x6490];
	[tilespmem:s24+$0x64A0] =	vst v7  }
0x42: {  	s8 =	sadd.s32 $0x400, s8;
	v9 =	vadd.f32 v9, v1;
	v7 =	vld [tilespmem:s9+$0x64A0];
	[tilespmem:s24+$0x64B0] =	vst v12;
	s24 =	smov.u32 s9  }
0x43: {  	[tilespmem:s24+$0x6400] =	vst v10;
	v8 =	vadd.f32 v8, v2;
	v10 =	vld [tilespmem:s24+$0x64B0]  }
0x44: {  	[tilespmem:s24+$0x6410] =	vst v9;
	v6 =	vadd.f32 v6, v3  }
0x45: {  	[tilespmem:s24+$0x6420] =	vst v8;
	v4 =	vadd.f32 v4, v0  }
0x46: {  	[tilespmem:s24+$0x6430] =	vst v6;
	v5 =	vadd.f32 v5, v1  }
0x47: {  	s8 =	sshll.u32 s18, $0x10;
	[tilespmem:s24+$0x6480] =	vst v4;
	v4 =	vadd.f32 v7, v2  }
0x48: {  	s8 =	sadd.s32 s7, s8;
	[tilespmem:s24+$0x6490] =	vst v5;
	v5 =	vadd.f32 v10, v3  }
0x49: {  	s8 =	sshrl.u32 s8, $0x3;
	[tilespmem:s24+$0x64A0] =	vst v4  }
0x4a: {  	s9 =	simm.s32 $0x6400;
	s8 =	sadd.s32 s5, s8;
	[tilespmem:s24+$0x64B0] =	vst v5  }
0x4b: {  	[hbm4b:s8+s2] =	stream.linear.scatter [tilespmem:s9], [sflag:$0x9], $0x2000, $0x38;
	[tilespmem:$0x16480] =	vst v63  }
0x4c: {  	s22 =	sor.u32 $0x7, s22;
	s8 =	simm.s32 @!p0 $0x10  }
0x4d: {  	s24 =	sshll.u32 s22, $0x6;
	_ =	swait.ge @!p0 [sflag:s8], $0x2000  }
0x4e: {  	s9 =	sand.u32 $0x7F80, s24;
	[sflag:s8] =	ssyncset.done @!p0 $0x0  }
0x4f: {  	s26 =	sor.u32 $0x40, s9;
	[sflag:s8] =	ssyncadd.s32 @!p0 $0xFFFFE000  }
0x50: {  	[tilespmem:s30], [sflag:$0x8] =	stream.indirect.gather [hbm4b:s3+s16], $0x80, s26, s16, $0xb8;
	[tilespmem:$0x16480] =	vst v63  }
0x51: {  	_ =	swait.ge [sflag:s31], $0x2000  }
0x52: {  	[sflag:s31] =	ssyncset.done $0x0  }
0x53: {  	s24 =	simm.s32 $0x0;
	[sflag:s31] =	ssyncadd.s32 $0xFFFFE000  }
0x54: {  	v7 =	vld [tilespmem:s24+$0x8400]  }
0x55: {  	v9 =	vld [tilespmem:s24+$0x8410]  }
0x56: {  	v8 =	vld [tilespmem:s24+$0x8420]  }
0x57: {  	v6 =	vld [tilespmem:s24+$0x8430]  }
0x58: {  	v4 =	vld [tilespmem:s24+$0x8480]  }
0x59: {  	v5 =	vld [tilespmem:s24+$0x8490];
	v10 =	vadd.f32 v7, v0  }
0x5a: {  	s8 =	simm.s32 $0x400;
	v9 =	vadd.f32 v9, v1;
	v7 =	vld [tilespmem:s24+$0x84A0]  }
.LBB2_5:
0x5b: {  	s9 =	sshra.s32 s8, $0x2;
	p0 =	sne.s32 s8, $0x7C00;
	[tilespmem:s24+$0x8400] =	vst v10;
	v8 =	vadd.f32 v8, v2;
	v10 =	vld [tilespmem:s24+$0x84B0]  }
0x5c: {  	v11 =	vld [tilespmem:s9+$0x8400];
	[tilespmem:s24+$0x8410] =	vst v9;
	v6 =	vadd.f32 v6, v3  }
0x5d: {  	v9 =	vld [tilespmem:s9+$0x8410];
	[tilespmem:s24+$0x8420] =	vst v8;
	v4 =	vadd.f32 v4, v0  }
.Ltmp1:
0x5e: {  	v8 =	vld [tilespmem:s9+$0x8420];
	[tilespmem:s24+$0x8430] =	vst v6;
	v5 =	vadd.f32 v5, v1;
	(pc) =	sbr.rel @p0 .LBB2_5-.Ltmp1, $4  }
0x5f: {  	v6 =	vld [tilespmem:s9+$0x8430];
	[tilespmem:s24+$0x8480] =	vst v4;
	v7 =	vadd.f32 v7, v2  }
0x60: {  	v4 =	vld [tilespmem:s9+$0x8480];
	[tilespmem:s24+$0x8490] =	vst v5;
	v12 =	vadd.f32 v10, v3  }
0x61: {  	v10 =	vadd.f32 v11, v0;
	v5 =	vld [tilespmem:s9+$0x8490];
	[tilespmem:s24+$0x84A0] =	vst v7  }
0x62: {  	s8 =	sadd.s32 $0x400, s8;
	v9 =	vadd.f32 v9, v1;
	v7 =	vld [tilespmem:s9+$0x84A0];
	[tilespmem:s24+$0x84B0] =	vst v12;
	s24 =	smov.u32 s9  }
0x63: {  	[tilespmem:s24+$0x8400] =	vst v10;
	v8 =	vadd.f32 v8, v2;
	v10 =	vld [tilespmem:s24+$0x84B0]  }
0x64: {  	[tilespmem:s24+$0x8410] =	vst v9;
	v6 =	vadd.f32 v6, v3  }
0x65: {  	[tilespmem:s24+$0x8420] =	vst v8;
	v4 =	vadd.f32 v4, v0  }
0x66: {  	[tilespmem:s24+$0x8430] =	vst v6;
	v5 =	vadd.f32 v5, v1  }
0x67: {  	s26 =	sshll.u32 s18, $0x9;
	s8 =	rddreg [dreg:$0x5];
	[tilespmem:s24+$0x8480] =	vst v4;
	v4 =	vadd.f32 v7, v2  }
0x68: {  	s8 =	sadd.s32 s26, s8;
	[tilespmem:s24+$0x8490] =	vst v5;
	v5 =	vadd.f32 v10, v3  }
0x69: {  	s8 =	sshll.u32 s8, $0x4;
	[tilespmem:s24+$0x84A0] =	vst v4  }
0x6a: {  	s9 =	simm.s32 $0x8400;
	p0 =	seq.s32 s18, $0x31;
	s8 =	sadd.s32 s5, s8;
	[tilespmem:s24+$0x84B0] =	vst v5  }
0x6b: {  	[hbm4b:s8+s2] =	stream.linear.scatter [tilespmem:s9], [sflag:$0xA], $0x2000, $0x38;
	[tilespmem:$0x16480] =	vst v63  }
0x6c: {  	s8 =	sshll.u32 @!p0 s18, $0x9;
	_ =	swait.ge [sflag:s0], $0x2000  }
0x6d: {  	s10 =	simm.s32 @!p0 $0x6400;
	s24 =	sand.u32 @!p0 $0x3FFFFE00, s8;
	[sflag:s0] =	ssyncset.done $0x0  }
0x6e: {  	s9 =	simm.s32 @!p0 $0x40;
	s8 =	sadd.s32 @!p0 $0x200, s24;
	[sflag:s0] =	ssyncadd.s32 $0xFFFFE000  }
0x6f: {  	[tilespmem:s10], [sflag:$0x1] =	stream.indirect.gather @!p0 [hbm4b:s3+s9], $0x80, s8, s9, $0xb8;
	[tilespmem:$0x16480] =	vst v63  }
0x70: {  	_ =	swait.ge [sflag:s1], $0x2000  }
0x71: {  	[sflag:s1] =	ssyncset.done $0x0  }
0x72: {  	s8 =	simm.s32 $0x0;
	[sflag:s1] =	ssyncadd.s32 $0xFFFFE000  }
0x73: {  	v7 =	vld [tilespmem:s8+$0xA400]  }
0x74: {  	v9 =	vld [tilespmem:s8+$0xA410]  }
0x75: {  	v8 =	vld [tilespmem:s8+$0xA420]  }
0x76: {  	v6 =	vld [tilespmem:s8+$0xA430]  }
0x77: {  	v4 =	vld [tilespmem:s8+$0xA480]  }
0x78: {  	v5 =	vld [tilespmem:s8+$0xA490];
	v10 =	vadd.f32 v7, v0  }
0x79: {  	s9 =	simm.s32 $0x400;
	v9 =	vadd.f32 v9, v1;
	v7 =	vld [tilespmem:s8+$0xA4A0]  }
.LBB2_7:
0x7a: {  	s10 =	sshra.s32 s9, $0x2;
	p1 =	sne.s32 s9, $0x7C00;
	[tilespmem:s8+$0xA400] =	vst v10;
	v8 =	vadd.f32 v8, v2;
	v10 =	vld [tilespmem:s8+$0xA4B0]  }
0x7b: {  	v11 =	vld [tilespmem:s10+$0xA400];
	[tilespmem:s8+$0xA410] =	vst v9;
	v6 =	vadd.f32 v6, v3  }
0x7c: {  	v9 =	vld [tilespmem:s10+$0xA410];
	[tilespmem:s8+$0xA420] =	vst v8;
	v4 =	vadd.f32 v4, v0  }
.Ltmp2:
0x7d: {  	v8 =	vld [tilespmem:s10+$0xA420];
	[tilespmem:s8+$0xA430] =	vst v6;
	v5 =	vadd.f32 v5, v1;
	(pc) =	sbr.rel @p1 .LBB2_7-.Ltmp2, $4  }
0x7e: {  	v6 =	vld [tilespmem:s10+$0xA430];
	[tilespmem:s8+$0xA480] =	vst v4;
	v7 =	vadd.f32 v7, v2  }
0x7f: {  	v4 =	vld [tilespmem:s10+$0xA480];
	[tilespmem:s8+$0xA490] =	vst v5;
	v12 =	vadd.f32 v10, v3  }
0x80: {  	v10 =	vadd.f32 v11, v0;
	v5 =	vld [tilespmem:s10+$0xA490];
	[tilespmem:s8+$0xA4A0] =	vst v7  }
0x81: {  	s9 =	sadd.s32 $0x400, s9;
	v9 =	vadd.f32 v9, v1;
	v7 =	vld [tilespmem:s10+$0xA4A0];
	[tilespmem:s8+$0xA4B0] =	vst v12;
	s8 =	smov.u32 s10  }
0x82: {  	[tilespmem:s8+$0xA400] =	vst v10;
	v8 =	vadd.f32 v8, v2;
	v10 =	vld [tilespmem:s8+$0xA4B0]  }
0x83: {  	[tilespmem:s8+$0xA410] =	vst v9;
	v6 =	vadd.f32 v6, v3  }
0x84: {  	[tilespmem:s8+$0xA420] =	vst v8;
	v4 =	vadd.f32 v4, v0  }
0x85: {  	[tilespmem:s8+$0xA430] =	vst v6;
	v5 =	vadd.f32 v5, v1  }
0x86: {  	s9 =	rddreg [dreg:$0x6];
	[tilespmem:s8+$0xA480] =	vst v4;
	v4 =	vadd.f32 v7, v2  }
0x87: {  	s9 =	sadd.s32 s26, s9;
	[tilespmem:s8+$0xA490] =	vst v5;
	v5 =	vadd.f32 v10, v3  }
0x88: {  	s9 =	sshll.u32 s9, $0x4;
	[tilespmem:s8+$0xA4A0] =	vst v4  }
0x89: {  	s10 =	simm.s32 $0xA400;
	s9 =	sadd.s32 s5, s9;
	[tilespmem:s8+$0xA4B0] =	vst v5  }
0x8a: {  	[hbm4b:s9+s2] =	stream.linear.scatter [tilespmem:s10], [sflag:$0xB], $0x2000, $0x38;
	[tilespmem:$0x16480] =	vst v63  }
0x8b: {  	_ =	swait.ge [sflag:s14], $0x2000  }
0x8c: {  	s8 =	sadd.s32 @!p0 $0x240, s24;
	[sflag:s14] =	ssyncset.done $0x0  }
0x8d: {  	s9 =	simm.s32 @!p0 $0x40;
	s10 =	simm.s32 @!p0 $0x8400;
	[sflag:s14] =	ssyncadd.s32 $0xFFFFE000  }
0x8e: {  	[tilespmem:s10], [sflag:$0x2] =	stream.indirect.gather @!p0 [hbm4b:s3+s9], $0x80, s8, s9, $0xb8;
	[tilespmem:$0x16480] =	vst v63  }
0x8f: {  	_ =	swait.ge [sflag:s19], $0x2000  }
0x90: {  	[sflag:s19] =	ssyncset.done $0x0  }
0x91: {  	s8 =	simm.s32 $0x0;
	[sflag:s19] =	ssyncadd.s32 $0xFFFFE000  }
0x92: {  	v7 =	vld [tilespmem:s8+$0xC400]  }
0x93: {  	v9 =	vld [tilespmem:s8+$0xC410]  }
0x94: {  	v8 =	vld [tilespmem:s8+$0xC420]  }
0x95: {  	v6 =	vld [tilespmem:s8+$0xC430]  }
0x96: {  	v4 =	vld [tilespmem:s8+$0xC480]  }
0x97: {  	v5 =	vld [tilespmem:s8+$0xC490];
	v10 =	vadd.f32 v7, v0  }
0x98: {  	s9 =	simm.s32 $0x400;
	v9 =	vadd.f32 v9, v1;
	v7 =	vld [tilespmem:s8+$0xC4A0]  }
.LBB2_9:
0x99: {  	s10 =	sshra.s32 s9, $0x2;
	p1 =	sne.s32 s9, $0x7C00;
	[tilespmem:s8+$0xC400] =	vst v10;
	v8 =	vadd.f32 v8, v2;
	v10 =	vld [tilespmem:s8+$0xC4B0]  }
0x9a: {  	v11 =	vld [tilespmem:s10+$0xC400];
	[tilespmem:s8+$0xC410] =	vst v9;
	v6 =	vadd.f32 v6, v3  }
0x9b: {  	v9 =	vld [tilespmem:s10+$0xC410];
	[tilespmem:s8+$0xC420] =	vst v8;
	v4 =	vadd.f32 v4, v0  }
.Ltmp3:
0x9c: {  	v8 =	vld [tilespmem:s10+$0xC420];
	[tilespmem:s8+$0xC430] =	vst v6;
	v5 =	vadd.f32 v5, v1;
	(pc) =	sbr.rel @p1 .LBB2_9-.Ltmp3, $4  }
0x9d: {  	v6 =	vld [tilespmem:s10+$0xC430];
	[tilespmem:s8+$0xC480] =	vst v4;
	v7 =	vadd.f32 v7, v2  }
0x9e: {  	v4 =	vld [tilespmem:s10+$0xC480];
	[tilespmem:s8+$0xC490] =	vst v5;
	v12 =	vadd.f32 v10, v3  }
0x9f: {  	v10 =	vadd.f32 v11, v0;
	v5 =	vld [tilespmem:s10+$0xC490];
	[tilespmem:s8+$0xC4A0] =	vst v7  }
0xa0: {  	s9 =	sadd.s32 $0x400, s9;
	v9 =	vadd.f32 v9, v1;
	v7 =	vld [tilespmem:s10+$0xC4A0];
	[tilespmem:s8+$0xC4B0] =	vst v12;
	s8 =	smov.u32 s10  }
0xa1: {  	[tilespmem:s8+$0xC400] =	vst v10;
	v8 =	vadd.f32 v8, v2;
	v10 =	vld [tilespmem:s8+$0xC4B0]  }
0xa2: {  	[tilespmem:s8+$0xC410] =	vst v9;
	v6 =	vadd.f32 v6, v3  }
0xa3: {  	[tilespmem:s8+$0xC420] =	vst v8;
	v4 =	vadd.f32 v4, v0  }
0xa4: {  	[tilespmem:s8+$0xC430] =	vst v6;
	v5 =	vadd.f32 v5, v1  }
0xa5: {  	s9 =	rddreg [dreg:$0x7];
	[tilespmem:s8+$0xC480] =	vst v4;
	v4 =	vadd.f32 v7, v2  }
0xa6: {  	s9 =	sadd.s32 s26, s9;
	[tilespmem:s8+$0xC490] =	vst v5;
	v5 =	vadd.f32 v10, v3  }
0xa7: {  	s9 =	sshll.u32 s9, $0x4;
	[tilespmem:s8+$0xC4A0] =	vst v4  }
0xa8: {  	s10 =	simm.s32 $0xC400;
	s9 =	sadd.s32 s5, s9;
	[tilespmem:s8+$0xC4B0] =	vst v5  }
0xa9: {  	[hbm4b:s9+s2] =	stream.linear.scatter [tilespmem:s10], [sflag:$0xC], $0x2000, $0x38;
	[tilespmem:$0x16480] =	vst v63  }
0xaa: {  	_ =	swait.ge [sflag:s21], $0x2000  }
0xab: {  	s8 =	sadd.s32 @!p0 $0x280, s24;
	[sflag:s21] =	ssyncset.done $0x0  }
0xac: {  	s9 =	simm.s32 @!p0 $0x40;
	s10 =	simm.s32 @!p0 $0xA400;
	[sflag:s21] =	ssyncadd.s32 $0xFFFFE000  }
0xad: {  	[tilespmem:s10], [sflag:$0x3] =	stream.indirect.gather @!p0 [hbm4b:s3+s9], $0x80, s8, s9, $0xb8;
	[tilespmem:$0x16480] =	vst v63  }
0xae: {  	_ =	swait.ge [sflag:s23], $0x2000  }
0xaf: {  	[sflag:s23] =	ssyncset.done $0x0  }
0xb0: {  	s8 =	simm.s32 $0x0;
	[sflag:s23] =	ssyncadd.s32 $0xFFFFE000  }
0xb1: {  	v7 =	vld [tilespmem:s8+$0xE400]  }
0xb2: {  	v9 =	vld [tilespmem:s8+$0xE410]  }
0xb3: {  	v8 =	vld [tilespmem:s8+$0xE420]  }
0xb4: {  	v6 =	vld [tilespmem:s8+$0xE430]  }
0xb5: {  	v4 =	vld [tilespmem:s8+$0xE480]  }
0xb6: {  	v5 =	vld [tilespmem:s8+$0xE490];
	v10 =	vadd.f32 v7, v0  }
0xb7: {  	s9 =	simm.s32 $0x400;
	v9 =	vadd.f32 v9, v1;
	v7 =	vld [tilespmem:s8+$0xE4A0]  }
.LBB2_11:
0xb8: {  	s10 =	sshra.s32 s9, $0x2;
	p1 =	sne.s32 s9, $0x7C00;
	[tilespmem:s8+$0xE400] =	vst v10;
	v8 =	vadd.f32 v8, v2;
	v10 =	vld [tilespmem:s8+$0xE4B0]  }
0xb9: {  	v11 =	vld [tilespmem:s10+$0xE400];
	[tilespmem:s8+$0xE410] =	vst v9;
	v6 =	vadd.f32 v6, v3  }
0xba: {  	v9 =	vld [tilespmem:s10+$0xE410];
	[tilespmem:s8+$0xE420] =	vst v8;
	v4 =	vadd.f32 v4, v0  }
.Ltmp4:
0xbb: {  	v8 =	vld [tilespmem:s10+$0xE420];
	[tilespmem:s8+$0xE430] =	vst v6;
	v5 =	vadd.f32 v5, v1;
	(pc) =	sbr.rel @p1 .LBB2_11-.Ltmp4, $4  }
0xbc: {  	v6 =	vld [tilespmem:s10+$0xE430];
	[tilespmem:s8+$0xE480] =	vst v4;
	v7 =	vadd.f32 v7, v2  }
0xbd: {  	v4 =	vld [tilespmem:s10+$0xE480];
	[tilespmem:s8+$0xE490] =	vst v5;
	v12 =	vadd.f32 v10, v3  }
0xbe: {  	v10 =	vadd.f32 v11, v0;
	v5 =	vld [tilespmem:s10+$0xE490];
	[tilespmem:s8+$0xE4A0] =	vst v7  }
0xbf: {  	s9 =	sadd.s32 $0x400, s9;
	v9 =	vadd.f32 v9, v1;
	v7 =	vld [tilespmem:s10+$0xE4A0];
	[tilespmem:s8+$0xE4B0] =	vst v12;
	s8 =	smov.u32 s10  }
0xc0: {  	[tilespmem:s8+$0xE400] =	vst v10;
	v8 =	vadd.f32 v8, v2;
	v10 =	vld [tilespmem:s8+$0xE4B0]  }
0xc1: {  	[tilespmem:s8+$0xE410] =	vst v9;
	v6 =	vadd.f32 v6, v3  }
0xc2: {  	[tilespmem:s8+$0xE420] =	vst v8;
	v4 =	vadd.f32 v4, v0  }
0xc3: {  	[tilespmem:s8+$0xE430] =	vst v6;
	v5 =	vadd.f32 v5, v1  }
0xc4: {  	[tilespmem:s8+$0xE480] =	vst v4;
	v4 =	vadd.f32 v7, v2  }
0xc5: {  	s9 =	sadd.s32 s26, s11;
	[tilespmem:s8+$0xE490] =	vst v5;
	v5 =	vadd.f32 v10, v3  }
0xc6: {  	s9 =	sshll.u32 s9, $0x4;
	[tilespmem:s8+$0xE4A0] =	vst v4  }
0xc7: {  	s10 =	simm.s32 $0xE400;
	s9 =	sadd.s32 s5, s9;
	[tilespmem:s8+$0xE4B0] =	vst v5  }
0xc8: {  	[hbm4b:s9+s2] =	stream.linear.scatter [tilespmem:s10], [sflag:$0xD], $0x2000, $0x38;
	[tilespmem:$0x16480] =	vst v63  }
0xc9: {  	_ =	swait.ge [sflag:s25], $0x2000  }
0xca: {  	s8 =	sadd.s32 @!p0 $0x2C0, s24;
	[sflag:s25] =	ssyncset.done $0x0  }
0xcb: {  	s9 =	simm.s32 @!p0 $0x40;
	s10 =	simm.s32 @!p0 $0xC400;
	[sflag:s25] =	ssyncadd.s32 $0xFFFFE000  }
0xcc: {  	[tilespmem:s10], [sflag:$0x4] =	stream.indirect.gather @!p0 [hbm4b:s3+s9], $0x80, s8, s9, $0xb8;
	[tilespmem:$0x16480] =	vst v63  }
0xcd: {  	_ =	swait.ge [sflag:s4], $0x2000  }
0xce: {  	[sflag:s4] =	ssyncset.done $0x0  }
0xcf: {  	s8 =	simm.s32 $0x0;
	[sflag:s4] =	ssyncadd.s32 $0xFFFFE000  }
0xd0: {  	v7 =	vld [tilespmem:s8+$0x10400]  }
0xd1: {  	v9 =	vld [tilespmem:s8+$0x10410]  }
0xd2: {  	v8 =	vld [tilespmem:s8+$0x10420]  }
0xd3: {  	v6 =	vld [tilespmem:s8+$0x10430]  }
0xd4: {  	v4 =	vld [tilespmem:s8+$0x10480]  }
0xd5: {  	v5 =	vld [tilespmem:s8+$0x10490];
	v10 =	vadd.f32 v7, v0  }
0xd6: {  	s9 =	simm.s32 $0x400;
	v9 =	vadd.f32 v9, v1;
	v7 =	vld [tilespmem:s8+$0x104A0]  }
.LBB2_13:
0xd7: {  	s10 =	sshra.s32 s9, $0x2;
	p1 =	sne.s32 s9, $0x7C00;
	[tilespmem:s8+$0x10400] =	vst v10;
	v8 =	vadd.f32 v8, v2;
	v10 =	vld [tilespmem:s8+$0x104B0]  }
0xd8: {  	v11 =	vld [tilespmem:s10+$0x10400];
	[tilespmem:s8+$0x10410] =	vst v9;
	v6 =	vadd.f32 v6, v3  }
0xd9: {  	v9 =	vld [tilespmem:s10+$0x10410];
	[tilespmem:s8+$0x10420] =	vst v8;
	v4 =	vadd.f32 v4, v0  }
.Ltmp5:
0xda: {  	v8 =	vld [tilespmem:s10+$0x10420];
	[tilespmem:s8+$0x10430] =	vst v6;
	v5 =	vadd.f32 v5, v1;
	(pc) =	sbr.rel @p1 .LBB2_13-.Ltmp5, $4  }
0xdb: {  	v6 =	vld [tilespmem:s10+$0x10430];
	[tilespmem:s8+$0x10480] =	vst v4;
	v7 =	vadd.f32 v7, v2  }
0xdc: {  	v4 =	vld [tilespmem:s10+$0x10480];
	[tilespmem:s8+$0x10490] =	vst v5;
	v12 =	vadd.f32 v10, v3  }
0xdd: {  	v10 =	vadd.f32 v11, v0;
	v5 =	vld [tilespmem:s10+$0x10490];
	[tilespmem:s8+$0x104A0] =	vst v7  }
0xde: {  	s9 =	sadd.s32 $0x400, s9;
	v9 =	vadd.f32 v9, v1;
	v7 =	vld [tilespmem:s10+$0x104A0];
	[tilespmem:s8+$0x104B0] =	vst v12;
	s8 =	smov.u32 s10  }
0xdf: {  	[tilespmem:s8+$0x10400] =	vst v10;
	v8 =	vadd.f32 v8, v2;
	v10 =	vld [tilespmem:s8+$0x104B0]  }
0xe0: {  	[tilespmem:s8+$0x10410] =	vst v9;
	v6 =	vadd.f32 v6, v3  }
0xe1: {  	[tilespmem:s8+$0x10420] =	vst v8;
	v4 =	vadd.f32 v4, v0  }
0xe2: {  	[tilespmem:s8+$0x10430] =	vst v6;
	v5 =	vadd.f32 v5, v1  }
0xe3: {  	[tilespmem:s8+$0x10480] =	vst v4;
	v4 =	vadd.f32 v7, v2  }
0xe4: {  	s9 =	sadd.s32 s26, s12;
	[tilespmem:s8+$0x10490] =	vst v5;
	v5 =	vadd.f32 v10, v3  }
0xe5: {  	s9 =	sshll.u32 s9, $0x4;
	[tilespmem:s8+$0x104A0] =	vst v4  }
0xe6: {  	s26 =	simm.s32 $0x10400;
	s10 =	sadd.s32 s5, s9;
	[tilespmem:s8+$0x104B0] =	vst v5  }
0xe7: {  	[hbm4b:s10+s2] =	stream.linear.scatter [tilespmem:s26], [sflag:$0xE], $0x2000, $0x38;
	[tilespmem:$0x16480] =	vst v63  }
0xe8: {  	_ =	swait.ge [sflag:s6], $0x2000  }
0xe9: {  	s9 =	simm.s32 @!p0 $0x40;
	[sflag:s6] =	ssyncset.done $0x0  }
0xea: {  	s8 =	sadd.s32 @!p0 $0x300, s24;
	s10 =	simm.s32 @!p0 $0xE400;
	[sflag:s6] =	ssyncadd.s32 $0xFFFFE000  }
0xeb: {  	[tilespmem:s10], [sflag:$0x5] =	stream.indirect.gather @!p0 [hbm4b:s3+s9], $0x80, s8, s9, $0xb8;
	[tilespmem:$0x16480] =	vst v63  }
0xec: {  	_ =	swait.ge [sflag:s13], $0x2000  }
0xed: {  	[sflag:s13] =	ssyncset.done $0x0  }
0xee: {  	s26 =	simm.s32 $0x0;
	[sflag:s13] =	ssyncadd.s32 $0xFFFFE000  }
0xef: {  	v7 =	vld [tilespmem:s26+$0x12400]  }
0xf0: {  	v9 =	vld [tilespmem:s26+$0x12410]  }
0xf1: {  	v8 =	vld [tilespmem:s26+$0x12420]  }
0xf2: {  	v6 =	vld [tilespmem:s26+$0x12430]  }
0xf3: {  	v4 =	vld [tilespmem:s26+$0x12480]  }
0xf4: {  	v5 =	vld [tilespmem:s26+$0x12490];
	v10 =	vadd.f32 v7, v0  }
0xf5: {  	s8 =	simm.s32 $0x400;
	v9 =	vadd.f32 v9, v1;
	v7 =	vld [tilespmem:s26+$0x124A0]  }
.LBB2_15:
0xf6: {  	s9 =	sshra.s32 s8, $0x2;
	p1 =	sne.s32 s8, $0x7C00;
	[tilespmem:s26+$0x12400] =	vst v10;
	v8 =	vadd.f32 v8, v2;
	v10 =	vld [tilespmem:s26+$0x124B0]  }
0xf7: {  	v11 =	vld [tilespmem:s9+$0x12400];
	[tilespmem:s26+$0x12410] =	vst v9;
	v6 =	vadd.f32 v6, v3  }
0xf8: {  	v9 =	vld [tilespmem:s9+$0x12410];
	[tilespmem:s26+$0x12420] =	vst v8;
	v4 =	vadd.f32 v4, v0  }
.Ltmp6:
0xf9: {  	v8 =	vld [tilespmem:s9+$0x12420];
	[tilespmem:s26+$0x12430] =	vst v6;
	v5 =	vadd.f32 v5, v1;
	(pc) =	sbr.rel @p1 .LBB2_15-.Ltmp6, $4  }
0xfa: {  	v6 =	vld [tilespmem:s9+$0x12430];
	[tilespmem:s26+$0x12480] =	vst v4;
	v7 =	vadd.f32 v7, v2  }
0xfb: {  	v4 =	vld [tilespmem:s9+$0x12480];
	[tilespmem:s26+$0x12490] =	vst v5;
	v12 =	vadd.f32 v10, v3  }
0xfc: {  	v10 =	vadd.f32 v11, v0;
	v5 =	vld [tilespmem:s9+$0x12490];
	[tilespmem:s26+$0x124A0] =	vst v7  }
0xfd: {  	s8 =	sadd.s32 $0x400, s8;
	v9 =	vadd.f32 v9, v1;
	v7 =	vld [tilespmem:s9+$0x124A0];
	[tilespmem:s26+$0x124B0] =	vst v12;
	s26 =	smov.u32 s9  }
0xfe: {  	[tilespmem:s26+$0x12400] =	vst v10;
	v8 =	vadd.f32 v8, v2;
	v10 =	vld [tilespmem:s26+$0x124B0]  }
0xff: {  	[tilespmem:s26+$0x12410] =	vst v9;
	v6 =	vadd.f32 v6, v3  }
0x100: {  	[tilespmem:s26+$0x12420] =	vst v8;
	v4 =	vadd.f32 v4, v0  }
0x101: {  	[tilespmem:s26+$0x12430] =	vst v6;
	v5 =	vadd.f32 v5, v1  }
0x102: {  	s8 =	sshll.u32 s20, $0xD;
	[tilespmem:s26+$0x12480] =	vst v4;
	v4 =	vadd.f32 v7, v2  }
0x103: {  	s8 =	sadd.s32 s7, s8;
	[tilespmem:s26+$0x12490] =	vst v5;
	v5 =	vadd.f32 v10, v3  }
0x104: {  	s8 =	sshrl.u32 s8, $0x3;
	[tilespmem:s26+$0x124A0] =	vst v4  }
0x105: {  	s8 =	sadd.s32 s5, s8;
	[tilespmem:s26+$0x124B0] =	vst v5  }
0x106: {  	[hbm4b:s8+s2] =	stream.linear.scatter [tilespmem:s28], [sflag:$0xF], $0x2000, $0x38;
	[tilespmem:$0x16480] =	vst v63  }
0x107: {  	_ =	swait.ge [sflag:s15], $0x2000  }
0x108: {  	s9 =	simm.s32 @!p0 $0x40;
	[sflag:s15] =	ssyncset.done $0x0  }
0x109: {  	s10 =	simm.s32 @!p0 $0x10400;
	s8 =	sadd.s32 @!p0 $0x340, s24;
	[sflag:s15] =	ssyncadd.s32 $0xFFFFE000  }
0x10a: {  	[tilespmem:s10], [sflag:$0x6] =	stream.indirect.gather @!p0 [hbm4b:s3+s9], $0x80, s8, s9, $0xb8;
	[tilespmem:$0x16480] =	vst v63  }
0x10b: {  	_ =	swait.ge [sflag:s17], $0x2000  }
0x10c: {  	[sflag:s17] =	ssyncset.done $0x0  }
0x10d: {  	s20 =	simm.s32 $0x0;
	[sflag:s17] =	ssyncadd.s32 $0xFFFFE000  }
0x10e: {  	v7 =	vld [tilespmem:s20+$0x14400]  }
0x10f: {  	v9 =	vld [tilespmem:s20+$0x14410]  }
0x110: {  	v8 =	vld [tilespmem:s20+$0x14420]  }
0x111: {  	v6 =	vld [tilespmem:s20+$0x14430]  }
0x112: {  	v4 =	vld [tilespmem:s20+$0x14480]  }
0x113: {  	v5 =	vld [tilespmem:s20+$0x14490];
	v10 =	vadd.f32 v7, v0  }
0x114: {  	s8 =	simm.s32 $0x400;
	v9 =	vadd.f32 v9, v1;
	v7 =	vld [tilespmem:s20+$0x144A0]  }
.LBB2_17:
0x115: {  	s9 =	sshra.s32 s8, $0x2;
	p0 =	sne.s32 s8, $0x7C00;
	[tilespmem:s20+$0x14400] =	vst v10;
	v8 =	vadd.f32 v8, v2;
	v10 =	vld [tilespmem:s20+$0x144B0]  }
0x116: {  	v11 =	vld [tilespmem:s9+$0x14400];
	[tilespmem:s20+$0x14410] =	vst v9;
	v6 =	vadd.f32 v6, v3  }
0x117: {  	v9 =	vld [tilespmem:s9+$0x14410];
	[tilespmem:s20+$0x14420] =	vst v8;
	v4 =	vadd.f32 v4, v0  }
.Ltmp7:
0x118: {  	v8 =	vld [tilespmem:s9+$0x14420];
	[tilespmem:s20+$0x14430] =	vst v6;
	v5 =	vadd.f32 v5, v1;
	(pc) =	sbr.rel @p0 .LBB2_17-.Ltmp7, $4  }
0x119: {  	v6 =	vld [tilespmem:s9+$0x14430];
	[tilespmem:s20+$0x14480] =	vst v4;
	v7 =	vadd.f32 v7, v2  }
0x11a: {  	v4 =	vld [tilespmem:s9+$0x14480];
	[tilespmem:s20+$0x14490] =	vst v5;
	v12 =	vadd.f32 v10, v3  }
0x11b: {  	v10 =	vadd.f32 v11, v0;
	v5 =	vld [tilespmem:s9+$0x14490];
	[tilespmem:s20+$0x144A0] =	vst v7  }
0x11c: {  	s8 =	sadd.s32 $0x400, s8;
	v9 =	vadd.f32 v9, v1;
	v7 =	vld [tilespmem:s9+$0x144A0];
	[tilespmem:s20+$0x144B0] =	vst v12;
	s20 =	smov.u32 s9  }
0x11d: {  	[tilespmem:s20+$0x14400] =	vst v10;
	v8 =	vadd.f32 v8, v2;
	v63 =	vld [tilespmem:s20+$0x144B0]  }
0x11e: {  	[tilespmem:s20+$0x14410] =	vst v9;
	v6 =	vadd.f32 v6, v3  }
0x11f: {  	s18 =	sadd.s32 $0x1, s18;
	[tilespmem:s20+$0x14420] =	vst v8;
	v4 =	vadd.f32 v4, v0  }
0x120: {  	p0 =	sne.s32 s18, $0x32;
	[tilespmem:s20+$0x14430] =	vst v6;
	v5 =	vadd.f32 v5, v1  }
.Ltmp8:
0x121: {  	s8 =	sshll.u32 s22, $0xD;
	[tilespmem:s20+$0x14480] =	vst v4;
	v4 =	vadd.f32 v7, v2;
	(pc) =	sbr.rel @p0 .LBB2_2-.Ltmp8, $4  }
0x122: {  	s8 =	sadd.s32 s7, s8;
	[tilespmem:s20+$0x14490] =	vst v5;
	v5 =	vadd.f32 v63, v3  }
0x123: {  	s8 =	sshrl.u32 s8, $0x3;
	[tilespmem:s20+$0x144A0] =	vst v4  }
0x124: {  	s8 =	sadd.s32 s5, s8;
	[tilespmem:s20+$0x144B0] =	vst v5  }
0x125: {  	[hbm4b:s8+s2] =	stream.linear.scatter [tilespmem:s30], [sflag:$0x10], $0x2000, $0x38;
	[tilespmem:$0x16480] =	vst v63  }
0x126: {  	s8 =	simm.s32 $0xF  }
0x127: {  	_ =	swait.ge [sflag:s8], $0x2000  }
0x128: {  	[sflag:s8] =	ssyncset.done $0x0  }
0x129: {  	s9 =	simm.s32 $0x10;
	[sflag:s8] =	ssyncadd.s32 $0xFFFFE000  }
0x12a: {  	_ =	swait.ge [sflag:s9], $0x2000  }
0x12b: {  	s10 =	rddreg [dreg:$0x9]  }
0x12c: {  	s26 =	rddreg [dreg:$0x8];
	s10 =	sadd.s32 $0x1, s10  }
0x12d: {  	p0 =	sne.s32 s10, s26  }
.Ltmp9:
0x12e: {  	_ = 	snop;
	(pc) =	sbr.rel @p0 .LBB2_1-.Ltmp9, $3  }
0x12f: {  	_ =	sdelay $0x1  }
0x130: {  	[sflag:s9] =	ssyncset.done $0x0  }
0x131: {  	[sflag:s9] =	ssyncadd.s32 $0xFFFFE000  }
0x132: {  	_ =	sfence.sel $0x180000  }
0x133: {  	[bflag:$0x0] =	sbarrier.arrive $0xFFFF  }
0x134: {  	_ =	strace $0x90000047  }
0x135: {  	s0 =	stileid.u32;
	[bflag:$0x2] =	sbarrier.arrive $0xFFFF  }
0x136: {  	p0 =	sne.s32 s0, $0x0;
	s0 =	rddreg [dreg:$0x2]  }
0x137: {  	s0 =	sadd.s32 @!p0 $0x100000, s0  }
0x138: {  	[sflag:s0] =	ssyncadd.tile.s32 @!p0 $0x1;
	_ =	shalt  }
.Lfunc_end2:
_tile_overlayer_lowered:
.L_overlay_start_2:
0x139: {  	(tag) =	ssettag $0x2  }
0x13a: {  	s0 =	rddreg [dreg:$0x0];
	s2 =	stileid.u32  }
0x13b: {  	s1 =	rddreg [dreg:$0x1];
	p0 =	sne.s32 s2, $0x0  }
0x13c: {  	s3 =	rddreg [dreg:$0x2];
	[bflag:$0x3] =	sbarrier.arrive $0xFFFF;
	s2 =	simm.s32 @!p0 $0x1C11  }
0x13d: {  	[timem:s3], [sflag:s2] =	dma.local @!p0 [hbm:s0], s1  }
0x13e: {  	s0 =	simm.s32 @!p0 $0x11  }
0x13f: {  	_ =	swait.ge @!p0 [sflag:s0], s1  }
0x140: {  	s1 =	ssub.s32 @!p0 $0x0, s1;
	[sflag:s0] =	ssyncset.done @!p0 $0x0  }
0x141: {  	[sflag:s0] =	ssyncadd.s32 @!p0 s1  }
0x142: {  	[bflag:$0x3] =	sbarrier.arrive $0xFFFF  }
0x143: {  	_ =	shalt  }

// kernel: sparse-core-data-format-call.cloned.1.call-start
scs
called_computation_lowered:
.L_overlay_start_0:
0x0: {  	s2 =	sld [smem:$0x3FD9]  }
0x1: {  	s3 =	sld [smem:$0x3FFE];
	_ =	sdelay $0x1  }
0x2: {  	s1 =	srdreg.scid  }
0x3: {  	s0 =	sand.u32 $0x1, s1  }
0x4: {  	s18 =	sshll.u32 s0, $0xA;
	s2 =	sadd.s32 s3, s2  }
0x5: {  	s2 =	sadd.s32 s2, s18  }
0x6: {  	[smem:$0x3FC6] =	sst s2  }
0x7: {  	_ = 	snop  }
0x8: {  	s2 =	sld [smem:$0x3FD0];
	(tm) =	ssettm $0x1  }
0x9: {  	s19 =	sld [smem:$0x3FFB];
	_ =	sdelay $0x3  }
0xa: {  	_ =	strace s19  }
0xb: {  	s3 =	sld [smem:$0x3FFC];
	_ =	sdelay $0x3  }
0xc: {  	_ =	strace s3  }
0xd: {  	s3 =	sld [smem:$0x3FFD];
	_ =	sdelay $0x3  }
0xe: {  	_ =	strace s3  }
0xf: {  	_ =	strace $0x8FFFFFFF  }
0x10: {  	s20 =	sld [smem:$0x3FDB];
	_ =	sdelay $0x1  }
0x11: {  	s4 =	simm.s32 $_scs_section_size  }
0x12: {  	s5 =	simm.s32 $_size__tile_overlayer_lowered;
	s6 =	simm.s32 $_tile_overlayer_lowered  }
0x13: {  	s23 =	simm.s32 $0x1BFF;
	s22 =	sshll.u32 s6, $0x1;
	s3 =	sadd.s32 s4, s20  }
0x14: {  	s7 =	simm.s32 $0x0;
	s21 =	sshll.u32 s5, $0x1;
	s5 =	sadd.s32 s22, s3  }
0x15: {  	[timem:s7], [sflag:s23] =	dma.local [hbm:s5], s21  }
0x16: {  	_ =	swait.ge [sflag:s23], s21  }
0x17: {  	s4 =	ssub.s32 $0x0, s21;
	[sflag:s23] =	ssyncset.done $0x0  }
0x18: {  	[sflag:s23] =	ssyncadd.s32 s4;
	_ =	sdelay $0x1  }
0x19: {  	s24 =	simm.s32 $0x1B8B  }
0x1a: {  	_ =	swait.ge [sflag:s24], $0x1  }
0x1b: {  	[sflag:s24] =	ssyncset.done $0x0  }
0x1c: {  	s26 =	simm.s32 $0x1B8E;
	s25 =	sld [smem:$0x3FFE];
	[sflag:s24] =	ssyncadd.s32 $0xFFFFFFFF  }
0x1d: {  	s27 =	simm.s32 $execute0_lowered;
	[smem:$0x3FD2] =	sst s26  }
0x1e: {  	s5 =	sshll.u32 s27, $0x1;
	_ =	strace $0x80000049;
	[dreg:$0x1] =	wrdreg $0xFFFFFFFF  }
0x1f: {  	s28 =	simm.s32 $_size_execute0_lowered;
	s3 =	sadd.s32 s3, s5;
	[dreg:$0x0] =	wrdreg $0x0  }
0x20: {  	s5 =	sshll.u32 s28, $0x1;
	[dreg:$0x2] =	wrdreg s3  }
0x21: {  	[dreg:$0x3] =	wrdreg s5  }
0x22: {  	[dreg:$0x4] =	wrdreg $0xC0  }
0x23: {  	_ =	task [dreg:s7], $0x5FFFF  }
0x24: {  	[dreg:$0x1] =	wrdreg $0xFFFFFFFF  }
0x25: {  	[dreg:$0x0] =	wrdreg $0x60  }
0x26: {  	[dreg:$0x2] =	wrdreg s25  }
0x27: {  	[dreg:$0x3] =	wrdreg s2  }
0x28: {  	[dreg:$0x4] =	wrdreg $0x9  }
0x29: {  	_ =	task.clear_ibuf [dreg:s7], $0x5FFFF;
	_ =	strace $0x90000049  }
0x2a: {  	s29 =	simm.s32 $0x9;
	_ =	strace $0x8000004B  }
0x2b: {  	_ =	swait.ge [sflag:s29], $0x1  }
0x2c: {  	[sflag:s29] =	ssyncadd.s32 $0xFFFFFFFF  }
0x2d: {  	_ =	strace $0x9000004B  }
0x2e: {  	_ =	sfence  }
0x2f: {  	s30 =	sld [smem:$0x0];
	_ =	sdelay $0x2  }
0x30: {  	s31 =	sshll.u32 s1, $0xD;
	s1 =	sshrl.u32 s1, $0x2  }
0x31: {  	s3 =	sand.u32 $0x4000, s31;
	s1 =	sadd.s32 s1, s30  }
0x32: {  	s0 =	sor.u32 s3, s0;
	s1 =	sshll.u32 s1, $0x11  }
0x33: {  	s0 =	sor.u32 s1, s0  }
0x34: {  	s0 =	sadd.s32 $0x8F2B, s0  }
0x35: {  	[sflag:s0] =	ssyncadd.remote.s32 $0x1  }
0x36: {  	_ =	sfence.sel $0xFFFF  }
0x37: {  	[dreg:$0x0] =	wrdreg $0xFFFFFFFF;
	(pc) =	sbr.abs _section_cstart, $3  }
0x38: {  	[dreg:$0x1] =	wrdreg $0xFFFFFFFF  }
0x39: {  	_ =	task.clear_ibuf [dreg:s7], $0x2FFFF;
	_ =	strace $0x9FFFFFFF  }
0x3a: {  	(tm) =	ssettm $0x7FFFFFFF  }
0x3b: {  	_ =	shalt  }
tec
execute0_lowered:
.L_overlay_start_1:
0x0: {  	(tag) =	ssettag $0x1  }
0x1: {  	s0 =	srdreg.scid  }
0x2: {  	s1 =	sshll.u32 s0, $0x4  }
0x3: {  	s5 =	rddreg [dreg:$0x0];
	s0 =	stileid.u32;
	s1 =	sand.u32 $0x10, s1  }
0x4: {  	s3 =	rddreg [dreg:$0x1];
	s31 =	simm.s32 $0x2;
	s4 =	sor.u32 s0, s1  }
0x5: {  	s13 =	simm.s32 $0x0;
	s9 =	simm.s32 $0x400;
	s2 =	sshll.u32 s4, $0x7  }
0x6: {  	s10 =	simm.s32 $0x8000;
	s14 =	simm.s32 $0x0;
	s6 =	ssub.s32 $0x1000, s2  }
0x7: {  	s1 =	rddreg [dreg:$0x2];
	_ =	strace $0x8000004A;
	s7 =	sand.u32 $0xF80, s6  }
0x8: {  	s4 =	sshll.u32 s4, $0xB;
	p0 =	sne.s32 s7, $0x0;
	s7 =	simm.s32 $0x1  }
.Ltmp0:
0x9: {  	s6 =	sshrl.u32 s6, $0xC;
	s7 =	simm.s32 @!p0 $0x0;
	(pc) =	sbr.rel .LBB1_1-.Ltmp0, $4  }
0xa: {  	s8 =	sadd.s32 s4, s5;
	s4 =	simm.s32 $0x1;
	s30 =	sadd.s32 s7, s6  }
0xb: {  	s11 =	simm.s32 $0x0;
	[sflag:s4] =	ssyncpa.u1 $0x0;
	s5 =	smul.u32 $0x64, s30  }
0xc: {  	s12 =	simm.s32 $0x0;
	[sflag:s31] =	ssyncpa.u1 $0x0;
	p0 =	por $0x0, $0x0  }
0xd: {  	s6 =	sadd.s32 $0xC00, s8;
	s7 =	sadd.s32 $0x10C00, s8;
	s8 =	sor.u32 $0x1, s5  }
.LBB1_7:
0xe: {  	s15 =	sadd.s32 $0x2, s11  }
0xf: {  	p2 =	sgt.s32 s15, $0xC7  }
0x10: {  	s15 =	simm.s32 @p2 $0x0;
	p2 =	sne.s32 s12, s8  }
.Ltmp1:
0x11: {  	p1 =	slt.u32 s12, $0x2;
	(pc) =	sbr.rel @!p2 .LBB1_8-.Ltmp1, $4  }
0x12: {  	s13 =	simm.s32 @!p1 $0x2  }
0x13: {  	s16 =	sadd.s32 $0x1, s12;
	s14 =	smov.u32 s11;
	_ =	swait.ge @!p1 [sflag:s13], $0x4000  }
0x14: {  	p0 =	por !p0, !p0;
	s12 =	smov.u32 s16;
	[sflag:s13] =	ssyncset.done @!p1 $0x0  }
0x15: {  	s11 =	smov.u32 s15;
	[sflag:s13] =	ssyncadd.s32 @!p1 $0xFFFFC000;
	s13 =	smov.u32 s2  }
.LBB1_1:
0x16: {  	p1 =	sge.u32 s12, s5  }
0x17: {  	s15 =	sxor.u32 @!p1 $0xFFFFFFFF, s12  }
0x18: {  	s16 =	sshll.u32 @!p1 s11, $0x10;
	s18 =	simm.s32 @!p1 $0x40;
	s15 =	sshll.u32 @!p1 s15, $0xE  }
0x19: {  	s19 =	simm.s32 @!p1 $0x80;
	s17 =	sadd.s32 @!p1 s16, s6;
	s15 =	sand.u32 @!p1 $0x4000, s15  }
0x1a: {  	[tilespmem:s15], [sflag:$0x1] =	stream.strided.gather @!p1 [hbm4b:s17+s18], $0x2000, s19, s18, $0x38;
	[tilespmem:$0x10100] =	vst v63  }
0x1b: {  	s31 =	sadd.s32 $0xFFFFFFFF, s12;
	s16 =	sadd.s32 @!p1 s16, s7;
	s15 =	sor.u32 @!p1 $0x2000, s15  }
0x1c: {  	[tilespmem:s15], [sflag:$0x1] =	stream.strided.gather @!p1 [hbm4b:s16+s18], $0x2000, s19, s18, $0x38;
	[tilespmem:$0x10100] =	vst v63  }
0x1d: {  	p1 =	sge.u32 s31, s5  }
.Ltmp2:
0x1e: {  	_ = 	snop;
	(pc) =	sbr.rel @p1 .LBB1_7-.Ltmp2, $1  }
0x1f: {  	_ =	sdelay $0x3  }
0x20: {  	s15 =	simm.s32 $0x1;
	s17 =	sand.u32 $0x1, s12  }
0x21: {  	_ =	swait.ge [sflag:s4], $0x4000;
	s15 =	simm.s32 @!p0 $0x0;
	s17 =	smul.u32 $0x10200, s17  }
0x22: {  	p2 =	por $0x1, $0x1;
	[sflag:s4] =	ssyncset.done $0x0;
	s16 =	smul.u32 $0x10200, s15  }
0x23: {  	s18 =	sshll.u32 s15, $0x10;
	[sflag:s4] =	ssyncadd.s32 $0xFFFFC000;
	s30 =	sshrl.u32 s17, $0x2  }
0x24: {  	s31 =	sshrl.u32 s18, $0x2;
	s18 =	simm.s32 $0x0;
	s16 =	sshrl.u32 s16, $0x2  }
0x25: {  	s15 =	sor.u32 $0x8000, s30;
	s17 =	sadd.s32 $0x20, s31;
	s16 =	sor.u32 $0x8000, s16  }
.LBB1_3:
0x26: {  	s19 =	sshll.u32 s18, $0xD  }
0x27: {  	s19 =	sand.u32 $0x3FFFE000, s19  }
0x28: {  	s21 =	sadd.s32 s19, s17  }
0x29: {  	s31 =	smul.u32 $0x8100, s18;
	v3 =	vld [tilespmem:s21+$0x10]  }
0x2a: {  	v1 =	vld [tilespmem:s21+$0xFFFFFFF0]  }
0x2b: {  	s18 =	sshra.s32 s31, $0x2;
	v0 =	vld [tilespmem:s21+$0x0]  }
0x2c: {  	s18 =	sadd.s32 s18, s16;
	v2 =	vld [tilespmem:s21+$0xFFFFFFE0]  }
0x2d: {  	s19 =	sadd.s32 $0x0, s18  }
0x2e: {  	p1 =	por p2, p2;
	s20 =	simm.s32 $0x4;
	s21 =	sadd.s32 $0x40, s21;
	[tilespmem:s19+$0x1830 ss:$0x81] =	vst.msk $0xffff, v3  }
.LBB1_4:
0x2f: {  	v3 =	vld [tilespmem:s21+$0x10];
	p2 =	sne.s32 s20, $0x1FC;
	[tilespmem:s19+$0x810 ss:$0x81] =	vst.msk $0xffff, v1;
	s22 =	smov.u32 s20;
	s20 =	sadd.s32 $0x4, s20  }
.Ltmp3:
0x30: {  	v1 =	vld [tilespmem:s21+$0xFFFFFFF0];
	[tilespmem:s19+$0x1020 ss:$0x81] =	vst.msk $0xffff, v0;
	(pc) =	sbr.rel @p2 .LBB1_4-.Ltmp3, $4  }
0x31: {  	v0 =	vld [tilespmem:s21+$0x0];
	[tilespmem:s19+$0x0 ss:$0x81] =	vst.msk $0xffff, v2  }
0x32: {  	s19 =	sshra.s32 s22, $0x2;
	v2 =	vld [tilespmem:s21+$0xFFFFFFE0]  }
0x33: {  	s19 =	sadd.s32 s19, s18  }
0x34: {  	s21 =	sadd.s32 $0x40, s21;
	[tilespmem:s19+$0x1830 ss:$0x81] =	vst.msk $0xffff, v3  }
.Ltmp4:
0x35: {  	(pc) =	sbr.rel @p1 .LBB1_3-.Ltmp4, $4  }
0x36: {  	_ = 	snop  }
0x37: {  	[tilespmem:s19+$0x810 ss:$0x81] =	vst.msk $0xffff, v1  }
0x38: {  	[tilespmem:s19+$0x1020 ss:$0x81] =	vst.msk $0xffff, v0  }
0x39: {  	s18 =	simm.s32 $0x1;
	p2 =	por $0x0, $0x0;
	[tilespmem:s19+$0x0 ss:$0x81] =	vst.msk $0xffff, v2  }
.Ltmp5:
0x3a: {  	(pc) =	sbr.rel .LBB1_7-.Ltmp5, $4  }
0x3b: {  	s14 =	sshll.u32 s14, $0xF  }
0x3c: {  	s14 =	sadd.s32 s3, s14  }
0x3d: {  	s13 =	sadd.s32 s13, s14  }
0x3e: {  	[hbm4b:s13+s9] =	stream.strided.scatter [tilespmem:s15], [sflag:$0x2], $0x4000, s10, s9, $0x20;
	[tilespmem:$0x10100] =	vst v63  }
.LBB1_8:
0x3f: {  	_ =	sfence.sel $0x180000  }
0x40: {  	s2 =	simm.s32 $0x1;
	[bflag:$0x0] =	sbarrier.arrive $0xFFFF  }
0x41: {  	s31 =	simm.s32 $0x2;
	[sflag:s2] =	ssyncpa.u1 $0x1  }
0x42: {  	[sflag:s31] =	ssyncpa.u1 $0x1  }
0x43: {  	p0 =	sne.s32 s0, $0x0;
	_ =	strace $0x9000004A  }
0x44: {  	s0 =	sadd.s32 @!p0 $0x100000, s1;
	[bflag:$0x2] =	sbarrier.arrive $0xFFFF  }
0x45: {  	[sflag:s0] =	ssyncadd.tile.s32 @!p0 $0x1;
	_ =	shalt  }
.Lfunc_end1:
_tile_overlayer_lowered:
.L_overlay_start_2:
0x46: {  	(tag) =	ssettag $0x2  }
0x47: {  	s0 =	rddreg [dreg:$0x0];
	s2 =	stileid.u32  }
0x48: {  	s1 =	rddreg [dreg:$0x1];
	p0 =	sne.s32 s2, $0x0  }
0x49: {  	s3 =	rddreg [dreg:$0x2];
	[bflag:$0x3] =	sbarrier.arrive $0xFFFF;
	s2 =	simm.s32 @!p0 $0x1C01  }
0x4a: {  	[timem:s3], [sflag:s2] =	dma.local @!p0 [hbm:s0], s1  }
0x4b: {  	s0 =	simm.s32 @!p0 $0x1  }
0x4c: {  	_ =	swait.ge @!p0 [sflag:s0], s1  }
0x4d: {  	s1 =	ssub.s32 @!p0 $0x0, s1;
	[sflag:s0] =	ssyncset.done @!p0 $0x0  }
0x4e: {  	[sflag:s0] =	ssyncadd.s32 @!p0 s1  }
0x4f: {  	[bflag:$0x3] =	sbarrier.arrive $0xFFFF  }
0x50: {  	_ =	shalt  }

</sc_bundles>
